<compile_context>
chip_gen: v7x
topology: tpu7x:2x2x1
jax: 0.10.2.dev20260603
libtpu: 0.0.44.dev20260713+nightly
codegen_flags: <defaults>
</compile_context>

<pallas_src>
import functools

import jax
import jax.numpy as jnp
import numpy as np
from jax import lax
from jax.experimental import pallas as pl
from jax.experimental.pallas import tpu as pltpu
from jax.experimental.pallas import tpu_sc as plsc

EMBED = 128
NBR = 200
BATCH = 1024
FEW = 5
D_MODEL = 256
HID = 512
STEPS = 4

NW = 32
ROWS_PAD = 1056
RPW = ROWS_PAD // NW
NSTREAM = 4
NJ = RPW * NSTREAM
NBUF = 3
C0, C1 = 96, 104


IDX_PW = NJ * NBR
OUT_PW = NJ * EMBED


MASK_HI = -65536


def _sc_gather_sums(table_pk, idx_flat):
    mesh = plsc.VectorSubcoreMesh(core_axis_name="c", subcore_axis_name="s")

    @functools.partial(
        pl.kernel,
        mesh=mesh,
        out_type=jax.ShapeDtypeStruct((ROWS_PAD * 4 * EMBED,), jnp.float32),
        compiler_params=pltpu.CompilerParams(use_tc_tiling_on_sc=False),
        scratch_types=[
            pltpu.VMEM((IDX_PW,), jnp.int32),
            pltpu.VMEM((NBR, EMBED // 2), jnp.int32),
            pltpu.VMEM((NBR, EMBED // 2), jnp.int32),
            pltpu.VMEM((NBR, EMBED // 2), jnp.int32),
            pltpu.VMEM((OUT_PW,), jnp.float32),
            pltpu.SemaphoreType.DMA,
            pltpu.SemaphoreType.DMA,
            pltpu.SemaphoreType.DMA,
        ],
    )
    def sc_fn(table_hbm, idx_hbm, out_hbm, idx_v, b0, b1, b2, ostage,
              s0, s1, s2):
        wid = lax.axis_index("s") * 2 + lax.axis_index("c")
        pltpu.sync_copy(
            idx_hbm.at[pl.ds(pl.multiple_of(wid * IDX_PW, 8), IDX_PW)], idx_v)

        bufs = (b0, b1, b2)
        sems = (s0, s1, s2)

        def issue(j, b):
            off = pl.multiple_of(j * NBR, 8)
            pltpu.async_copy(
                table_hbm.at[idx_v.at[pl.ds(off, C0)]],
                bufs[b].at[pl.ds(0, C0)], sems[b])
            off2 = pl.multiple_of(j * NBR + C0, 8)
            pltpu.async_copy(
                table_hbm.at[idx_v.at[pl.ds(off2, C1)]],
                bufs[b].at[pl.ds(C0, C1)], sems[b])

        def wait(b):
            pltpu.make_async_copy(
                table_hbm.at[idx_v.at[pl.ds(0, C0)]],
                bufs[b].at[pl.ds(0, C0)], sems[b]).wait()
            pltpu.make_async_copy(
                table_hbm.at[idx_v.at[pl.ds(C0, C1)]],
                bufs[b].at[pl.ds(C0, C1)], sems[b]).wait()

        def accumulate(buf):
            def rbody(r, accs):
                a = list(accs)
                for u in range(4):
                    row = 4 * r + u
                    for c in range(4):
                        u32 = buf[row, pl.ds(c * 16, 16)]
                        even = lax.bitcast_convert_type(
                            lax.shift_left(u32, jnp.full((16,), 16, jnp.int32)),
                            jnp.float32)
                        odd = lax.bitcast_convert_type(
                            lax.bitwise_and(
                                u32, jnp.full((16,), MASK_HI, jnp.int32)),
                            jnp.float32)
                        a[2 * c] = a[2 * c] + even
                        a[2 * c + 1] = a[2 * c + 1] + odd
                return tuple(a)
            zero = tuple(jnp.zeros((16,), jnp.float32) for _ in range(8))
            return lax.fori_loop(0, NBR // 4, rbody, zero)

        for t in range(NBUF):
            issue(jnp.int32(t), t)

        def gbody(g, carry):
            for b in range(NBUF):
                j = NBUF * g + b
                wait(b)
                accs = accumulate(bufs[b])
                for c in range(EMBED // 16):
                    off = pl.multiple_of(j * EMBED + c * 16, 16)
                    ostage[pl.ds(off, 16)] = accs[c]

                @pl.when(j + NBUF < NJ)
                def _():
                    issue(j + NBUF, b)
            return carry

        lax.fori_loop(0, NJ // NBUF, gbody, jnp.int32(0))
        pltpu.sync_copy(
            ostage, out_hbm.at[pl.ds(pl.multiple_of(wid * OUT_PW, 8), OUT_PW)])

    return sc_fn(table_pk, idx_flat)


def _tc_dense(sums_q, qdl, qdr, sums_s, sdl, sdr,
              gcn_w, gcn_b, p1w, p1b, p2w, p2b, ln_a, ln_b,
              wih, whh1, whh2, lstm_b):
    BLK = 128
    grid = BATCH // BLK

    def body(sq_ref, qdl_ref, qdr_ref, ss_ref, sdl_ref, sdr_ref,
             gw_ref, gb_ref, p1w_ref, p1b_ref, p2w_ref, p2b_ref,
             la_ref, lb_ref, wih_ref, whh1_ref, whh2_ref, bias_ref,
             out_ref):
        gw = gw_ref[...]
        gb = gb_ref[...]

        def nbr_enc(sums, dl, dr):
            left = jnp.tanh(
                (jax.lax.dot_general(sums[:, :256], gw, (((1,), (1,)), ((), ())),
                                     preferred_element_type=jnp.float32)
                 + NBR * gb) / dl)
            right = jnp.tanh(
                (jax.lax.dot_general(sums[:, 256:], gw, (((1,), (1,)), ((), ())),
                                     preferred_element_type=jnp.float32)
                 + NBR * gb) / dr)
            return jnp.concatenate([left, right], axis=-1)

        p1w = p1w_ref[...]
        p2w = p2w_ref[...]

        def se(x):
            h = jax.lax.dot_general(x, p1w, (((1,), (1,)), ((), ())),
                                    preferred_element_type=jnp.float32)
            h = jnp.maximum(h + p1b_ref[...], 0.0)
            h = jax.lax.dot_general(h, p2w, (((1,), (1,)), ((), ())),
                                    preferred_element_type=jnp.float32)
            h = h + p2b_ref[...] + x
            mu = jnp.mean(h, axis=-1, keepdims=True)
            var = jnp.sum((h - mu) ** 2, axis=-1, keepdims=True) / (D_MODEL - 1)
            return (h - mu) / (jnp.sqrt(var) + 1e-3) * la_ref[...] + lb_ref[...]

        s_g = se(nbr_enc(ss_ref[...], sdl_ref[...], sdr_ref[...]))
        row = lax.broadcasted_iota(jnp.int32, (8, 1), 0)
        s_mean = jnp.sum(jnp.where(row < FEW, s_g, 0.0), axis=0,
                         keepdims=True) / FEW

        q_g = se(nbr_enc(sq_ref[...], qdl_ref[...], qdr_ref[...]))

        qWih = jax.lax.dot_general(q_g, wih_ref[...], (((1,), (1,)), ((), ())),
                                   preferred_element_type=jnp.float32)
        sW2 = jax.lax.dot_general(s_mean, whh2_ref[...], (((1,), (1,)), ((), ())),
                                  preferred_element_type=jnp.float32)
        bias = bias_ref[...]
        whh1 = whh1_ref[...]

        c = jnp.zeros((BLK, HID), jnp.float32)
        h = q_g
        for step in range(STEPS):
            if step == 0:
                gates = qWih + bias
            else:
                gates = qWih + bias + sW2 + jax.lax.dot_general(
                    h, whh1, (((1,), (1,)), ((), ())),
                    preferred_element_type=jnp.float32)
            ii = jax.nn.sigmoid(gates[:, 0 * HID:1 * HID])
            ff = jax.nn.sigmoid(gates[:, 1 * HID:2 * HID])
            gg = jnp.tanh(gates[:, 2 * HID:3 * HID])
            oo = jax.nn.sigmoid(gates[:, 3 * HID:4 * HID])
            c = ff * c + ii * gg
            h = q_g + (oo * jnp.tanh(c))[:, :D_MODEL]
        out_ref[...] = jnp.sum(h * s_mean, axis=-1)[None, None, :]

    full = lambda shape: pl.BlockSpec(shape, lambda i: (0,) * len(shape))
    return pl.pallas_call(
        body,
        grid=(grid,),
        in_specs=[
            pl.BlockSpec((BLK, 512), lambda i: (i, 0)),
            pl.BlockSpec((BLK, 1), lambda i: (i, 0)),
            pl.BlockSpec((BLK, 1), lambda i: (i, 0)),
            full((8, 512)), full((8, 1)), full((8, 1)),
            full((EMBED, 256)), full((1, EMBED)),
            full((512, 256)), full((1, 512)),
            full((256, 512)), full((1, 256)),
            full((1, 256)), full((1, 256)),
            full((4 * HID, 256)), full((4 * HID, 256)), full((4 * HID, 256)),
            full((1, 4 * HID)),
        ],
        out_specs=pl.BlockSpec((1, 1, BLK), lambda i: (i, 0, 0)),
        out_shape=jax.ShapeDtypeStruct((grid, 1, BLK), jnp.float32),
        compiler_params=pltpu.CompilerParams(
            dimension_semantics=("arbitrary",)),
    )(sums_q, qdl, qdr, sums_s, sdl, sdr,
      gcn_w, gcn_b, p1w, p1b, p2w, p2b, ln_a, ln_b,
      wih, whh1, whh2, lstm_b)


def kernel(query, support, query_left_connections, query_left_degrees,
           query_right_connections, query_right_degrees,
           support_left_connections, support_left_degrees,
           support_right_connections, support_right_degrees,
           symbol_emb, gcn_w_weight, gcn_w_bias,
           se_proj1_w, se_proj1_b, se_proj2_w, se_proj2_b, se_ln_a, se_ln_b,
           lstm_w_ih, lstm_w_hh, lstm_b_ih, lstm_b_hh):
    i32 = jnp.int32
    qlc = query_left_connections.astype(i32)
    qrc = query_right_connections.astype(i32)
    slc = support_left_connections.astype(i32)
    src = support_right_connections.astype(i32)

    idx_q = jnp.stack([qlc[:, :, 0], qlc[:, :, 1],
                       qrc[:, :, 0], qrc[:, :, 1]], axis=1)
    idx_s = jnp.stack([slc[:, :, 0], slc[:, :, 1],
                       src[:, :, 0], src[:, :, 1]], axis=1)
    pad = jnp.zeros((ROWS_PAD - BATCH - FEW, NSTREAM, NBR), i32)
    idx = jnp.concatenate([idx_q, idx_s, pad], axis=0)

    nsym = symbol_emb.shape[0]
    table_pk = jax.lax.bitcast_convert_type(
        symbol_emb.astype(jnp.bfloat16).reshape(nsym, EMBED // 2, 2),
        jnp.int32)
    sums = _sc_gather_sums(table_pk, idx.reshape(-1))
    sums = sums.reshape(ROWS_PAD, 4 * EMBED)

    perm = (32 * np.arange(4)[:, None, None]
            + 2 * np.arange(16)[None, None, :]
            + np.arange(2)[None, :, None]).reshape(EMBED)
    cat_perm = np.concatenate([perm, EMBED + perm])
    gcn_w_perm = gcn_w_weight[:, cat_perm]

    sums_q = sums[:BATCH]
    sums_s = jnp.concatenate(
        [sums[BATCH:BATCH + FEW], jnp.zeros((3, 4 * EMBED), jnp.float32)], axis=0)
    qdl = query_left_degrees.astype(jnp.float32)[:, None]
    qdr = query_right_degrees.astype(jnp.float32)[:, None]
    sdl = jnp.concatenate([support_left_degrees.astype(jnp.float32),
                           jnp.ones((3,), jnp.float32)])[:, None]
    sdr = jnp.concatenate([support_right_degrees.astype(jnp.float32),
                           jnp.ones((3,), jnp.float32)])[:, None]

    scores = _tc_dense(
        sums_q, qdl, qdr, sums_s, sdl, sdr,
        gcn_w_perm, gcn_w_bias[None, :],
        se_proj1_w, se_proj1_b[None, :], se_proj2_w, se_proj2_b[None, :],
        se_ln_a[None, :], se_ln_b[None, :],
        lstm_w_ih, lstm_w_hh[:, :D_MODEL], lstm_w_hh[:, D_MODEL:],
        (lstm_b_ih + lstm_b_hh)[None, :])
    return scores.reshape(-1)

# --- scband reference (transcript-rebuilt; emitter-appended) ---
"""Pipeline reference for scband-embed-matcher-9019431322313 (READ-ONLY COPY).

The authoritative reference and input builder live on the scoring server;
editing this copy changes nothing except your own understanding.
"""

import jax, jax.numpy as jnp
import numpy as np

EMBED_DIM = 128
NUM_SYMBOLS = 100000
BATCH = 1024
FEW = 5
NBR = 200
D_MODEL = 2 * EMBED_DIM
D_INNER = 2 * D_MODEL
HID = 2 * D_MODEL
PROCESS_STEPS = 4


def setup_inputs(seed: int = 0) -> dict:
    key = jax.random.key(seed)
    ks = jax.random.split(key, 24)
    inp = {}
    inp['query'] = jax.random.randint(ks[0], (BATCH, 2), 0, NUM_SYMBOLS)
    inp['support'] = jax.random.randint(ks[1], (FEW, 2), 0, NUM_SYMBOLS)
    inp['query_left_connections'] = jax.random.randint(ks[2], (BATCH, NBR, 2), 0, NUM_SYMBOLS)
    inp['query_left_degrees'] = jax.random.uniform(ks[3], (BATCH,), minval=1.0, maxval=float(NBR))
    inp['query_right_connections'] = jax.random.randint(ks[4], (BATCH, NBR, 2), 0, NUM_SYMBOLS)
    inp['query_right_degrees'] = jax.random.uniform(ks[5], (BATCH,), minval=1.0, maxval=float(NBR))
    inp['support_left_connections'] = jax.random.randint(ks[6], (FEW, NBR, 2), 0, NUM_SYMBOLS)
    inp['support_left_degrees'] = jax.random.uniform(ks[7], (FEW,), minval=1.0, maxval=float(NBR))
    inp['support_right_connections'] = jax.random.randint(ks[8], (FEW, NBR, 2), 0, NUM_SYMBOLS)
    inp['support_right_degrees'] = jax.random.uniform(ks[9], (FEW,), minval=1.0, maxval=float(NBR))
    # learned parameters
    inp['symbol_emb'] = jax.random.normal(ks[10], (NUM_SYMBOLS + 1, EMBED_DIM), dtype=jnp.float32) * 0.02
    inp['gcn_w_weight'] = jax.random.normal(ks[11], (EMBED_DIM, 2 * EMBED_DIM), dtype=jnp.float32) * (1.0 / np.sqrt(2 * EMBED_DIM))
    inp['gcn_w_bias'] = jnp.zeros((EMBED_DIM,), dtype=jnp.float32)
    inp['se_proj1_w'] = jax.random.normal(ks[12], (D_INNER, D_MODEL), dtype=jnp.float32) * (1.0 / np.sqrt(D_MODEL))
    inp['se_proj1_b'] = jnp.zeros((D_INNER,), dtype=jnp.float32)
    inp['se_proj2_w'] = jax.random.normal(ks[13], (D_MODEL, D_INNER), dtype=jnp.float32) * (1.0 / np.sqrt(D_INNER))
    inp['se_proj2_b'] = jnp.zeros((D_MODEL,), dtype=jnp.float32)
    inp['se_ln_a'] = jnp.ones((D_MODEL,), dtype=jnp.float32)
    inp['se_ln_b'] = jnp.zeros((D_MODEL,), dtype=jnp.float32)
    inp['lstm_w_ih'] = jax.random.normal(ks[14], (4 * HID, D_MODEL), dtype=jnp.float32) * (1.0 / np.sqrt(HID))
    inp['lstm_w_hh'] = jax.random.normal(ks[15], (4 * HID, HID), dtype=jnp.float32) * (1.0 / np.sqrt(HID))
    inp['lstm_b_ih'] = jnp.zeros((4 * HID,), dtype=jnp.float32)
    inp['lstm_b_hh'] = jnp.zeros((4 * HID,), dtype=jnp.float32)
    return inp


def _neighbor_encoder(conn, deg, emb, gw, gb):
    # conn: (B, NBR, 2) -> relation ids in [:, :, 0], entity ids in [:, :, 1]
    rel = jnp.take(emb, conn[:, :, 0], axis=0)
    ent = jnp.take(emb, conn[:, :, 1], axis=0)
    cat = jnp.concatenate([rel, ent], axis=-1)
    out = cat @ gw.T + gb
    out = jnp.sum(out, axis=1) / deg[:, None]
    return jnp.tanh(out)


def _layer_norm(z, a, b, eps=1e-3):
    mu = jnp.mean(z, axis=-1, keepdims=True)
    sigma = jnp.std(z, axis=-1, keepdims=True, ddof=1)
    return (z - mu) / (sigma + eps) * a + b


def _support_encoder(x, p1w, p1b, p2w, p2b, la, lb):
    residual = x
    h = jax.nn.relu(x @ p1w.T + p1b)
    h = h @ p2w.T + p2b
    return _layer_norm(h + residual, la, lb)


def _query_encoder(support, query, wih, whh, bih, bhh, steps):
    B = query.shape[0]
    hid = whh.shape[1]
    h_r = jnp.zeros((B, hid), dtype=query.dtype)
    c = jnp.zeros((B, hid), dtype=query.dtype)
    h = query
    for _ in range(steps):
        gates = query @ wih.T + bih + h_r @ whh.T + bhh
        i, f, g, o = jnp.split(gates, 4, axis=-1)
        i = jax.nn.sigmoid(i)
        f = jax.nn.sigmoid(f)
        g = jnp.tanh(g)
        o = jax.nn.sigmoid(o)
        c = f * c + i * g
        h_r_ = o * jnp.tanh(c)
        h = query + h_r_[:, :query.shape[1]]
        attn = jax.nn.softmax(h @ support.T, axis=1)
        r = attn @ support
        h_r = jnp.concatenate([h, r], axis=1)
    return h


def reference(query, support, query_left_connections, query_left_degrees,
              query_right_connections, query_right_degrees,
              support_left_connections, support_left_degrees,
              support_right_connections, support_right_degrees,
              symbol_emb, gcn_w_weight, gcn_w_bias,
              se_proj1_w, se_proj1_b, se_proj2_w, se_proj2_b, se_ln_a, se_ln_b,
              lstm_w_ih, lstm_w_hh, lstm_b_ih, lstm_b_hh):
    # attend_neighbours == 0 path; dropout is identity (eval mode)
    support_left = _neighbor_encoder(support_left_connections, support_left_degrees, symbol_emb, gcn_w_weight, gcn_w_bias)
    support_right = _neighbor_encoder(support_right_connections, support_right_degrees, symbol_emb, gcn_w_weight, gcn_w_bias)
    support_neighbor = jnp.concatenate([support_left, support_right], axis=-1)
    query_left = _neighbor_encoder(query_left_connections, query_left_degrees, symbol_emb, gcn_w_weight, gcn_w_bias)
    query_right = _neighbor_encoder(query_right_connections, query_right_degrees, symbol_emb, gcn_w_weight, gcn_w_bias)
    query_neighbor = jnp.concatenate([query_left, query_right], axis=-1)
    support_g = _support_encoder(support_neighbor, se_proj1_w, se_proj1_b, se_proj2_w, se_proj2_b, se_ln_a, se_ln_b)
    query_g = _support_encoder(query_neighbor, se_proj1_w, se_proj1_b, se_proj2_w, se_proj2_b, se_ln_a, se_ln_b)
    support_g = jnp.mean(support_g, axis=0, keepdims=True)
    query_f = _query_encoder(support_g, query_g, lstm_w_ih, lstm_w_hh, lstm_b_ih, lstm_b_hh, PROCESS_STEPS)
    matching_scores = jnp.squeeze(query_f @ support_g.T)
    return matching_scores


if False:  # reference __main__ guard neutralized (emitter)
    out = reference(**setup_inputs())
    print(out.shape, out.dtype)

if __name__ == "__main__":
    import jax
    _d = setup_inputs()
    print(jax.jit(kernel)(*tuple(_d.values())))

</pallas_src>

<mosaic_0001>
#map = affine_map<(d0, d1) -> (0, 0)>
#map1 = affine_map<(d0, d1) -> (0)>
module attributes {stable_mosaic.version = 14 : i64} {
  func.func @sc_fn(%arg0: i32, %arg1: i32, %arg2: memref<100001x64xi32, #tpu.memory_space<hbm>>, %arg3: memref<844800xi32, #tpu.memory_space<hbm>>, %arg4: memref<540672xf32, #tpu.memory_space<hbm>>, %arg5: memref<26400xi32, #tpu.memory_space<vmem>>, %arg6: memref<200x64xi32, #tpu.memory_space<vmem>>, %arg7: memref<200x64xi32, #tpu.memory_space<vmem>>, %arg8: memref<200x64xi32, #tpu.memory_space<vmem>>, %arg9: memref<16896xf32, #tpu.memory_space<vmem>>, %arg10: memref<!tpu.dma_semaphore, #tpu.memory_space<semaphore_mem>>, %arg11: memref<!tpu.dma_semaphore, #tpu.memory_space<semaphore_mem>>, %arg12: memref<!tpu.dma_semaphore, #tpu.memory_space<semaphore_mem>>) attributes {dimension_semantics = [#tpu.dimension_semantics<core_parallel>, #tpu.dimension_semantics<subcore_parallel>], iteration_bounds = array<i64: 2, 16>, scalar_prefetch = 0 : i64, scratch_operands = 8 : i64, tpu.core_type = #tpu.core_type<sc_vector_subcore>, window_params = [{transform_indices = #map}, {transform_indices = #map1}, {transform_indices = #map1}]} {
    %mul3A = arith.constant 2 : i32
    %mul3A_0 = arith.muli %arg1, %mul3A : i32
    %add3A = arith.addi %mul3A_0, %arg0 : i32
    %mul3A_1 = arith.constant 26400 : i32
    %mul3A_2 = arith.muli %add3A, %mul3A_1 : i32
    %multiple_of3A = tpu.assume_multiple %mul3A_2, 8 : i32
    "tpu.region"() ({
      %run_scoped3A = tpu.sem_alloc : memref<!tpu.dma_semaphore, #tpu.memory_space<semaphore_mem>>
      %dma_start3A_82 = tpu.memref_slice %arg3[%multiple_of3A] : memref<844800xi32, #tpu.memory_space<hbm>> -> memref<26400xi32, #tpu.memory_space<hbm>>
      %dma_start3A_83 = tpu.memref_slice %arg3[%multiple_of3A] : memref<844800xi32, #tpu.memory_space<hbm>> -> memref<26400xi32, #tpu.memory_space<hbm>>
      tpu.enqueue_dma source(%dma_start3A_83 : memref<26400xi32, #tpu.memory_space<hbm>>) target(%arg5 : memref<26400xi32, #tpu.memory_space<vmem>>) target_semaphore(%run_scoped3A : memref<!tpu.dma_semaphore, #tpu.memory_space<semaphore_mem>>)
      %dma_wait3A = tpu.memref_slice %arg3[%multiple_of3A] : memref<844800xi32, #tpu.memory_space<hbm>> -> memref<26400xi32, #tpu.memory_space<hbm>>
      %dma_wait3A_84 = tpu.memref_slice %arg3[%multiple_of3A] : memref<844800xi32, #tpu.memory_space<hbm>> -> memref<26400xi32, #tpu.memory_space<hbm>>
      tpu.wait_dma2 semaphore(%run_scoped3A : memref<!tpu.dma_semaphore, #tpu.memory_space<semaphore_mem>>) src(%dma_wait3A_84 : memref<26400xi32, #tpu.memory_space<hbm>>) dst(%arg5 : memref<26400xi32, #tpu.memory_space<vmem>>)
      tpu.yield
    }) : () -> ()
    %mul3A_3 = arith.constant 0 : i32
    %mul3A_4 = arith.constant 200 : i32
    %mul3A_5 = arith.muli %mul3A_3, %mul3A_4 : i32
    %multiple_of3A_6 = tpu.assume_multiple %mul3A_5, 8 : i32
    %dma_start3A = arith.constant 0 : i32
    %dma_start3A_7 = arith.constant 0 : i32
    %dma_start3A_8 = tpu.memref_slice %arg6[%dma_start3A, %dma_start3A_7] : memref<200x64xi32, #tpu.memory_space<vmem>> -> memref<96x64xi32, #tpu.memory_space<vmem>>
    %dma_start3A_9 = tpu.memref_slice %arg5[%multiple_of3A_6] : memref<26400xi32, #tpu.memory_space<vmem>> -> memref<96xi32, #tpu.memory_space<vmem>>
    %dma_start3A_10 = arith.constant 0 : i32
    %dma_start3A_11 = arith.constant 0 : i32
    %dma_start3A_12 = tpu.memref_slice %arg2[%dma_start3A_10, %dma_start3A_11] : memref<100001x64xi32, #tpu.memory_space<hbm>> -> memref<100001x64xi32, #tpu.memory_space<hbm>>
    tpu.enqueue_indirect_dma source(%dma_start3A_12 : memref<100001x64xi32, #tpu.memory_space<hbm>>) target(%dma_start3A_8 : memref<96x64xi32, #tpu.memory_space<vmem>>) offsets(%dma_start3A_9 : memref<96xi32, #tpu.memory_space<vmem>>) semaphore(%arg10 : memref<!tpu.dma_semaphore, #tpu.memory_space<semaphore_mem>>)
    %mul3A_13 = arith.constant 0 : i32
    %mul3A_14 = arith.constant 200 : i32
    %mul3A_15 = arith.muli %mul3A_13, %mul3A_14 : i32
    %add3A_16 = arith.constant 96 : i32
    %add3A_17 = arith.addi %mul3A_15, %add3A_16 : i32
    %multiple_of3A_18 = tpu.assume_multiple %add3A_17, 8 : i32
    %dma_start3A_19 = arith.constant 96 : i32
    %dma_start3A_20 = arith.constant 0 : i32
    %dma_start3A_21 = tpu.memref_slice %arg6[%dma_start3A_19, %dma_start3A_20] : memref<200x64xi32, #tpu.memory_space<vmem>> -> memref<104x64xi32, #tpu.memory_space<vmem>>
    %dma_start3A_22 = tpu.memref_slice %arg5[%multiple_of3A_18] : memref<26400xi32, #tpu.memory_space<vmem>> -> memref<104xi32, #tpu.memory_space<vmem>>
    %dma_start3A_23 = arith.constant 0 : i32
    %dma_start3A_24 = arith.constant 0 : i32
    %dma_start3A_25 = tpu.memref_slice %arg2[%dma_start3A_23, %dma_start3A_24] : memref<100001x64xi32, #tpu.memory_space<hbm>> -> memref<100001x64xi32, #tpu.memory_space<hbm>>
    tpu.enqueue_indirect_dma source(%dma_start3A_25 : memref<100001x64xi32, #tpu.memory_space<hbm>>) target(%dma_start3A_21 : memref<104x64xi32, #tpu.memory_space<vmem>>) offsets(%dma_start3A_22 : memref<104xi32, #tpu.memory_space<vmem>>) semaphore(%arg10 : memref<!tpu.dma_semaphore, #tpu.memory_space<semaphore_mem>>)
    %mul3A_26 = arith.constant 1 : i32
    %mul3A_27 = arith.constant 200 : i32
    %mul3A_28 = arith.muli %mul3A_26, %mul3A_27 : i32
    %multiple_of3A_29 = tpu.assume_multiple %mul3A_28, 8 : i32
    %dma_start3A_30 = arith.constant 0 : i32
    %dma_start3A_31 = arith.constant 0 : i32
    %dma_start3A_32 = tpu.memref_slice %arg7[%dma_start3A_30, %dma_start3A_31] : memref<200x64xi32, #tpu.memory_space<vmem>> -> memref<96x64xi32, #tpu.memory_space<vmem>>
    %dma_start3A_33 = tpu.memref_slice %arg5[%multiple_of3A_29] : memref<26400xi32, #tpu.memory_space<vmem>> -> memref<96xi32, #tpu.memory_space<vmem>>
    %dma_start3A_34 = arith.constant 0 : i32
    %dma_start3A_35 = arith.constant 0 : i32
    %dma_start3A_36 = tpu.memref_slice %arg2[%dma_start3A_34, %dma_start3A_35] : memref<100001x64xi32, #tpu.memory_space<hbm>> -> memref<100001x64xi32, #tpu.memory_space<hbm>>
    tpu.enqueue_indirect_dma source(%dma_start3A_36 : memref<100001x64xi32, #tpu.memory_space<hbm>>) target(%dma_start3A_32 : memref<96x64xi32, #tpu.memory_space<vmem>>) offsets(%dma_start3A_33 : memref<96xi32, #tpu.memory_space<vmem>>) semaphore(%arg11 : memref<!tpu.dma_semaphore, #tpu.memory_space<semaphore_mem>>)
    %mul3A_37 = arith.constant 1 : i32
    %mul3A_38 = arith.constant 200 : i32
    %mul3A_39 = arith.muli %mul3A_37, %mul3A_38 : i32
    %add3A_40 = arith.constant 96 : i32
    %add3A_41 = arith.addi %mul3A_39, %add3A_40 : i32
    %multiple_of3A_42 = tpu.assume_multiple %add3A_41, 8 : i32
    %dma_start3A_43 = arith.constant 96 : i32
    %dma_start3A_44 = arith.constant 0 : i32
    %dma_start3A_45 = tpu.memref_slice %arg7[%dma_start3A_43, %dma_start3A_44] : memref<200x64xi32, #tpu.memory_space<vmem>> -> memref<104x64xi32, #tpu.memory_space<vmem>>
    %dma_start3A_46 = tpu.memref_slice %arg5[%multiple_of3A_42] : memref<26400xi32, #tpu.memory_space<vmem>> -> memref<104xi32, #tpu.memory_space<vmem>>
    %dma_start3A_47 = arith.constant 0 : i32
    %dma_start3A_48 = arith.constant 0 : i32
    %dma_start3A_49 = tpu.memref_slice %arg2[%dma_start3A_47, %dma_start3A_48] : memref<100001x64xi32, #tpu.memory_space<hbm>> -> memref<100001x64xi32, #tpu.memory_space<hbm>>
    tpu.enqueue_indirect_dma source(%dma_start3A_49 : memref<100001x64xi32, #tpu.memory_space<hbm>>) target(%dma_start3A_45 : memref<104x64xi32, #tpu.memory_space<vmem>>) offsets(%dma_start3A_46 : memref<104xi32, #tpu.memory_space<vmem>>) semaphore(%arg11 : memref<!tpu.dma_semaphore, #tpu.memory_space<semaphore_mem>>)
    %mul3A_50 = arith.constant 2 : i32
    %mul3A_51 = arith.constant 200 : i32
    %mul3A_52 = arith.muli %mul3A_50, %mul3A_51 : i32
    %multiple_of3A_53 = tpu.assume_multiple %mul3A_52, 8 : i32
    %dma_start3A_54 = arith.constant 0 : i32
    %dma_start3A_55 = arith.constant 0 : i32
    %dma_start3A_56 = tpu.memref_slice %arg8[%dma_start3A_54, %dma_start3A_55] : memref<200x64xi32, #tpu.memory_space<vmem>> -> memref<96x64xi32, #tpu.memory_space<vmem>>
    %dma_start3A_57 = tpu.memref_slice %arg5[%multiple_of3A_53] : memref<26400xi32, #tpu.memory_space<vmem>> -> memref<96xi32, #tpu.memory_space<vmem>>
    %dma_start3A_58 = arith.constant 0 : i32
    %dma_start3A_59 = arith.constant 0 : i32
    %dma_start3A_60 = tpu.memref_slice %arg2[%dma_start3A_58, %dma_start3A_59] : memref<100001x64xi32, #tpu.memory_space<hbm>> -> memref<100001x64xi32, #tpu.memory_space<hbm>>
    tpu.enqueue_indirect_dma source(%dma_start3A_60 : memref<100001x64xi32, #tpu.memory_space<hbm>>) target(%dma_start3A_56 : memref<96x64xi32, #tpu.memory_space<vmem>>) offsets(%dma_start3A_57 : memref<96xi32, #tpu.memory_space<vmem>>) semaphore(%arg12 : memref<!tpu.dma_semaphore, #tpu.memory_space<semaphore_mem>>)
    %mul3A_61 = arith.constant 2 : i32
    %mul3A_62 = arith.constant 200 : i32
    %mul3A_63 = arith.muli %mul3A_61, %mul3A_62 : i32
    %add3A_64 = arith.constant 96 : i32
    %add3A_65 = arith.addi %mul3A_63, %add3A_64 : i32
    %multiple_of3A_66 = tpu.assume_multiple %add3A_65, 8 : i32
    %dma_start3A_67 = arith.constant 96 : i32
    %dma_start3A_68 = arith.constant 0 : i32
    %dma_start3A_69 = tpu.memref_slice %arg8[%dma_start3A_67, %dma_start3A_68] : memref<200x64xi32, #tpu.memory_space<vmem>> -> memref<104x64xi32, #tpu.memory_space<vmem>>
    %dma_start3A_70 = tpu.memref_slice %arg5[%multiple_of3A_66] : memref<26400xi32, #tpu.memory_space<vmem>> -> memref<104xi32, #tpu.memory_space<vmem>>
    %dma_start3A_71 = arith.constant 0 : i32
    %dma_start3A_72 = arith.constant 0 : i32
    %dma_start3A_73 = tpu.memref_slice %arg2[%dma_start3A_71, %dma_start3A_72] : memref<100001x64xi32, #tpu.memory_space<hbm>> -> memref<100001x64xi32, #tpu.memory_space<hbm>>
    tpu.enqueue_indirect_dma source(%dma_start3A_73 : memref<100001x64xi32, #tpu.memory_space<hbm>>) target(%dma_start3A_69 : memref<104x64xi32, #tpu.memory_space<vmem>>) offsets(%dma_start3A_70 : memref<104xi32, #tpu.memory_space<vmem>>) semaphore(%arg12 : memref<!tpu.dma_semaphore, #tpu.memory_space<semaphore_mem>>)
    %scan3A = arith.constant 0 : i32
    %scan3A_74 = arith.constant 0 : i32
    %scan3A_75 = arith.constant 44 : i32
    %scan3A_76 = arith.addi %scan3A_74, %scan3A_75 : i32
    %scan3A_77 = arith.constant 1 : i32
    scf.for %scan3A_82 = %scan3A_74 to %scan3A_76 step %scan3A_77  : i32 {
      %mul3A_83 = arith.constant 3 : i32
      %mul3A_84 = arith.muli %mul3A_83, %scan3A_82 : i32
      %add3A_85 = arith.constant 0 : i32
      %add3A_86 = arith.addi %mul3A_84, %add3A_85 : i32
      %dma_wait3A = arith.constant 0 : i32
      %dma_wait3A_87 = arith.constant 0 : i32
      %dma_wait3A_88 = tpu.memref_slice %arg6[%dma_wait3A, %dma_wait3A_87] : memref<200x64xi32, #tpu.memory_space<vmem>> -> memref<96x64xi32, #tpu.memory_space<vmem>>
      %dma_wait3A_89 = arith.constant 0 : i32
      %dma_wait3A_90 = tpu.memref_slice %arg5[%dma_wait3A_89] : memref<26400xi32, #tpu.memory_space<vmem>> -> memref<96xi32, #tpu.memory_space<vmem>>
      %dma_wait3A_91 = arith.constant 0 : i32
      %dma_wait3A_92 = arith.constant 0 : i32
      %dma_wait3A_93 = tpu.memref_slice %arg2[%dma_wait3A_91, %dma_wait3A_92] : memref<100001x64xi32, #tpu.memory_space<hbm>> -> memref<100001x64xi32, #tpu.memory_space<hbm>>
      tpu.wait_indirect_dma semaphore(%arg10 : memref<!tpu.dma_semaphore, #tpu.memory_space<semaphore_mem>>) src(%dma_wait3A_93 : memref<100001x64xi32, #tpu.memory_space<hbm>>) dst(%dma_wait3A_88 : memref<96x64xi32, #tpu.memory_space<vmem>>)
      %dma_wait3A_94 = arith.constant 96 : i32
      %dma_wait3A_95 = arith.constant 0 : i32
      %dma_wait3A_96 = tpu.memref_slice %arg6[%dma_wait3A_94, %dma_wait3A_95] : memref<200x64xi32, #tpu.memory_space<vmem>> -> memref<104x64xi32, #tpu.memory_space<vmem>>
      %dma_wait3A_97 = arith.constant 96 : i32
      %dma_wait3A_98 = tpu.memref_slice %arg5[%dma_wait3A_97] : memref<26400xi32, #tpu.memory_space<vmem>> -> memref<104xi32, #tpu.memory_space<vmem>>
      %dma_wait3A_99 = arith.constant 0 : i32
      %dma_wait3A_100 = arith.constant 0 : i32
      %dma_wait3A_101 = tpu.memref_slice %arg2[%dma_wait3A_99, %dma_wait3A_100] : memref<100001x64xi32, #tpu.memory_space<hbm>> -> memref<100001x64xi32, #tpu.memory_space<hbm>>
      tpu.wait_indirect_dma semaphore(%arg10 : memref<!tpu.dma_semaphore, #tpu.memory_space<semaphore_mem>>) src(%dma_wait3A_101 : memref<100001x64xi32, #tpu.memory_space<hbm>>) dst(%dma_wait3A_96 : memref<104x64xi32, #tpu.memory_space<vmem>>)
      %broadcast_in_dim3A = arith.constant 0.000000e+00 : f32
      %broadcast_in_dim3A_102 = vector.broadcast %broadcast_in_dim3A : f32 to vector<16xf32>
      %broadcast_in_dim3A_103 = arith.constant 0.000000e+00 : f32
      %broadcast_in_dim3A_104 = vector.broadcast %broadcast_in_dim3A_103 : f32 to vector<16xf32>
      %broadcast_in_dim3A_105 = arith.constant 0.000000e+00 : f32
      %broadcast_in_dim3A_106 = vector.broadcast %broadcast_in_dim3A_105 : f32 to vector<16xf32>
      %broadcast_in_dim3A_107 = arith.constant 0.000000e+00 : f32
      %broadcast_in_dim3A_108 = vector.broadcast %broadcast_in_dim3A_107 : f32 to vector<16xf32>
      %broadcast_in_dim3A_109 = arith.constant 0.000000e+00 : f32
      %broadcast_in_dim3A_110 = vector.broadcast %broadcast_in_dim3A_109 : f32 to vector<16xf32>
      %broadcast_in_dim3A_111 = arith.constant 0.000000e+00 : f32
      %broadcast_in_dim3A_112 = vector.broadcast %broadcast_in_dim3A_111 : f32 to vector<16xf32>
      %broadcast_in_dim3A_113 = arith.constant 0.000000e+00 : f32
      %broadcast_in_dim3A_114 = vector.broadcast %broadcast_in_dim3A_113 : f32 to vector<16xf32>
      %broadcast_in_dim3A_115 = arith.constant 0.000000e+00 : f32
      %broadcast_in_dim3A_116 = vector.broadcast %broadcast_in_dim3A_115 : f32 to vector<16xf32>
      %scan3A_117 = arith.constant 0 : i32
      %scan3A_118 = arith.constant 50 : i32
      %scan3A_119 = arith.addi %scan3A_117, %scan3A_118 : i32
      %scan3A_120 = arith.constant 1 : i32
      %scan3A_121:8 = scf.for %scan3A_440 = %scan3A_117 to %scan3A_119 step %scan3A_120 iter_args(%scan3A_441 = %broadcast_in_dim3A_102, %scan3A_442 = %broadcast_in_dim3A_104, %scan3A_443 = %broadcast_in_dim3A_106, %scan3A_444 = %broadcast_in_dim3A_108, %scan3A_445 = %broadcast_in_dim3A_110, %scan3A_446 = %broadcast_in_dim3A_112, %scan3A_447 = %broadcast_in_dim3A_114, %scan3A_448 = %broadcast_in_dim3A_116) -> (vector<16xf32>, vector<16xf32>, vector<16xf32>, vector<16xf32>, vector<16xf32>, vector<16xf32>, vector<16xf32>, vector<16xf32>)  : i32 {
        %mul3A_449 = arith.constant 4 : i32
        %mul3A_450 = arith.muli %mul3A_449, %scan3A_440 : i32
        %add3A_451 = arith.constant 0 : i32
        %add3A_452 = arith.addi %mul3A_450, %add3A_451 : i32
        %get3A = arith.index_cast %add3A_452 : i32 to index
        %get3A_453 = arith.constant 0 : index
        %get3A_454 = tpu.vector_load %arg6[%get3A, %get3A_453] {strides = array<i32>} : memref<200x64xi32, #tpu.memory_space<vmem>>, vector<1x16xi32>,
        %get3A_455 = vector.shape_cast %get3A_454 : vector<1x16xi32> to vector<16xi32>
        %broadcast_in_dim3A_456 = arith.constant 16 : i32
        %broadcast_in_dim3A_457 = vector.broadcast %broadcast_in_dim3A_456 : i32 to vector<16xi32>
        %shift_left3A = arith.shli %get3A_455, %broadcast_in_dim3A_457 : vector<16xi32>
        %bitcast_convert_type3A = tpu.bitcast %shift_left3A : vector<16xi32> -> vector<16xf32>
        %broadcast_in_dim3A_458 = arith.constant -65536 : i32
        %broadcast_in_dim3A_459 = vector.broadcast %broadcast_in_dim3A_458 : i32 to vector<16xi32>
        %and3A = arith.andi %get3A_455, %broadcast_in_dim3A_459 : vector<16xi32>
        %bitcast_convert_type3A_460 = tpu.bitcast %and3A : vector<16xi32> -> vector<16xf32>
        %add3A_461 = arith.addf %scan3A_441, %bitcast_convert_type3A : vector<16xf32>
        %add3A_462 = arith.addf %scan3A_442, %bitcast_convert_type3A_460 : vector<16xf32>
        %get3A_463 = arith.index_cast %add3A_452 : i32 to index
        %get3A_464 = arith.constant 16 : index
        %get3A_465 = tpu.vector_load %arg6[%get3A_463, %get3A_464] {strides = array<i32>} : memref<200x64xi32, #tpu.memory_space<vmem>>, vector<1x16xi32>,
        %get3A_466 = vector.shape_cast %get3A_465 : vector<1x16xi32> to vector<16xi32>
        %broadcast_in_dim3A_467 = arith.constant 16 : i32
        %broadcast_in_dim3A_468 = vector.broadcast %broadcast_in_dim3A_467 : i32 to vector<16xi32>
        %shift_left3A_469 = arith.shli %get3A_466, %broadcast_in_dim3A_468 : vector<16xi32>
        %bitcast_convert_type3A_470 = tpu.bitcast %shift_left3A_469 : vector<16xi32> -> vector<16xf32>
        %broadcast_in_dim3A_471 = arith.constant -65536 : i32
        %broadcast_in_dim3A_472 = vector.broadcast %broadcast_in_dim3A_471 : i32 to vector<16xi32>
        %and3A_473 = arith.andi %get3A_466, %broadcast_in_dim3A_472 : vector<16xi32>
        %bitcast_convert_type3A_474 = tpu.bitcast %and3A_473 : vector<16xi32> -> vector<16xf32>
        %add3A_475 = arith.addf %scan3A_443, %bitcast_convert_type3A_470 : vector<16xf32>
        %add3A_476 = arith.addf %scan3A_444, %bitcast_convert_type3A_474 : vector<16xf32>
        %get3A_477 = arith.index_cast %add3A_452 : i32 to index
        %get3A_478 = arith.constant 32 : index
        %get3A_479 = tpu.vector_load %arg6[%get3A_477, %get3A_478] {strides = array<i32>} : memref<200x64xi32, #tpu.memory_space<vmem>>, vector<1x16xi32>,
        %get3A_480 = vector.shape_cast %get3A_479 : vector<1x16xi32> to vector<16xi32>
        %broadcast_in_dim3A_481 = arith.constant 16 : i32
        %broadcast_in_dim3A_482 = vector.broadcast %broadcast_in_dim3A_481 : i32 to vector<16xi32>
        %shift_left3A_483 = arith.shli %get3A_480, %broadcast_in_dim3A_482 : vector<16xi32>
        %bitcast_convert_type3A_484 = tpu.bitcast %shift_left3A_483 : vector<16xi32> -> vector<16xf32>
        %broadcast_in_dim3A_485 = arith.constant -65536 : i32
        %broadcast_in_dim3A_486 = vector.broadcast %broadcast_in_dim3A_485 : i32 to vector<16xi32>
        %and3A_487 = arith.andi %get3A_480, %broadcast_in_dim3A_486 : vector<16xi32>
        %bitcast_convert_type3A_488 = tpu.bitcast %and3A_487 : vector<16xi32> -> vector<16xf32>
        %add3A_489 = arith.addf %scan3A_445, %bitcast_convert_type3A_484 : vector<16xf32>
        %add3A_490 = arith.addf %scan3A_446, %bitcast_convert_type3A_488 : vector<16xf32>
        %get3A_491 = arith.index_cast %add3A_452 : i32 to index
        %get3A_492 = arith.constant 48 : index
        %get3A_493 = tpu.vector_load %arg6[%get3A_491, %get3A_492] {strides = array<i32>} : memref<200x64xi32, #tpu.memory_space<vmem>>, vector<1x16xi32>,
        %get3A_494 = vector.shape_cast %get3A_493 : vector<1x16xi32> to vector<16xi32>
        %broadcast_in_dim3A_495 = arith.constant 16 : i32
        %broadcast_in_dim3A_496 = vector.broadcast %broadcast_in_dim3A_495 : i32 to vector<16xi32>
        %shift_left3A_497 = arith.shli %get3A_494, %broadcast_in_dim3A_496 : vector<16xi32>
        %bitcast_convert_type3A_498 = tpu.bitcast %shift_left3A_497 : vector<16xi32> -> vector<16xf32>
        %broadcast_in_dim3A_499 = arith.constant -65536 : i32
        %broadcast_in_dim3A_500 = vector.broadcast %broadcast_in_dim3A_499 : i32 to vector<16xi32>
        %and3A_501 = arith.andi %get3A_494, %broadcast_in_dim3A_500 : vector<16xi32>
        %bitcast_convert_type3A_502 = tpu.bitcast %and3A_501 : vector<16xi32> -> vector<16xf32>
        %add3A_503 = arith.addf %scan3A_447, %bitcast_convert_type3A_498 : vector<16xf32>
        %add3A_504 = arith.addf %scan3A_448, %bitcast_convert_type3A_502 : vector<16xf32>
        %mul3A_505 = arith.constant 4 : i32
        %mul3A_506 = arith.muli %mul3A_505, %scan3A_440 : i32
        %add3A_507 = arith.constant 1 : i32
        %add3A_508 = arith.addi %mul3A_506, %add3A_507 : i32
        %get3A_509 = arith.index_cast %add3A_508 : i32 to index
        %get3A_510 = arith.constant 0 : index
        %get3A_511 = tpu.vector_load %arg6[%get3A_509, %get3A_510] {strides = array<i32>} : memref<200x64xi32, #tpu.memory_space<vmem>>, vector<1x16xi32>,
        %get3A_512 = vector.shape_cast %get3A_511 : vector<1x16xi32> to vector<16xi32>
        %broadcast_in_dim3A_513 = arith.constant 16 : i32
        %broadcast_in_dim3A_514 = vector.broadcast %broadcast_in_dim3A_513 : i32 to vector<16xi32>
        %shift_left3A_515 = arith.shli %get3A_512, %broadcast_in_dim3A_514 : vector<16xi32>
        %bitcast_convert_type3A_516 = tpu.bitcast %shift_left3A_515 : vector<16xi32> -> vector<16xf32>
        %broadcast_in_dim3A_517 = arith.constant -65536 : i32
        %broadcast_in_dim3A_518 = vector.broadcast %broadcast_in_dim3A_517 : i32 to vector<16xi32>
        %and3A_519 = arith.andi %get3A_512, %broadcast_in_dim3A_518 : vector<16xi32>
        %bitcast_convert_type3A_520 = tpu.bitcast %and3A_519 : vector<16xi32> -> vector<16xf32>
        %add3A_521 = arith.addf %add3A_461, %bitcast_convert_type3A_516 : vector<16xf32>
        %add3A_522 = arith.addf %add3A_462, %bitcast_convert_type3A_520 : vector<16xf32>
        %get3A_523 = arith.index_cast %add3A_508 : i32 to index
        %get3A_524 = arith.constant 16 : index
        %get3A_525 = tpu.vector_load %arg6[%get3A_523, %get3A_524] {strides = array<i32>} : memref<200x64xi32, #tpu.memory_space<vmem>>, vector<1x16xi32>,
        %get3A_526 = vector.shape_cast %get3A_525 : vector<1x16xi32> to vector<16xi32>
        %broadcast_in_dim3A_527 = arith.constant 16 : i32
        %broadcast_in_dim3A_528 = vector.broadcast %broadcast_in_dim3A_527 : i32 to vector<16xi32>
        %shift_left3A_529 = arith.shli %get3A_526, %broadcast_in_dim3A_528 : vector<16xi32>
        %bitcast_convert_type3A_530 = tpu.bitcast %shift_left3A_529 : vector<16xi32> -> vector<16xf32>
        %broadcast_in_dim3A_531 = arith.constant -65536 : i32
        %broadcast_in_dim3A_532 = vector.broadcast %broadcast_in_dim3A_531 : i32 to vector<16xi32>
        %and3A_533 = arith.andi %get3A_526, %broadcast_in_dim3A_532 : vector<16xi32>
        %bitcast_convert_type3A_534 = tpu.bitcast %and3A_533 : vector<16xi32> -> vector<16xf32>
        %add3A_535 = arith.addf %add3A_475, %bitcast_convert_type3A_530 : vector<16xf32>
        %add3A_536 = arith.addf %add3A_476, %bitcast_convert_type3A_534 : vector<16xf32>
        %get3A_537 = arith.index_cast %add3A_508 : i32 to index
        %get3A_538 = arith.constant 32 : index
        %get3A_539 = tpu.vector_load %arg6[%get3A_537, %get3A_538] {strides = array<i32>} : memref<200x64xi32, #tpu.memory_space<vmem>>, vector<1x16xi32>,
        %get3A_540 = vector.shape_cast %get3A_539 : vector<1x16xi32> to vector<16xi32>
        %broadcast_in_dim3A_541 = arith.constant 16 : i32
        %broadcast_in_dim3A_542 = vector.broadcast %broadcast_in_dim3A_541 : i32 to vector<16xi32>
        %shift_left3A_543 = arith.shli %get3A_540, %broadcast_in_dim3A_542 : vector<16xi32>
        %bitcast_convert_type3A_544 = tpu.bitcast %shift_left3A_543 : vector<16xi32> -> vector<16xf32>
        %broadcast_in_dim3A_545 = arith.constant -65536 : i32
        %broadcast_in_dim3A_546 = vector.broadcast %broadcast_in_dim3A_545 : i32 to vector<16xi32>
        %and3A_547 = arith.andi %get3A_540, %broadcast_in_dim3A_546 : vector<16xi32>
        %bitcast_convert_type3A_548 = tpu.bitcast %and3A_547 : vector<16xi32> -> vector<16xf32>
        %add3A_549 = arith.addf %add3A_489, %bitcast_convert_type3A_544 : vector<16xf32>
        %add3A_550 = arith.addf %add3A_490, %bitcast_convert_type3A_548 : vector<16xf32>
        %get3A_551 = arith.index_cast %add3A_508 : i32 to index
        %get3A_552 = arith.constant 48 : index
        %get3A_553 = tpu.vector_load %arg6[%get3A_551, %get3A_552] {strides = array<i32>} : memref<200x64xi32, #tpu.memory_space<vmem>>, vector<1x16xi32>,
        %get3A_554 = vector.shape_cast %get3A_553 : vector<1x16xi32> to vector<16xi32>
        %broadcast_in_dim3A_555 = arith.constant 16 : i32
        %broadcast_in_dim3A_556 = vector.broadcast %broadcast_in_dim3A_555 : i32 to vector<16xi32>
        %shift_left3A_557 = arith.shli %get3A_554, %broadcast_in_dim3A_556 : vector<16xi32>
        %bitcast_convert_type3A_558 = tpu.bitcast %shift_left3A_557 : vector<16xi32> -> vector<16xf32>
        %broadcast_in_dim3A_559 = arith.constant -65536 : i32
        %broadcast_in_dim3A_560 = vector.broadcast %broadcast_in_dim3A_559 : i32 to vector<16xi32>
        %and3A_561 = arith.andi %get3A_554, %broadcast_in_dim3A_560 : vector<16xi32>
        %bitcast_convert_type3A_562 = tpu.bitcast %and3A_561 : vector<16xi32> -> vector<16xf32>
        %add3A_563 = arith.addf %add3A_503, %bitcast_convert_type3A_558 : vector<16xf32>
        %add3A_564 = arith.addf %add3A_504, %bitcast_convert_type3A_562 : vector<16xf32>
        %mul3A_565 = arith.constant 4 : i32
        %mul3A_566 = arith.muli %mul3A_565, %scan3A_440 : i32
        %add3A_567 = arith.constant 2 : i32
        %add3A_568 = arith.addi %mul3A_566, %add3A_567 : i32
        %get3A_569 = arith.index_cast %add3A_568 : i32 to index
        %get3A_570 = arith.constant 0 : index
        %get3A_571 = tpu.vector_load %arg6[%get3A_569, %get3A_570] {strides = array<i32>} : memref<200x64xi32, #tpu.memory_space<vmem>>, vector<1x16xi32>,
        %get3A_572 = vector.shape_cast %get3A_571 : vector<1x16xi32> to vector<16xi32>
        %broadcast_in_dim3A_573 = arith.constant 16 : i32
        %broadcast_in_dim3A_574 = vector.broadcast %broadcast_in_dim3A_573 : i32 to vector<16xi32>
        %shift_left3A_575 = arith.shli %get3A_572, %broadcast_in_dim3A_574 : vector<16xi32>
        %bitcast_convert_type3A_576 = tpu.bitcast %shift_left3A_575 : vector<16xi32> -> vector<16xf32>
        %broadcast_in_dim3A_577 = arith.constant -65536 : i32
        %broadcast_in_dim3A_578 = vector.broadcast %broadcast_in_dim3A_577 : i32 to vector<16xi32>
        %and3A_579 = arith.andi %get3A_572, %broadcast_in_dim3A_578 : vector<16xi32>
        %bitcast_convert_type3A_580 = tpu.bitcast %and3A_579 : vector<16xi32> -> vector<16xf32>
        %add3A_581 = arith.addf %add3A_521, %bitcast_convert_type3A_576 : vector<16xf32>
        %add3A_582 = arith.addf %add3A_522, %bitcast_convert_type3A_580 : vector<16xf32>
        %get3A_583 = arith.index_cast %add3A_568 : i32 to index
        %get3A_584 = arith.constant 16 : index
        %get3A_585 = tpu.vector_load %arg6[%get3A_583, %get3A_584] {strides = array<i32>} : memref<200x64xi32, #tpu.memory_space<vmem>>, vector<1x16xi32>,
        %get3A_586 = vector.shape_cast %get3A_585 : vector<1x16xi32> to vector<16xi32>
        %broadcast_in_dim3A_587 = arith.constant 16 : i32
        %broadcast_in_dim3A_588 = vector.broadcast %broadcast_in_dim3A_587 : i32 to vector<16xi32>
        %shift_left3A_589 = arith.shli %get3A_586, %broadcast_in_dim3A_588 : vector<16xi32>
        %bitcast_convert_type3A_590 = tpu.bitcast %shift_left3A_589 : vector<16xi32> -> vector<16xf32>
        %broadcast_in_dim3A_591 = arith.constant -65536 : i32
        %broadcast_in_dim3A_592 = vector.broadcast %broadcast_in_dim3A_591 : i32 to vector<16xi32>
        %and3A_593 = arith.andi %get3A_586, %broadcast_in_dim3A_592 : vector<16xi32>
        %bitcast_convert_type3A_594 = tpu.bitcast %and3A_593 : vector<16xi32> -> vector<16xf32>
        %add3A_595 = arith.addf %add3A_535, %bitcast_convert_type3A_590 : vector<16xf32>
        %add3A_596 = arith.addf %add3A_536, %bitcast_convert_type3A_594 : vector<16xf32>
        %get3A_597 = arith.index_cast %add3A_568 : i32 to index
        %get3A_598 = arith.constant 32 : index
        %get3A_599 = tpu.vector_load %arg6[%get3A_597, %get3A_598] {strides = array<i32>} : memref<200x64xi32, #tpu.memory_space<vmem>>, vector<1x16xi32>,
        %get3A_600 = vector.shape_cast %get3A_599 : vector<1x16xi32> to vector<16xi32>
        %broadcast_in_dim3A_601 = arith.constant 16 : i32
        %broadcast_in_dim3A_602 = vector.broadcast %broadcast_in_dim3A_601 : i32 to vector<16xi32>
        %shift_left3A_603 = arith.shli %get3A_600, %broadcast_in_dim3A_602 : vector<16xi32>
        %bitcast_convert_type3A_604 = tpu.bitcast %shift_left3A_603 : vector<16xi32> -> vector<16xf32>
        %broadcast_in_dim3A_605 = arith.constant -65536 : i32
        %broadcast_in_dim3A_606 = vector.broadcast %broadcast_in_dim3A_605 : i32 to vector<16xi32>
        %and3A_607 = arith.andi %get3A_600, %broadcast_in_dim3A_606 : vector<16xi32>
        %bitcast_convert_type3A_608 = tpu.bitcast %and3A_607 : vector<16xi32> -> vector<16xf32>
        %add3A_609 = arith.addf %add3A_549, %bitcast_convert_type3A_604 : vector<16xf32>
        %add3A_610 = arith.addf %add3A_550, %bitcast_convert_type3A_608 : vector<16xf32>
        %get3A_611 = arith.index_cast %add3A_568 : i32 to index
        %get3A_612 = arith.constant 48 : index
        %get3A_613 = tpu.vector_load %arg6[%get3A_611, %get3A_612] {strides = array<i32>} : memref<200x64xi32, #tpu.memory_space<vmem>>, vector<1x16xi32>,
        %get3A_614 = vector.shape_cast %get3A_613 : vector<1x16xi32> to vector<16xi32>
        %broadcast_in_dim3A_615 = arith.constant 16 : i32
        %broadcast_in_dim3A_616 = vector.broadcast %broadcast_in_dim3A_615 : i32 to vector<16xi32>
        %shift_left3A_617 = arith.shli %get3A_614, %broadcast_in_dim3A_616 : vector<16xi32>
        %bitcast_convert_type3A_618 = tpu.bitcast %shift_left3A_617 : vector<16xi32> -> vector<16xf32>
        %broadcast_in_dim3A_619 = arith.constant -65536 : i32
        %broadcast_in_dim3A_620 = vector.broadcast %broadcast_in_dim3A_619 : i32 to vector<16xi32>
        %and3A_621 = arith.andi %get3A_614, %broadcast_in_dim3A_620 : vector<16xi32>
        %bitcast_convert_type3A_622 = tpu.bitcast %and3A_621 : vector<16xi32> -> vector<16xf32>
        %add3A_623 = arith.addf %add3A_563, %bitcast_convert_type3A_618 : vector<16xf32>
        %add3A_624 = arith.addf %add3A_564, %bitcast_convert_type3A_622 : vector<16xf32>
        %mul3A_625 = arith.constant 4 : i32
        %mul3A_626 = arith.muli %mul3A_625, %scan3A_440 : i32
        %add3A_627 = arith.constant 3 : i32
        %add3A_628 = arith.addi %mul3A_626, %add3A_627 : i32
        %get3A_629 = arith.index_cast %add3A_628 : i32 to index
        %get3A_630 = arith.constant 0 : index
        %get3A_631 = tpu.vector_load %arg6[%get3A_629, %get3A_630] {strides = array<i32>} : memref<200x64xi32, #tpu.memory_space<vmem>>, vector<1x16xi32>,
        %get3A_632 = vector.shape_cast %get3A_631 : vector<1x16xi32> to vector<16xi32>
        %broadcast_in_dim3A_633 = arith.constant 16 : i32
        %broadcast_in_dim3A_634 = vector.broadcast %broadcast_in_dim3A_633 : i32 to vector<16xi32>
        %shift_left3A_635 = arith.shli %get3A_632, %broadcast_in_dim3A_634 : vector<16xi32>
        %bitcast_convert_type3A_636 = tpu.bitcast %shift_left3A_635 : vector<16xi32> -> vector<16xf32>
        %broadcast_in_dim3A_637 = arith.constant -65536 : i32
        %broadcast_in_dim3A_638 = vector.broadcast %broadcast_in_dim3A_637 : i32 to vector<16xi32>
        %and3A_639 = arith.andi %get3A_632, %broadcast_in_dim3A_638 : vector<16xi32>
        %bitcast_convert_type3A_640 = tpu.bitcast %and3A_639 : vector<16xi32> -> vector<16xf32>
        %add3A_641 = arith.addf %add3A_581, %bitcast_convert_type3A_636 : vector<16xf32>
        %add3A_642 = arith.addf %add3A_582, %bitcast_convert_type3A_640 : vector<16xf32>
        %get3A_643 = arith.index_cast %add3A_628 : i32 to index
        %get3A_644 = arith.constant 16 : index
        %get3A_645 = tpu.vector_load %arg6[%get3A_643, %get3A_644] {strides = array<i32>} : memref<200x64xi32, #tpu.memory_space<vmem>>, vector<1x16xi32>,
        %get3A_646 = vector.shape_cast %get3A_645 : vector<1x16xi32> to vector<16xi32>
        %broadcast_in_dim3A_647 = arith.constant 16 : i32
        %broadcast_in_dim3A_648 = vector.broadcast %broadcast_in_dim3A_647 : i32 to vector<16xi32>
        %shift_left3A_649 = arith.shli %get3A_646, %broadcast_in_dim3A_648 : vector<16xi32>
        %bitcast_convert_type3A_650 = tpu.bitcast %shift_left3A_649 : vector<16xi32> -> vector<16xf32>
        %broadcast_in_dim3A_651 = arith.constant -65536 : i32
        %broadcast_in_dim3A_652 = vector.broadcast %broadcast_in_dim3A_651 : i32 to vector<16xi32>
        %and3A_653 = arith.andi %get3A_646, %broadcast_in_dim3A_652 : vector<16xi32>
        %bitcast_convert_type3A_654 = tpu.bitcast %and3A_653 : vector<16xi32> -> vector<16xf32>
        %add3A_655 = arith.addf %add3A_595, %bitcast_convert_type3A_650 : vector<16xf32>
        %add3A_656 = arith.addf %add3A_596, %bitcast_convert_type3A_654 : vector<16xf32>
        %get3A_657 = arith.index_cast %add3A_628 : i32 to index
        %get3A_658 = arith.constant 32 : index
        %get3A_659 = tpu.vector_load %arg6[%get3A_657, %get3A_658] {strides = array<i32>} : memref<200x64xi32, #tpu.memory_space<vmem>>, vector<1x16xi32>,
        %get3A_660 = vector.shape_cast %get3A_659 : vector<1x16xi32> to vector<16xi32>
        %broadcast_in_dim3A_661 = arith.constant 16 : i32
        %broadcast_in_dim3A_662 = vector.broadcast %broadcast_in_dim3A_661 : i32 to vector<16xi32>
        %shift_left3A_663 = arith.shli %get3A_660, %broadcast_in_dim3A_662 : vector<16xi32>
        %bitcast_convert_type3A_664 = tpu.bitcast %shift_left3A_663 : vector<16xi32> -> vector<16xf32>
        %broadcast_in_dim3A_665 = arith.constant -65536 : i32
        %broadcast_in_dim3A_666 = vector.broadcast %broadcast_in_dim3A_665 : i32 to vector<16xi32>
        %and3A_667 = arith.andi %get3A_660, %broadcast_in_dim3A_666 : vector<16xi32>
        %bitcast_convert_type3A_668 = tpu.bitcast %and3A_667 : vector<16xi32> -> vector<16xf32>
        %add3A_669 = arith.addf %add3A_609, %bitcast_convert_type3A_664 : vector<16xf32>
        %add3A_670 = arith.addf %add3A_610, %bitcast_convert_type3A_668 : vector<16xf32>
        %get3A_671 = arith.index_cast %add3A_628 : i32 to index
        %get3A_672 = arith.constant 48 : index
        %get3A_673 = tpu.vector_load %arg6[%get3A_671, %get3A_672] {strides = array<i32>} : memref<200x64xi32, #tpu.memory_space<vmem>>, vector<1x16xi32>,
        %get3A_674 = vector.shape_cast %get3A_673 : vector<1x16xi32> to vector<16xi32>
        %broadcast_in_dim3A_675 = arith.constant 16 : i32
        %broadcast_in_dim3A_676 = vector.broadcast %broadcast_in_dim3A_675 : i32 to vector<16xi32>
        %shift_left3A_677 = arith.shli %get3A_674, %broadcast_in_dim3A_676 : vector<16xi32>
        %bitcast_convert_type3A_678 = tpu.bitcast %shift_left3A_677 : vector<16xi32> -> vector<16xf32>
        %broadcast_in_dim3A_679 = arith.constant -65536 : i32
        %broadcast_in_dim3A_680 = vector.broadcast %broadcast_in_dim3A_679 : i32 to vector<16xi32>
        %and3A_681 = arith.andi %get3A_674, %broadcast_in_dim3A_680 : vector<16xi32>
        %bitcast_convert_type3A_682 = tpu.bitcast %and3A_681 : vector<16xi32> -> vector<16xf32>
        %add3A_683 = arith.addf %add3A_623, %bitcast_convert_type3A_678 : vector<16xf32>
        %add3A_684 = arith.addf %add3A_624, %bitcast_convert_type3A_682 : vector<16xf32>
        scf.yield %add3A_641, %add3A_642, %add3A_655, %add3A_656, %add3A_669, %add3A_670, %add3A_683, %add3A_684 : vector<16xf32>, vector<16xf32>, vector<16xf32>, vector<16xf32>, vector<16xf32>, vector<16xf32>, vector<16xf32>, vector<16xf32>
      }
      %scan3A_122 = arith.constant 50 : i32
      %mul3A_123 = arith.constant 128 : i32
      %mul3A_124 = arith.muli %add3A_86, %mul3A_123 : i32
      %add3A_125 = arith.constant 0 : i32
      %add3A_126 = arith.addi %mul3A_124, %add3A_125 : i32
      %multiple_of3A_127 = tpu.assume_multiple %add3A_126, 16 : i32
      %swap3A = arith.index_cast %multiple_of3A_127 : i32 to index
      %swap3A_128 = tpu.vector_load %arg9[%swap3A] {strides = array<i32>} : memref<16896xf32, #tpu.memory_space<vmem>>, vector<16xf32>,
      %swap3A_129 = vector.shape_cast %swap3A_128 : vector<16xf32> to vector<16xf32>
      %swap3A_130 = vector.shape_cast %scan3A_121#0 : vector<16xf32> to vector<16xf32>
      tpu.vector_store %arg9[%swap3A], %swap3A_130 {strides = array<i32>} : memref<16896xf32, #tpu.memory_space<vmem>>, vector<16xf32>,
      %mul3A_131 = arith.constant 128 : i32
      %mul3A_132 = arith.muli %add3A_86, %mul3A_131 : i32
      %add3A_133 = arith.constant 16 : i32
      %add3A_134 = arith.addi %mul3A_132, %add3A_133 : i32
      %multiple_of3A_135 = tpu.assume_multiple %add3A_134, 16 : i32
      %swap3A_136 = arith.index_cast %multiple_of3A_135 : i32 to index
      %swap3A_137 = tpu.vector_load %arg9[%swap3A_136] {strides = array<i32>} : memref<16896xf32, #tpu.memory_space<vmem>>, vector<16xf32>,
      %swap3A_138 = vector.shape_cast %swap3A_137 : vector<16xf32> to vector<16xf32>
      %swap3A_139 = vector.shape_cast %scan3A_121#1 : vector<16xf32> to vector<16xf32>
      tpu.vector_store %arg9[%swap3A_136], %swap3A_139 {strides = array<i32>} : memref<16896xf32, #tpu.memory_space<vmem>>, vector<16xf32>,
      %mul3A_140 = arith.constant 128 : i32
      %mul3A_141 = arith.muli %add3A_86, %mul3A_140 : i32
      %add3A_142 = arith.constant 32 : i32
      %add3A_143 = arith.addi %mul3A_141, %add3A_142 : i32
      %multiple_of3A_144 = tpu.assume_multiple %add3A_143, 16 : i32
      %swap3A_145 = arith.index_cast %multiple_of3A_144 : i32 to index
      %swap3A_146 = tpu.vector_load %arg9[%swap3A_145] {strides = array<i32>} : memref<16896xf32, #tpu.memory_space<vmem>>, vector<16xf32>,
      %swap3A_147 = vector.shape_cast %swap3A_146 : vector<16xf32> to vector<16xf32>
      %swap3A_148 = vector.shape_cast %scan3A_121#2 : vector<16xf32> to vector<16xf32>
      tpu.vector_store %arg9[%swap3A_145], %swap3A_148 {strides = array<i32>} : memref<16896xf32, #tpu.memory_space<vmem>>, vector<16xf32>,
      %mul3A_149 = arith.constant 128 : i32
      %mul3A_150 = arith.muli %add3A_86, %mul3A_149 : i32
      %add3A_151 = arith.constant 48 : i32
      %add3A_152 = arith.addi %mul3A_150, %add3A_151 : i32
      %multiple_of3A_153 = tpu.assume_multiple %add3A_152, 16 : i32
      %swap3A_154 = arith.index_cast %multiple_of3A_153 : i32 to index
      %swap3A_155 = tpu.vector_load %arg9[%swap3A_154] {strides = array<i32>} : memref<16896xf32, #tpu.memory_space<vmem>>, vector<16xf32>,
      %swap3A_156 = vector.shape_cast %swap3A_155 : vector<16xf32> to vector<16xf32>
      %swap3A_157 = vector.shape_cast %scan3A_121#3 : vector<16xf32> to vector<16xf32>
      tpu.vector_store %arg9[%swap3A_154], %swap3A_157 {strides = array<i32>} : memref<16896xf32, #tpu.memory_space<vmem>>, vector<16xf32>,
      %mul3A_158 = arith.constant 128 : i32
      %mul3A_159 = arith.muli %add3A_86, %mul3A_158 : i32
      %add3A_160 = arith.constant 64 : i32
      %add3A_161 = arith.addi %mul3A_159, %add3A_160 : i32
      %multiple_of3A_162 = tpu.assume_multiple %add3A_161, 16 : i32
      %swap3A_163 = arith.index_cast %multiple_of3A_162 : i32 to index
      %swap3A_164 = tpu.vector_load %arg9[%swap3A_163] {strides = array<i32>} : memref<16896xf32, #tpu.memory_space<vmem>>, vector<16xf32>,
      %swap3A_165 = vector.shape_cast %swap3A_164 : vector<16xf32> to vector<16xf32>
      %swap3A_166 = vector.shape_cast %scan3A_121#4 : vector<16xf32> to vector<16xf32>
      tpu.vector_store %arg9[%swap3A_163], %swap3A_166 {strides = array<i32>} : memref<16896xf32, #tpu.memory_space<vmem>>, vector<16xf32>,
      %mul3A_167 = arith.constant 128 : i32
      %mul3A_168 = arith.muli %add3A_86, %mul3A_167 : i32
      %add3A_169 = arith.constant 80 : i32
      %add3A_170 = arith.addi %mul3A_168, %add3A_169 : i32
      %multiple_of3A_171 = tpu.assume_multiple %add3A_170, 16 : i32
      %swap3A_172 = arith.index_cast %multiple_of3A_171 : i32 to index
      %swap3A_173 = tpu.vector_load %arg9[%swap3A_172] {strides = array<i32>} : memref<16896xf32, #tpu.memory_space<vmem>>, vector<16xf32>,
      %swap3A_174 = vector.shape_cast %swap3A_173 : vector<16xf32> to vector<16xf32>
      %swap3A_175 = vector.shape_cast %scan3A_121#5 : vector<16xf32> to vector<16xf32>
      tpu.vector_store %arg9[%swap3A_172], %swap3A_175 {strides = array<i32>} : memref<16896xf32, #tpu.memory_space<vmem>>, vector<16xf32>,
      %mul3A_176 = arith.constant 128 : i32
      %mul3A_177 = arith.muli %add3A_86, %mul3A_176 : i32
      %add3A_178 = arith.constant 96 : i32
      %add3A_179 = arith.addi %mul3A_177, %add3A_178 : i32
      %multiple_of3A_180 = tpu.assume_multiple %add3A_179, 16 : i32
      %swap3A_181 = arith.index_cast %multiple_of3A_180 : i32 to index
      %swap3A_182 = tpu.vector_load %arg9[%swap3A_181] {strides = array<i32>} : memref<16896xf32, #tpu.memory_space<vmem>>, vector<16xf32>,
      %swap3A_183 = vector.shape_cast %swap3A_182 : vector<16xf32> to vector<16xf32>
      %swap3A_184 = vector.shape_cast %scan3A_121#6 : vector<16xf32> to vector<16xf32>
      tpu.vector_store %arg9[%swap3A_181], %swap3A_184 {strides = array<i32>} : memref<16896xf32, #tpu.memory_space<vmem>>, vector<16xf32>,
      %mul3A_185 = arith.constant 128 : i32
      %mul3A_186 = arith.muli %add3A_86, %mul3A_185 : i32
      %add3A_187 = arith.constant 112 : i32
      %add3A_188 = arith.addi %mul3A_186, %add3A_187 : i32
      %multiple_of3A_189 = tpu.assume_multiple %add3A_188, 16 : i32
      %swap3A_190 = arith.index_cast %multiple_of3A_189 : i32 to index
      %swap3A_191 = tpu.vector_load %arg9[%swap3A_190] {strides = array<i32>} : memref<16896xf32, #tpu.memory_space<vmem>>, vector<16xf32>,
      %swap3A_192 = vector.shape_cast %swap3A_191 : vector<16xf32> to vector<16xf32>
      %swap3A_193 = vector.shape_cast %scan3A_121#7 : vector<16xf32> to vector<16xf32>
      tpu.vector_store %arg9[%swap3A_190], %swap3A_193 {strides = array<i32>} : memref<16896xf32, #tpu.memory_space<vmem>>, vector<16xf32>,
      %add3A_194 = arith.constant 3 : i32
      %add3A_195 = arith.addi %add3A_86, %add3A_194 : i32
      %lt3A = arith.constant 132 : i32
      %lt3A_196 = arith.cmpi slt, %add3A_195, %lt3A : i32
      %convert_element_type3A = arith.extui %lt3A_196 : i1 to i32
      %cond3A = arith.constant 0 : i32
      %cond3A_197 = arith.cmpi ne, %convert_element_type3A, %cond3A : i32
      scf.if %cond3A_197 {
        %add3A_440 = arith.constant 3 : i32
        %add3A_441 = arith.addi %add3A_86, %add3A_440 : i32
        %mul3A_442 = arith.constant 200 : i32
        %mul3A_443 = arith.muli %add3A_441, %mul3A_442 : i32
        %multiple_of3A_444 = tpu.assume_multiple %mul3A_443, 8 : i32
        %dma_start3A_445 = arith.constant 0 : i32
        %dma_start3A_446 = arith.constant 0 : i32
        %dma_start3A_447 = tpu.memref_slice %arg6[%dma_start3A_445, %dma_start3A_446] : memref<200x64xi32, #tpu.memory_space<vmem>> -> memref<96x64xi32, #tpu.memory_space<vmem>>
        %dma_start3A_448 = tpu.memref_slice %arg5[%multiple_of3A_444] : memref<26400xi32, #tpu.memory_space<vmem>> -> memref<96xi32, #tpu.memory_space<vmem>>
        %dma_start3A_449 = arith.constant 0 : i32
        %dma_start3A_450 = arith.constant 0 : i32
        %dma_start3A_451 = tpu.memref_slice %arg2[%dma_start3A_449, %dma_start3A_450] : memref<100001x64xi32, #tpu.memory_space<hbm>> -> memref<100001x64xi32, #tpu.memory_space<hbm>>
        tpu.enqueue_indirect_dma source(%dma_start3A_451 : memref<100001x64xi32, #tpu.memory_space<hbm>>) target(%dma_start3A_447 : memref<96x64xi32, #tpu.memory_space<vmem>>) offsets(%dma_start3A_448 : memref<96xi32, #tpu.memory_space<vmem>>) semaphore(%arg10 : memref<!tpu.dma_semaphore, #tpu.memory_space<semaphore_mem>>)
        %mul3A_452 = arith.constant 200 : i32
        %mul3A_453 = arith.muli %add3A_441, %mul3A_452 : i32
        %add3A_454 = arith.constant 96 : i32
        %add3A_455 = arith.addi %mul3A_453, %add3A_454 : i32
        %multiple_of3A_456 = tpu.assume_multiple %add3A_455, 8 : i32
        %dma_start3A_457 = arith.constant 96 : i32
        %dma_start3A_458 = arith.constant 0 : i32
        %dma_start3A_459 = tpu.memref_slice %arg6[%dma_start3A_457, %dma_start3A_458] : memref<200x64xi32, #tpu.memory_space<vmem>> -> memref<104x64xi32, #tpu.memory_space<vmem>>
        %dma_start3A_460 = tpu.memref_slice %arg5[%multiple_of3A_456] : memref<26400xi32, #tpu.memory_space<vmem>> -> memref<104xi32, #tpu.memory_space<vmem>>
        %dma_start3A_461 = arith.constant 0 : i32
        %dma_start3A_462 = arith.constant 0 : i32
        %dma_start3A_463 = tpu.memref_slice %arg2[%dma_start3A_461, %dma_start3A_462] : memref<100001x64xi32, #tpu.memory_space<hbm>> -> memref<100001x64xi32, #tpu.memory_space<hbm>>
        tpu.enqueue_indirect_dma source(%dma_start3A_463 : memref<100001x64xi32, #tpu.memory_space<hbm>>) target(%dma_start3A_459 : memref<104x64xi32, #tpu.memory_space<vmem>>) offsets(%dma_start3A_460 : memref<104xi32, #tpu.memory_space<vmem>>) semaphore(%arg10 : memref<!tpu.dma_semaphore, #tpu.memory_space<semaphore_mem>>)
      } else {
      }
      %mul3A_198 = arith.constant 3 : i32
      %mul3A_199 = arith.muli %mul3A_198, %scan3A_82 : i32
      %add3A_200 = arith.constant 1 : i32
      %add3A_201 = arith.addi %mul3A_199, %add3A_200 : i32
      %dma_wait3A_202 = arith.constant 0 : i32
      %dma_wait3A_203 = arith.constant 0 : i32
      %dma_wait3A_204 = tpu.memref_slice %arg7[%dma_wait3A_202, %dma_wait3A_203] : memref<200x64xi32, #tpu.memory_space<vmem>> -> memref<96x64xi32, #tpu.memory_space<vmem>>
      %dma_wait3A_205 = arith.constant 0 : i32
      %dma_wait3A_206 = tpu.memref_slice %arg5[%dma_wait3A_205] : memref<26400xi32, #tpu.memory_space<vmem>> -> memref<96xi32, #tpu.memory_space<vmem>>
      %dma_wait3A_207 = arith.constant 0 : i32
      %dma_wait3A_208 = arith.constant 0 : i32
      %dma_wait3A_209 = tpu.memref_slice %arg2[%dma_wait3A_207, %dma_wait3A_208] : memref<100001x64xi32, #tpu.memory_space<hbm>> -> memref<100001x64xi32, #tpu.memory_space<hbm>>
      tpu.wait_indirect_dma semaphore(%arg11 : memref<!tpu.dma_semaphore, #tpu.memory_space<semaphore_mem>>) src(%dma_wait3A_209 : memref<100001x64xi32, #tpu.memory_space<hbm>>) dst(%dma_wait3A_204 : memref<96x64xi32, #tpu.memory_space<vmem>>)
      %dma_wait3A_210 = arith.constant 96 : i32
      %dma_wait3A_211 = arith.constant 0 : i32
      %dma_wait3A_212 = tpu.memref_slice %arg7[%dma_wait3A_210, %dma_wait3A_211] : memref<200x64xi32, #tpu.memory_space<vmem>> -> memref<104x64xi32, #tpu.memory_space<vmem>>
      %dma_wait3A_213 = arith.constant 96 : i32
      %dma_wait3A_214 = tpu.memref_slice %arg5[%dma_wait3A_213] : memref<26400xi32, #tpu.memory_space<vmem>> -> memref<104xi32, #tpu.memory_space<vmem>>
      %dma_wait3A_215 = arith.constant 0 : i32
      %dma_wait3A_216 = arith.constant 0 : i32
      %dma_wait3A_217 = tpu.memref_slice %arg2[%dma_wait3A_215, %dma_wait3A_216] : memref<100001x64xi32, #tpu.memory_space<hbm>> -> memref<100001x64xi32, #tpu.memory_space<hbm>>
      tpu.wait_indirect_dma semaphore(%arg11 : memref<!tpu.dma_semaphore, #tpu.memory_space<semaphore_mem>>) src(%dma_wait3A_217 : memref<100001x64xi32, #tpu.memory_space<hbm>>) dst(%dma_wait3A_212 : memref<104x64xi32, #tpu.memory_space<vmem>>)
      %broadcast_in_dim3A_218 = arith.constant 0.000000e+00 : f32
      %broadcast_in_dim3A_219 = vector.broadcast %broadcast_in_dim3A_218 : f32 to vector<16xf32>
      %broadcast_in_dim3A_220 = arith.constant 0.000000e+00 : f32
      %broadcast_in_dim3A_221 = vector.broadcast %broadcast_in_dim3A_220 : f32 to vector<16xf32>
      %broadcast_in_dim3A_222 = arith.constant 0.000000e+00 : f32
      %broadcast_in_dim3A_223 = vector.broadcast %broadcast_in_dim3A_222 : f32 to vector<16xf32>
      %broadcast_in_dim3A_224 = arith.constant 0.000000e+00 : f32
      %broadcast_in_dim3A_225 = vector.broadcast %broadcast_in_dim3A_224 : f32 to vector<16xf32>
      %broadcast_in_dim3A_226 = arith.constant 0.000000e+00 : f32
      %broadcast_in_dim3A_227 = vector.broadcast %broadcast_in_dim3A_226 : f32 to vector<16xf32>
      %broadcast_in_dim3A_228 = arith.constant 0.000000e+00 : f32
      %broadcast_in_dim3A_229 = vector.broadcast %broadcast_in_dim3A_228 : f32 to vector<16xf32>
      %broadcast_in_dim3A_230 = arith.constant 0.000000e+00 : f32
      %broadcast_in_dim3A_231 = vector.broadcast %broadcast_in_dim3A_230 : f32 to vector<16xf32>
      %broadcast_in_dim3A_232 = arith.constant 0.000000e+00 : f32
      %broadcast_in_dim3A_233 = vector.broadcast %broadcast_in_dim3A_232 : f32 to vector<16xf32>
      %scan3A_234 = arith.constant 0 : i32
      %scan3A_235 = arith.constant 50 : i32
      %scan3A_236 = arith.addi %scan3A_234, %scan3A_235 : i32
      %scan3A_237 = arith.constant 1 : i32
      %scan3A_238:8 = scf.for %scan3A_440 = %scan3A_234 to %scan3A_236 step %scan3A_237 iter_args(%scan3A_441 = %broadcast_in_dim3A_219, %scan3A_442 = %broadcast_in_dim3A_221, %scan3A_443 = %broadcast_in_dim3A_223, %scan3A_444 = %broadcast_in_dim3A_225, %scan3A_445 = %broadcast_in_dim3A_227, %scan3A_446 = %broadcast_in_dim3A_229, %scan3A_447 = %broadcast_in_dim3A_231, %scan3A_448 = %broadcast_in_dim3A_233) -> (vector<16xf32>, vector<16xf32>, vector<16xf32>, vector<16xf32>, vector<16xf32>, vector<16xf32>, vector<16xf32>, vector<16xf32>)  : i32 {
        %mul3A_449 = arith.constant 4 : i32
        %mul3A_450 = arith.muli %mul3A_449, %scan3A_440 : i32
        %add3A_451 = arith.constant 0 : i32
        %add3A_452 = arith.addi %mul3A_450, %add3A_451 : i32
        %get3A = arith.index_cast %add3A_452 : i32 to index
        %get3A_453 = arith.constant 0 : index
        %get3A_454 = tpu.vector_load %arg7[%get3A, %get3A_453] {strides = array<i32>} : memref<200x64xi32, #tpu.memory_space<vmem>>, vector<1x16xi32>,
        %get3A_455 = vector.shape_cast %get3A_454 : vector<1x16xi32> to vector<16xi32>
        %broadcast_in_dim3A_456 = arith.constant 16 : i32
        %broadcast_in_dim3A_457 = vector.broadcast %broadcast_in_dim3A_456 : i32 to vector<16xi32>
        %shift_left3A = arith.shli %get3A_455, %broadcast_in_dim3A_457 : vector<16xi32>
        %bitcast_convert_type3A = tpu.bitcast %shift_left3A : vector<16xi32> -> vector<16xf32>
        %broadcast_in_dim3A_458 = arith.constant -65536 : i32
        %broadcast_in_dim3A_459 = vector.broadcast %broadcast_in_dim3A_458 : i32 to vector<16xi32>
        %and3A = arith.andi %get3A_455, %broadcast_in_dim3A_459 : vector<16xi32>
        %bitcast_convert_type3A_460 = tpu.bitcast %and3A : vector<16xi32> -> vector<16xf32>
        %add3A_461 = arith.addf %scan3A_441, %bitcast_convert_type3A : vector<16xf32>
        %add3A_462 = arith.addf %scan3A_442, %bitcast_convert_type3A_460 : vector<16xf32>
        %get3A_463 = arith.index_cast %add3A_452 : i32 to index
        %get3A_464 = arith.constant 16 : index
        %get3A_465 = tpu.vector_load %arg7[%get3A_463, %get3A_464] {strides = array<i32>} : memref<200x64xi32, #tpu.memory_space<vmem>>, vector<1x16xi32>,
        %get3A_466 = vector.shape_cast %get3A_465 : vector<1x16xi32> to vector<16xi32>
        %broadcast_in_dim3A_467 = arith.constant 16 : i32
        %broadcast_in_dim3A_468 = vector.broadcast %broadcast_in_dim3A_467 : i32 to vector<16xi32>
        %shift_left3A_469 = arith.shli %get3A_466, %broadcast_in_dim3A_468 : vector<16xi32>
        %bitcast_convert_type3A_470 = tpu.bitcast %shift_left3A_469 : vector<16xi32> -> vector<16xf32>
        %broadcast_in_dim3A_471 = arith.constant -65536 : i32
        %broadcast_in_dim3A_472 = vector.broadcast %broadcast_in_dim3A_471 : i32 to vector<16xi32>
        %and3A_473 = arith.andi %get3A_466, %broadcast_in_dim3A_472 : vector<16xi32>
        %bitcast_convert_type3A_474 = tpu.bitcast %and3A_473 : vector<16xi32> -> vector<16xf32>
        %add3A_475 = arith.addf %scan3A_443, %bitcast_convert_type3A_470 : vector<16xf32>
        %add3A_476 = arith.addf %scan3A_444, %bitcast_convert_type3A_474 : vector<16xf32>
        %get3A_477 = arith.index_cast %add3A_452 : i32 to index
        %get3A_478 = arith.constant 32 : index
        %get3A_479 = tpu.vector_load %arg7[%get3A_477, %get3A_478] {strides = array<i32>} : memref<200x64xi32, #tpu.memory_space<vmem>>, vector<1x16xi32>,
        %get3A_480 = vector.shape_cast %get3A_479 : vector<1x16xi32> to vector<16xi32>
        %broadcast_in_dim3A_481 = arith.constant 16 : i32
        %broadcast_in_dim3A_482 = vector.broadcast %broadcast_in_dim3A_481 : i32 to vector<16xi32>
        %shift_left3A_483 = arith.shli %get3A_480, %broadcast_in_dim3A_482 : vector<16xi32>
        %bitcast_convert_type3A_484 = tpu.bitcast %shift_left3A_483 : vector<16xi32> -> vector<16xf32>
        %broadcast_in_dim3A_485 = arith.constant -65536 : i32
        %broadcast_in_dim3A_486 = vector.broadcast %broadcast_in_dim3A_485 : i32 to vector<16xi32>
        %and3A_487 = arith.andi %get3A_480, %broadcast_in_dim3A_486 : vector<16xi32>
        %bitcast_convert_type3A_488 = tpu.bitcast %and3A_487 : vector<16xi32> -> vector<16xf32>
        %add3A_489 = arith.addf %scan3A_445, %bitcast_convert_type3A_484 : vector<16xf32>
        %add3A_490 = arith.addf %scan3A_446, %bitcast_convert_type3A_488 : vector<16xf32>
        %get3A_491 = arith.index_cast %add3A_452 : i32 to index
        %get3A_492 = arith.constant 48 : index
        %get3A_493 = tpu.vector_load %arg7[%get3A_491, %get3A_492] {strides = array<i32>} : memref<200x64xi32, #tpu.memory_space<vmem>>, vector<1x16xi32>,
        %get3A_494 = vector.shape_cast %get3A_493 : vector<1x16xi32> to vector<16xi32>
        %broadcast_in_dim3A_495 = arith.constant 16 : i32
        %broadcast_in_dim3A_496 = vector.broadcast %broadcast_in_dim3A_495 : i32 to vector<16xi32>
        %shift_left3A_497 = arith.shli %get3A_494, %broadcast_in_dim3A_496 : vector<16xi32>
        %bitcast_convert_type3A_498 = tpu.bitcast %shift_left3A_497 : vector<16xi32> -> vector<16xf32>
        %broadcast_in_dim3A_499 = arith.constant -65536 : i32
        %broadcast_in_dim3A_500 = vector.broadcast %broadcast_in_dim3A_499 : i32 to vector<16xi32>
        %and3A_501 = arith.andi %get3A_494, %broadcast_in_dim3A_500 : vector<16xi32>
        %bitcast_convert_type3A_502 = tpu.bitcast %and3A_501 : vector<16xi32> -> vector<16xf32>
        %add3A_503 = arith.addf %scan3A_447, %bitcast_convert_type3A_498 : vector<16xf32>
        %add3A_504 = arith.addf %scan3A_448, %bitcast_convert_type3A_502 : vector<16xf32>
        %mul3A_505 = arith.constant 4 : i32
        %mul3A_506 = arith.muli %mul3A_505, %scan3A_440 : i32
        %add3A_507 = arith.constant 1 : i32
        %add3A_508 = arith.addi %mul3A_506, %add3A_507 : i32
        %get3A_509 = arith.index_cast %add3A_508 : i32 to index
        %get3A_510 = arith.constant 0 : index
        %get3A_511 = tpu.vector_load %arg7[%get3A_509, %get3A_510] {strides = array<i32>} : memref<200x64xi32, #tpu.memory_space<vmem>>, vector<1x16xi32>,
        %get3A_512 = vector.shape_cast %get3A_511 : vector<1x16xi32> to vector<16xi32>
        %broadcast_in_dim3A_513 = arith.constant 16 : i32
        %broadcast_in_dim3A_514 = vector.broadcast %broadcast_in_dim3A_513 : i32 to vector<16xi32>
        %shift_left3A_515 = arith.shli %get3A_512, %broadcast_in_dim3A_514 : vector<16xi32>
        %bitcast_convert_type3A_516 = tpu.bitcast %shift_left3A_515 : vector<16xi32> -> vector<16xf32>
        %broadcast_in_dim3A_517 = arith.constant -65536 : i32
        %broadcast_in_dim3A_518 = vector.broadcast %broadcast_in_dim3A_517 : i32 to vector<16xi32>
        %and3A_519 = arith.andi %get3A_512, %broadcast_in_dim3A_518 : vector<16xi32>
        %bitcast_convert_type3A_520 = tpu.bitcast %and3A_519 : vector<16xi32> -> vector<16xf32>
        %add3A_521 = arith.addf %add3A_461, %bitcast_convert_type3A_516 : vector<16xf32>
        %add3A_522 = arith.addf %add3A_462, %bitcast_convert_type3A_520 : vector<16xf32>
        %get3A_523 = arith.index_cast %add3A_508 : i32 to index
        %get3A_524 = arith.constant 16 : index
        %get3A_525 = tpu.vector_load %arg7[%get3A_523, %get3A_524] {strides = array<i32>} : memref<200x64xi32, #tpu.memory_space<vmem>>, vector<1x16xi32>,
        %get3A_526 = vector.shape_cast %get3A_525 : vector<1x16xi32> to vector<16xi32>
        %broadcast_in_dim3A_527 = arith.constant 16 : i32
        %broadcast_in_dim3A_528 = vector.broadcast %broadcast_in_dim3A_527 : i32 to vector<16xi32>
        %shift_left3A_529 = arith.shli %get3A_526, %broadcast_in_dim3A_528 : vector<16xi32>
        %bitcast_convert_type3A_530 = tpu.bitcast %shift_left3A_529 : vector<16xi32> -> vector<16xf32>
        %broadcast_in_dim3A_531 = arith.constant -65536 : i32
        %broadcast_in_dim3A_532 = vector.broadcast %broadcast_in_dim3A_531 : i32 to vector<16xi32>
        %and3A_533 = arith.andi %get3A_526, %broadcast_in_dim3A_532 : vector<16xi32>
        %bitcast_convert_type3A_534 = tpu.bitcast %and3A_533 : vector<16xi32> -> vector<16xf32>
        %add3A_535 = arith.addf %add3A_475, %bitcast_convert_type3A_530 : vector<16xf32>
        %add3A_536 = arith.addf %add3A_476, %bitcast_convert_type3A_534 : vector<16xf32>
        %get3A_537 = arith.index_cast %add3A_508 : i32 to index
        %get3A_538 = arith.constant 32 : index
        %get3A_539 = tpu.vector_load %arg7[%get3A_537, %get3A_538] {strides = array<i32>} : memref<200x64xi32, #tpu.memory_space<vmem>>, vector<1x16xi32>,
        %get3A_540 = vector.shape_cast %get3A_539 : vector<1x16xi32> to vector<16xi32>
        %broadcast_in_dim3A_541 = arith.constant 16 : i32
        %broadcast_in_dim3A_542 = vector.broadcast %broadcast_in_dim3A_541 : i32 to vector<16xi32>
        %shift_left3A_543 = arith.shli %get3A_540, %broadcast_in_dim3A_542 : vector<16xi32>
        %bitcast_convert_type3A_544 = tpu.bitcast %shift_left3A_543 : vector<16xi32> -> vector<16xf32>
        %broadcast_in_dim3A_545 = arith.constant -65536 : i32
        %broadcast_in_dim3A_546 = vector.broadcast %broadcast_in_dim3A_545 : i32 to vector<16xi32>
        %and3A_547 = arith.andi %get3A_540, %broadcast_in_dim3A_546 : vector<16xi32>
        %bitcast_convert_type3A_548 = tpu.bitcast %and3A_547 : vector<16xi32> -> vector<16xf32>
        %add3A_549 = arith.addf %add3A_489, %bitcast_convert_type3A_544 : vector<16xf32>
        %add3A_550 = arith.addf %add3A_490, %bitcast_convert_type3A_548 : vector<16xf32>
        %get3A_551 = arith.index_cast %add3A_508 : i32 to index
        %get3A_552 = arith.constant 48 : index
        %get3A_553 = tpu.vector_load %arg7[%get3A_551, %get3A_552] {strides = array<i32>} : memref<200x64xi32, #tpu.memory_space<vmem>>, vector<1x16xi32>,
        %get3A_554 = vector.shape_cast %get3A_553 : vector<1x16xi32> to vector<16xi32>
        %broadcast_in_dim3A_555 = arith.constant 16 : i32
        %broadcast_in_dim3A_556 = vector.broadcast %broadcast_in_dim3A_555 : i32 to vector<16xi32>
        %shift_left3A_557 = arith.shli %get3A_554, %broadcast_in_dim3A_556 : vector<16xi32>
        %bitcast_convert_type3A_558 = tpu.bitcast %shift_left3A_557 : vector<16xi32> -> vector<16xf32>
        %broadcast_in_dim3A_559 = arith.constant -65536 : i32
        %broadcast_in_dim3A_560 = vector.broadcast %broadcast_in_dim3A_559 : i32 to vector<16xi32>
        %and3A_561 = arith.andi %get3A_554, %broadcast_in_dim3A_560 : vector<16xi32>
        %bitcast_convert_type3A_562 = tpu.bitcast %and3A_561 : vector<16xi32> -> vector<16xf32>
        %add3A_563 = arith.addf %add3A_503, %bitcast_convert_type3A_558 : vector<16xf32>
        %add3A_564 = arith.addf %add3A_504, %bitcast_convert_type3A_562 : vector<16xf32>
        %mul3A_565 = arith.constant 4 : i32
        %mul3A_566 = arith.muli %mul3A_565, %scan3A_440 : i32
        %add3A_567 = arith.constant 2 : i32
        %add3A_568 = arith.addi %mul3A_566, %add3A_567 : i32
        %get3A_569 = arith.index_cast %add3A_568 : i32 to index
        %get3A_570 = arith.constant 0 : index
        %get3A_571 = tpu.vector_load %arg7[%get3A_569, %get3A_570] {strides = array<i32>} : memref<200x64xi32, #tpu.memory_space<vmem>>, vector<1x16xi32>,
        %get3A_572 = vector.shape_cast %get3A_571 : vector<1x16xi32> to vector<16xi32>
        %broadcast_in_dim3A_573 = arith.constant 16 : i32
        %broadcast_in_dim3A_574 = vector.broadcast %broadcast_in_dim3A_573 : i32 to vector<16xi32>
        %shift_left3A_575 = arith.shli %get3A_572, %broadcast_in_dim3A_574 : vector<16xi32>
        %bitcast_convert_type3A_576 = tpu.bitcast %shift_left3A_575 : vector<16xi32> -> vector<16xf32>
        %broadcast_in_dim3A_577 = arith.constant -65536 : i32
        %broadcast_in_dim3A_578 = vector.broadcast %broadcast_in_dim3A_577 : i32 to vector<16xi32>
        %and3A_579 = arith.andi %get3A_572, %broadcast_in_dim3A_578 : vector<16xi32>
        %bitcast_convert_type3A_580 = tpu.bitcast %and3A_579 : vector<16xi32> -> vector<16xf32>
        %add3A_581 = arith.addf %add3A_521, %bitcast_convert_type3A_576 : vector<16xf32>
        %add3A_582 = arith.addf %add3A_522, %bitcast_convert_type3A_580 : vector<16xf32>
        %get3A_583 = arith.index_cast %add3A_568 : i32 to index
        %get3A_584 = arith.constant 16 : index
        %get3A_585 = tpu.vector_load %arg7[%get3A_583, %get3A_584] {strides = array<i32>} : memref<200x64xi32, #tpu.memory_space<vmem>>, vector<1x16xi32>,
        %get3A_586 = vector.shape_cast %get3A_585 : vector<1x16xi32> to vector<16xi32>
        %broadcast_in_dim3A_587 = arith.constant 16 : i32
        %broadcast_in_dim3A_588 = vector.broadcast %broadcast_in_dim3A_587 : i32 to vector<16xi32>
        %shift_left3A_589 = arith.shli %get3A_586, %broadcast_in_dim3A_588 : vector<16xi32>
        %bitcast_convert_type3A_590 = tpu.bitcast %shift_left3A_589 : vector<16xi32> -> vector<16xf32>
        %broadcast_in_dim3A_591 = arith.constant -65536 : i32
        %broadcast_in_dim3A_592 = vector.broadcast %broadcast_in_dim3A_591 : i32 to vector<16xi32>
        %and3A_593 = arith.andi %get3A_586, %broadcast_in_dim3A_592 : vector<16xi32>
        %bitcast_convert_type3A_594 = tpu.bitcast %and3A_593 : vector<16xi32> -> vector<16xf32>
        %add3A_595 = arith.addf %add3A_535, %bitcast_convert_type3A_590 : vector<16xf32>
        %add3A_596 = arith.addf %add3A_536, %bitcast_convert_type3A_594 : vector<16xf32>
        %get3A_597 = arith.index_cast %add3A_568 : i32 to index
        %get3A_598 = arith.constant 32 : index
        %get3A_599 = tpu.vector_load %arg7[%get3A_597, %get3A_598] {strides = array<i32>} : memref<200x64xi32, #tpu.memory_space<vmem>>, vector<1x16xi32>,
        %get3A_600 = vector.shape_cast %get3A_599 : vector<1x16xi32> to vector<16xi32>
        %broadcast_in_dim3A_601 = arith.constant 16 : i32
        %broadcast_in_dim3A_602 = vector.broadcast %broadcast_in_dim3A_601 : i32 to vector<16xi32>
        %shift_left3A_603 = arith.shli %get3A_600, %broadcast_in_dim3A_602 : vector<16xi32>
        %bitcast_convert_type3A_604 = tpu.bitcast %shift_left3A_603 : vector<16xi32> -> vector<16xf32>
        %broadcast_in_dim3A_605 = arith.constant -65536 : i32
        %broadcast_in_dim3A_606 = vector.broadcast %broadcast_in_dim3A_605 : i32 to vector<16xi32>
        %and3A_607 = arith.andi %get3A_600, %broadcast_in_dim3A_606 : vector<16xi32>
        %bitcast_convert_type3A_608 = tpu.bitcast %and3A_607 : vector<16xi32> -> vector<16xf32>
        %add3A_609 = arith.addf %add3A_549, %bitcast_convert_type3A_604 : vector<16xf32>
        %add3A_610 = arith.addf %add3A_550, %bitcast_convert_type3A_608 : vector<16xf32>
        %get3A_611 = arith.index_cast %add3A_568 : i32 to index
        %get3A_612 = arith.constant 48 : index
        %get3A_613 = tpu.vector_load %arg7[%get3A_611, %get3A_612] {strides = array<i32>} : memref<200x64xi32, #tpu.memory_space<vmem>>, vector<1x16xi32>,
        %get3A_614 = vector.shape_cast %get3A_613 : vector<1x16xi32> to vector<16xi32>
        %broadcast_in_dim3A_615 = arith.constant 16 : i32
        %broadcast_in_dim3A_616 = vector.broadcast %broadcast_in_dim3A_615 : i32 to vector<16xi32>
        %shift_left3A_617 = arith.shli %get3A_614, %broadcast_in_dim3A_616 : vector<16xi32>
        %bitcast_convert_type3A_618 = tpu.bitcast %shift_left3A_617 : vector<16xi32> -> vector<16xf32>
        %broadcast_in_dim3A_619 = arith.constant -65536 : i32
        %broadcast_in_dim3A_620 = vector.broadcast %broadcast_in_dim3A_619 : i32 to vector<16xi32>
        %and3A_621 = arith.andi %get3A_614, %broadcast_in_dim3A_620 : vector<16xi32>
        %bitcast_convert_type3A_622 = tpu.bitcast %and3A_621 : vector<16xi32> -> vector<16xf32>
        %add3A_623 = arith.addf %add3A_563, %bitcast_convert_type3A_618 : vector<16xf32>
        %add3A_624 = arith.addf %add3A_564, %bitcast_convert_type3A_622 : vector<16xf32>
        %mul3A_625 = arith.constant 4 : i32
        %mul3A_626 = arith.muli %mul3A_625, %scan3A_440 : i32
        %add3A_627 = arith.constant 3 : i32
        %add3A_628 = arith.addi %mul3A_626, %add3A_627 : i32
        %get3A_629 = arith.index_cast %add3A_628 : i32 to index
        %get3A_630 = arith.constant 0 : index
        %get3A_631 = tpu.vector_load %arg7[%get3A_629, %get3A_630] {strides = array<i32>} : memref<200x64xi32, #tpu.memory_space<vmem>>, vector<1x16xi32>,
        %get3A_632 = vector.shape_cast %get3A_631 : vector<1x16xi32> to vector<16xi32>
        %broadcast_in_dim3A_633 = arith.constant 16 : i32
        %broadcast_in_dim3A_634 = vector.broadcast %broadcast_in_dim3A_633 : i32 to vector<16xi32>
        %shift_left3A_635 = arith.shli %get3A_632, %broadcast_in_dim3A_634 : vector<16xi32>
        %bitcast_convert_type3A_636 = tpu.bitcast %shift_left3A_635 : vector<16xi32> -> vector<16xf32>
        %broadcast_in_dim3A_637 = arith.constant -65536 : i32
        %broadcast_in_dim3A_638 = vector.broadcast %broadcast_in_dim3A_637 : i32 to vector<16xi32>
        %and3A_639 = arith.andi %get3A_632, %broadcast_in_dim3A_638 : vector<16xi32>
        %bitcast_convert_type3A_640 = tpu.bitcast %and3A_639 : vector<16xi32> -> vector<16xf32>
        %add3A_641 = arith.addf %add3A_581, %bitcast_convert_type3A_636 : vector<16xf32>
        %add3A_642 = arith.addf %add3A_582, %bitcast_convert_type3A_640 : vector<16xf32>
        %get3A_643 = arith.index_cast %add3A_628 : i32 to index
        %get3A_644 = arith.constant 16 : index
        %get3A_645 = tpu.vector_load %arg7[%get3A_643, %get3A_644] {strides = array<i32>} : memref<200x64xi32, #tpu.memory_space<vmem>>, vector<1x16xi32>,
        %get3A_646 = vector.shape_cast %get3A_645 : vector<1x16xi32> to vector<16xi32>
        %broadcast_in_dim3A_647 = arith.constant 16 : i32
        %broadcast_in_dim3A_648 = vector.broadcast %broadcast_in_dim3A_647 : i32 to vector<16xi32>
        %shift_left3A_649 = arith.shli %get3A_646, %broadcast_in_dim3A_648 : vector<16xi32>
        %bitcast_convert_type3A_650 = tpu.bitcast %shift_left3A_649 : vector<16xi32> -> vector<16xf32>
        %broadcast_in_dim3A_651 = arith.constant -65536 : i32
        %broadcast_in_dim3A_652 = vector.broadcast %broadcast_in_dim3A_651 : i32 to vector<16xi32>
        %and3A_653 = arith.andi %get3A_646, %broadcast_in_dim3A_652 : vector<16xi32>
        %bitcast_convert_type3A_654 = tpu.bitcast %and3A_653 : vector<16xi32> -> vector<16xf32>
        %add3A_655 = arith.addf %add3A_595, %bitcast_convert_type3A_650 : vector<16xf32>
        %add3A_656 = arith.addf %add3A_596, %bitcast_convert_type3A_654 : vector<16xf32>
        %get3A_657 = arith.index_cast %add3A_628 : i32 to index
        %get3A_658 = arith.constant 32 : index
        %get3A_659 = tpu.vector_load %arg7[%get3A_657, %get3A_658] {strides = array<i32>} : memref<200x64xi32, #tpu.memory_space<vmem>>, vector<1x16xi32>,
        %get3A_660 = vector.shape_cast %get3A_659 : vector<1x16xi32> to vector<16xi32>
        %broadcast_in_dim3A_661 = arith.constant 16 : i32
        %broadcast_in_dim3A_662 = vector.broadcast %broadcast_in_dim3A_661 : i32 to vector<16xi32>
        %shift_left3A_663 = arith.shli %get3A_660, %broadcast_in_dim3A_662 : vector<16xi32>
        %bitcast_convert_type3A_664 = tpu.bitcast %shift_left3A_663 : vector<16xi32> -> vector<16xf32>
        %broadcast_in_dim3A_665 = arith.constant -65536 : i32
        %broadcast_in_dim3A_666 = vector.broadcast %broadcast_in_dim3A_665 : i32 to vector<16xi32>
        %and3A_667 = arith.andi %get3A_660, %broadcast_in_dim3A_666 : vector<16xi32>
        %bitcast_convert_type3A_668 = tpu.bitcast %and3A_667 : vector<16xi32> -> vector<16xf32>
        %add3A_669 = arith.addf %add3A_609, %bitcast_convert_type3A_664 : vector<16xf32>
        %add3A_670 = arith.addf %add3A_610, %bitcast_convert_type3A_668 : vector<16xf32>
        %get3A_671 = arith.index_cast %add3A_628 : i32 to index
        %get3A_672 = arith.constant 48 : index
        %get3A_673 = tpu.vector_load %arg7[%get3A_671, %get3A_672] {strides = array<i32>} : memref<200x64xi32, #tpu.memory_space<vmem>>, vector<1x16xi32>,
        %get3A_674 = vector.shape_cast %get3A_673 : vector<1x16xi32> to vector<16xi32>
        %broadcast_in_dim3A_675 = arith.constant 16 : i32
        %broadcast_in_dim3A_676 = vector.broadcast %broadcast_in_dim3A_675 : i32 to vector<16xi32>
        %shift_left3A_677 = arith.shli %get3A_674, %broadcast_in_dim3A_676 : vector<16xi32>
        %bitcast_convert_type3A_678 = tpu.bitcast %shift_left3A_677 : vector<16xi32> -> vector<16xf32>
        %broadcast_in_dim3A_679 = arith.constant -65536 : i32
        %broadcast_in_dim3A_680 = vector.broadcast %broadcast_in_dim3A_679 : i32 to vector<16xi32>
        %and3A_681 = arith.andi %get3A_674, %broadcast_in_dim3A_680 : vector<16xi32>
        %bitcast_convert_type3A_682 = tpu.bitcast %and3A_681 : vector<16xi32> -> vector<16xf32>
        %add3A_683 = arith.addf %add3A_623, %bitcast_convert_type3A_678 : vector<16xf32>
        %add3A_684 = arith.addf %add3A_624, %bitcast_convert_type3A_682 : vector<16xf32>
        scf.yield %add3A_641, %add3A_642, %add3A_655, %add3A_656, %add3A_669, %add3A_670, %add3A_683, %add3A_684 : vector<16xf32>, vector<16xf32>, vector<16xf32>, vector<16xf32>, vector<16xf32>, vector<16xf32>, vector<16xf32>, vector<16xf32>
      }
      %scan3A_239 = arith.constant 50 : i32
      %mul3A_240 = arith.constant 128 : i32
      %mul3A_241 = arith.muli %add3A_201, %mul3A_240 : i32
      %add3A_242 = arith.constant 0 : i32
      %add3A_243 = arith.addi %mul3A_241, %add3A_242 : i32
      %multiple_of3A_244 = tpu.assume_multiple %add3A_243, 16 : i32
      %swap3A_245 = arith.index_cast %multiple_of3A_244 : i32 to index
      %swap3A_246 = tpu.vector_load %arg9[%swap3A_245] {strides = array<i32>} : memref<16896xf32, #tpu.memory_space<vmem>>, vector<16xf32>,
      %swap3A_247 = vector.shape_cast %swap3A_246 : vector<16xf32> to vector<16xf32>
      %swap3A_248 = vector.shape_cast %scan3A_238#0 : vector<16xf32> to vector<16xf32>
      tpu.vector_store %arg9[%swap3A_245], %swap3A_248 {strides = array<i32>} : memref<16896xf32, #tpu.memory_space<vmem>>, vector<16xf32>,
      %mul3A_249 = arith.constant 128 : i32
      %mul3A_250 = arith.muli %add3A_201, %mul3A_249 : i32
      %add3A_251 = arith.constant 16 : i32
      %add3A_252 = arith.addi %mul3A_250, %add3A_251 : i32
      %multiple_of3A_253 = tpu.assume_multiple %add3A_252, 16 : i32
      %swap3A_254 = arith.index_cast %multiple_of3A_253 : i32 to index
      %swap3A_255 = tpu.vector_load %arg9[%swap3A_254] {strides = array<i32>} : memref<16896xf32, #tpu.memory_space<vmem>>, vector<16xf32>,
      %swap3A_256 = vector.shape_cast %swap3A_255 : vector<16xf32> to vector<16xf32>
      %swap3A_257 = vector.shape_cast %scan3A_238#1 : vector<16xf32> to vector<16xf32>
      tpu.vector_store %arg9[%swap3A_254], %swap3A_257 {strides = array<i32>} : memref<16896xf32, #tpu.memory_space<vmem>>, vector<16xf32>,
      %mul3A_258 = arith.constant 128 : i32
      %mul3A_259 = arith.muli %add3A_201, %mul3A_258 : i32
      %add3A_260 = arith.constant 32 : i32
      %add3A_261 = arith.addi %mul3A_259, %add3A_260 : i32
      %multiple_of3A_262 = tpu.assume_multiple %add3A_261, 16 : i32
      %swap3A_263 = arith.index_cast %multiple_of3A_262 : i32 to index
      %swap3A_264 = tpu.vector_load %arg9[%swap3A_263] {strides = array<i32>} : memref<16896xf32, #tpu.memory_space<vmem>>, vector<16xf32>,
      %swap3A_265 = vector.shape_cast %swap3A_264 : vector<16xf32> to vector<16xf32>
      %swap3A_266 = vector.shape_cast %scan3A_238#2 : vector<16xf32> to vector<16xf32>
      tpu.vector_store %arg9[%swap3A_263], %swap3A_266 {strides = array<i32>} : memref<16896xf32, #tpu.memory_space<vmem>>, vector<16xf32>,
      %mul3A_267 = arith.constant 128 : i32
      %mul3A_268 = arith.muli %add3A_201, %mul3A_267 : i32
      %add3A_269 = arith.constant 48 : i32
      %add3A_270 = arith.addi %mul3A_268, %add3A_269 : i32
      %multiple_of3A_271 = tpu.assume_multiple %add3A_270, 16 : i32
      %swap3A_272 = arith.index_cast %multiple_of3A_271 : i32 to index
      %swap3A_273 = tpu.vector_load %arg9[%swap3A_272] {strides = array<i32>} : memref<16896xf32, #tpu.memory_space<vmem>>, vector<16xf32>,
      %swap3A_274 = vector.shape_cast %swap3A_273 : vector<16xf32> to vector<16xf32>
      %swap3A_275 = vector.shape_cast %scan3A_238#3 : vector<16xf32> to vector<16xf32>
      tpu.vector_store %arg9[%swap3A_272], %swap3A_275 {strides = array<i32>} : memref<16896xf32, #tpu.memory_space<vmem>>, vector<16xf32>,
      %mul3A_276 = arith.constant 128 : i32
      %mul3A_277 = arith.muli %add3A_201, %mul3A_276 : i32
      %add3A_278 = arith.constant 64 : i32
      %add3A_279 = arith.addi %mul3A_277, %add3A_278 : i32
      %multiple_of3A_280 = tpu.assume_multiple %add3A_279, 16 : i32
      %swap3A_281 = arith.index_cast %multiple_of3A_280 : i32 to index
      %swap3A_282 = tpu.vector_load %arg9[%swap3A_281] {strides = array<i32>} : memref<16896xf32, #tpu.memory_space<vmem>>, vector<16xf32>,
      %swap3A_283 = vector.shape_cast %swap3A_282 : vector<16xf32> to vector<16xf32>
      %swap3A_284 = vector.shape_cast %scan3A_238#4 : vector<16xf32> to vector<16xf32>
      tpu.vector_store %arg9[%swap3A_281], %swap3A_284 {strides = array<i32>} : memref<16896xf32, #tpu.memory_space<vmem>>, vector<16xf32>,
      %mul3A_285 = arith.constant 128 : i32
      %mul3A_286 = arith.muli %add3A_201, %mul3A_285 : i32
      %add3A_287 = arith.constant 80 : i32
      %add3A_288 = arith.addi %mul3A_286, %add3A_287 : i32
      %multiple_of3A_289 = tpu.assume_multiple %add3A_288, 16 : i32
      %swap3A_290 = arith.index_cast %multiple_of3A_289 : i32 to index
      %swap3A_291 = tpu.vector_load %arg9[%swap3A_290] {strides = array<i32>} : memref<16896xf32, #tpu.memory_space<vmem>>, vector<16xf32>,
      %swap3A_292 = vector.shape_cast %swap3A_291 : vector<16xf32> to vector<16xf32>
      %swap3A_293 = vector.shape_cast %scan3A_238#5 : vector<16xf32> to vector<16xf32>
      tpu.vector_store %arg9[%swap3A_290], %swap3A_293 {strides = array<i32>} : memref<16896xf32, #tpu.memory_space<vmem>>, vector<16xf32>,
      %mul3A_294 = arith.constant 128 : i32
      %mul3A_295 = arith.muli %add3A_201, %mul3A_294 : i32
      %add3A_296 = arith.constant 96 : i32
      %add3A_297 = arith.addi %mul3A_295, %add3A_296 : i32
      %multiple_of3A_298 = tpu.assume_multiple %add3A_297, 16 : i32
      %swap3A_299 = arith.index_cast %multiple_of3A_298 : i32 to index
      %swap3A_300 = tpu.vector_load %arg9[%swap3A_299] {strides = array<i32>} : memref<16896xf32, #tpu.memory_space<vmem>>, vector<16xf32>,
      %swap3A_301 = vector.shape_cast %swap3A_300 : vector<16xf32> to vector<16xf32>
      %swap3A_302 = vector.shape_cast %scan3A_238#6 : vector<16xf32> to vector<16xf32>
      tpu.vector_store %arg9[%swap3A_299], %swap3A_302 {strides = array<i32>} : memref<16896xf32, #tpu.memory_space<vmem>>, vector<16xf32>,
      %mul3A_303 = arith.constant 128 : i32
      %mul3A_304 = arith.muli %add3A_201, %mul3A_303 : i32
      %add3A_305 = arith.constant 112 : i32
      %add3A_306 = arith.addi %mul3A_304, %add3A_305 : i32
      %multiple_of3A_307 = tpu.assume_multiple %add3A_306, 16 : i32
      %swap3A_308 = arith.index_cast %multiple_of3A_307 : i32 to index
      %swap3A_309 = tpu.vector_load %arg9[%swap3A_308] {strides = array<i32>} : memref<16896xf32, #tpu.memory_space<vmem>>, vector<16xf32>,
      %swap3A_310 = vector.shape_cast %swap3A_309 : vector<16xf32> to vector<16xf32>
      %swap3A_311 = vector.shape_cast %scan3A_238#7 : vector<16xf32> to vector<16xf32>
      tpu.vector_store %arg9[%swap3A_308], %swap3A_311 {strides = array<i32>} : memref<16896xf32, #tpu.memory_space<vmem>>, vector<16xf32>,
      %add3A_312 = arith.constant 3 : i32
      %add3A_313 = arith.addi %add3A_201, %add3A_312 : i32
      %lt3A_314 = arith.constant 132 : i32
      %lt3A_315 = arith.cmpi slt, %add3A_313, %lt3A_314 : i32
      %convert_element_type3A_316 = arith.extui %lt3A_315 : i1 to i32
      %cond3A_317 = arith.constant 0 : i32
      %cond3A_318 = arith.cmpi ne, %convert_element_type3A_316, %cond3A_317 : i32
      scf.if %cond3A_318 {
        %add3A_440 = arith.constant 3 : i32
        %add3A_441 = arith.addi %add3A_201, %add3A_440 : i32
        %mul3A_442 = arith.constant 200 : i32
        %mul3A_443 = arith.muli %add3A_441, %mul3A_442 : i32
        %multiple_of3A_444 = tpu.assume_multiple %mul3A_443, 8 : i32
        %dma_start3A_445 = arith.constant 0 : i32
        %dma_start3A_446 = arith.constant 0 : i32
        %dma_start3A_447 = tpu.memref_slice %arg7[%dma_start3A_445, %dma_start3A_446] : memref<200x64xi32, #tpu.memory_space<vmem>> -> memref<96x64xi32, #tpu.memory_space<vmem>>
        %dma_start3A_448 = tpu.memref_slice %arg5[%multiple_of3A_444] : memref<26400xi32, #tpu.memory_space<vmem>> -> memref<96xi32, #tpu.memory_space<vmem>>
        %dma_start3A_449 = arith.constant 0 : i32
        %dma_start3A_450 = arith.constant 0 : i32
        %dma_start3A_451 = tpu.memref_slice %arg2[%dma_start3A_449, %dma_start3A_450] : memref<100001x64xi32, #tpu.memory_space<hbm>> -> memref<100001x64xi32, #tpu.memory_space<hbm>>
        tpu.enqueue_indirect_dma source(%dma_start3A_451 : memref<100001x64xi32, #tpu.memory_space<hbm>>) target(%dma_start3A_447 : memref<96x64xi32, #tpu.memory_space<vmem>>) offsets(%dma_start3A_448 : memref<96xi32, #tpu.memory_space<vmem>>) semaphore(%arg11 : memref<!tpu.dma_semaphore, #tpu.memory_space<semaphore_mem>>)
        %mul3A_452 = arith.constant 200 : i32
        %mul3A_453 = arith.muli %add3A_441, %mul3A_452 : i32
        %add3A_454 = arith.constant 96 : i32
        %add3A_455 = arith.addi %mul3A_453, %add3A_454 : i32
        %multiple_of3A_456 = tpu.assume_multiple %add3A_455, 8 : i32
        %dma_start3A_457 = arith.constant 96 : i32
        %dma_start3A_458 = arith.constant 0 : i32
        %dma_start3A_459 = tpu.memref_slice %arg7[%dma_start3A_457, %dma_start3A_458] : memref<200x64xi32, #tpu.memory_space<vmem>> -> memref<104x64xi32, #tpu.memory_space<vmem>>
        %dma_start3A_460 = tpu.memref_slice %arg5[%multiple_of3A_456] : memref<26400xi32, #tpu.memory_space<vmem>> -> memref<104xi32, #tpu.memory_space<vmem>>
        %dma_start3A_461 = arith.constant 0 : i32
        %dma_start3A_462 = arith.constant 0 : i32
        %dma_start3A_463 = tpu.memref_slice %arg2[%dma_start3A_461, %dma_start3A_462] : memref<100001x64xi32, #tpu.memory_space<hbm>> -> memref<100001x64xi32, #tpu.memory_space<hbm>>
        tpu.enqueue_indirect_dma source(%dma_start3A_463 : memref<100001x64xi32, #tpu.memory_space<hbm>>) target(%dma_start3A_459 : memref<104x64xi32, #tpu.memory_space<vmem>>) offsets(%dma_start3A_460 : memref<104xi32, #tpu.memory_space<vmem>>) semaphore(%arg11 : memref<!tpu.dma_semaphore, #tpu.memory_space<semaphore_mem>>)
      } else {
      }
      %mul3A_319 = arith.constant 3 : i32
      %mul3A_320 = arith.muli %mul3A_319, %scan3A_82 : i32
      %add3A_321 = arith.constant 2 : i32
      %add3A_322 = arith.addi %mul3A_320, %add3A_321 : i32
      %dma_wait3A_323 = arith.constant 0 : i32
      %dma_wait3A_324 = arith.constant 0 : i32
      %dma_wait3A_325 = tpu.memref_slice %arg8[%dma_wait3A_323, %dma_wait3A_324] : memref<200x64xi32, #tpu.memory_space<vmem>> -> memref<96x64xi32, #tpu.memory_space<vmem>>
      %dma_wait3A_326 = arith.constant 0 : i32
      %dma_wait3A_327 = tpu.memref_slice %arg5[%dma_wait3A_326] : memref<26400xi32, #tpu.memory_space<vmem>> -> memref<96xi32, #tpu.memory_space<vmem>>
      %dma_wait3A_328 = arith.constant 0 : i32
      %dma_wait3A_329 = arith.constant 0 : i32
      %dma_wait3A_330 = tpu.memref_slice %arg2[%dma_wait3A_328, %dma_wait3A_329] : memref<100001x64xi32, #tpu.memory_space<hbm>> -> memref<100001x64xi32, #tpu.memory_space<hbm>>
      tpu.wait_indirect_dma semaphore(%arg12 : memref<!tpu.dma_semaphore, #tpu.memory_space<semaphore_mem>>) src(%dma_wait3A_330 : memref<100001x64xi32, #tpu.memory_space<hbm>>) dst(%dma_wait3A_325 : memref<96x64xi32, #tpu.memory_space<vmem>>)
      %dma_wait3A_331 = arith.constant 96 : i32
      %dma_wait3A_332 = arith.constant 0 : i32
      %dma_wait3A_333 = tpu.memref_slice %arg8[%dma_wait3A_331, %dma_wait3A_332] : memref<200x64xi32, #tpu.memory_space<vmem>> -> memref<104x64xi32, #tpu.memory_space<vmem>>
      %dma_wait3A_334 = arith.constant 96 : i32
      %dma_wait3A_335 = tpu.memref_slice %arg5[%dma_wait3A_334] : memref<26400xi32, #tpu.memory_space<vmem>> -> memref<104xi32, #tpu.memory_space<vmem>>
      %dma_wait3A_336 = arith.constant 0 : i32
      %dma_wait3A_337 = arith.constant 0 : i32
      %dma_wait3A_338 = tpu.memref_slice %arg2[%dma_wait3A_336, %dma_wait3A_337] : memref<100001x64xi32, #tpu.memory_space<hbm>> -> memref<100001x64xi32, #tpu.memory_space<hbm>>
      tpu.wait_indirect_dma semaphore(%arg12 : memref<!tpu.dma_semaphore, #tpu.memory_space<semaphore_mem>>) src(%dma_wait3A_338 : memref<100001x64xi32, #tpu.memory_space<hbm>>) dst(%dma_wait3A_333 : memref<104x64xi32, #tpu.memory_space<vmem>>)
      %broadcast_in_dim3A_339 = arith.constant 0.000000e+00 : f32
      %broadcast_in_dim3A_340 = vector.broadcast %broadcast_in_dim3A_339 : f32 to vector<16xf32>
      %broadcast_in_dim3A_341 = arith.constant 0.000000e+00 : f32
      %broadcast_in_dim3A_342 = vector.broadcast %broadcast_in_dim3A_341 : f32 to vector<16xf32>
      %broadcast_in_dim3A_343 = arith.constant 0.000000e+00 : f32
      %broadcast_in_dim3A_344 = vector.broadcast %broadcast_in_dim3A_343 : f32 to vector<16xf32>
      %broadcast_in_dim3A_345 = arith.constant 0.000000e+00 : f32
      %broadcast_in_dim3A_346 = vector.broadcast %broadcast_in_dim3A_345 : f32 to vector<16xf32>
      %broadcast_in_dim3A_347 = arith.constant 0.000000e+00 : f32
      %broadcast_in_dim3A_348 = vector.broadcast %broadcast_in_dim3A_347 : f32 to vector<16xf32>
      %broadcast_in_dim3A_349 = arith.constant 0.000000e+00 : f32
      %broadcast_in_dim3A_350 = vector.broadcast %broadcast_in_dim3A_349 : f32 to vector<16xf32>
      %broadcast_in_dim3A_351 = arith.constant 0.000000e+00 : f32
      %broadcast_in_dim3A_352 = vector.broadcast %broadcast_in_dim3A_351 : f32 to vector<16xf32>
      %broadcast_in_dim3A_353 = arith.constant 0.000000e+00 : f32
      %broadcast_in_dim3A_354 = vector.broadcast %broadcast_in_dim3A_353 : f32 to vector<16xf32>
      %scan3A_355 = arith.constant 0 : i32
      %scan3A_356 = arith.constant 50 : i32
      %scan3A_357 = arith.addi %scan3A_355, %scan3A_356 : i32
      %scan3A_358 = arith.constant 1 : i32
      %scan3A_359:8 = scf.for %scan3A_440 = %scan3A_355 to %scan3A_357 step %scan3A_358 iter_args(%scan3A_441 = %broadcast_in_dim3A_340, %scan3A_442 = %broadcast_in_dim3A_342, %scan3A_443 = %broadcast_in_dim3A_344, %scan3A_444 = %broadcast_in_dim3A_346, %scan3A_445 = %broadcast_in_dim3A_348, %scan3A_446 = %broadcast_in_dim3A_350, %scan3A_447 = %broadcast_in_dim3A_352, %scan3A_448 = %broadcast_in_dim3A_354) -> (vector<16xf32>, vector<16xf32>, vector<16xf32>, vector<16xf32>, vector<16xf32>, vector<16xf32>, vector<16xf32>, vector<16xf32>)  : i32 {
        %mul3A_449 = arith.constant 4 : i32
        %mul3A_450 = arith.muli %mul3A_449, %scan3A_440 : i32
        %add3A_451 = arith.constant 0 : i32
        %add3A_452 = arith.addi %mul3A_450, %add3A_451 : i32
        %get3A = arith.index_cast %add3A_452 : i32 to index
        %get3A_453 = arith.constant 0 : index
        %get3A_454 = tpu.vector_load %arg8[%get3A, %get3A_453] {strides = array<i32>} : memref<200x64xi32, #tpu.memory_space<vmem>>, vector<1x16xi32>,
        %get3A_455 = vector.shape_cast %get3A_454 : vector<1x16xi32> to vector<16xi32>
        %broadcast_in_dim3A_456 = arith.constant 16 : i32
        %broadcast_in_dim3A_457 = vector.broadcast %broadcast_in_dim3A_456 : i32 to vector<16xi32>
        %shift_left3A = arith.shli %get3A_455, %broadcast_in_dim3A_457 : vector<16xi32>
        %bitcast_convert_type3A = tpu.bitcast %shift_left3A : vector<16xi32> -> vector<16xf32>
        %broadcast_in_dim3A_458 = arith.constant -65536 : i32
        %broadcast_in_dim3A_459 = vector.broadcast %broadcast_in_dim3A_458 : i32 to vector<16xi32>
        %and3A = arith.andi %get3A_455, %broadcast_in_dim3A_459 : vector<16xi32>
        %bitcast_convert_type3A_460 = tpu.bitcast %and3A : vector<16xi32> -> vector<16xf32>
        %add3A_461 = arith.addf %scan3A_441, %bitcast_convert_type3A : vector<16xf32>
        %add3A_462 = arith.addf %scan3A_442, %bitcast_convert_type3A_460 : vector<16xf32>
        %get3A_463 = arith.index_cast %add3A_452 : i32 to index
        %get3A_464 = arith.constant 16 : index
        %get3A_465 = tpu.vector_load %arg8[%get3A_463, %get3A_464] {strides = array<i32>} : memref<200x64xi32, #tpu.memory_space<vmem>>, vector<1x16xi32>,
        %get3A_466 = vector.shape_cast %get3A_465 : vector<1x16xi32> to vector<16xi32>
        %broadcast_in_dim3A_467 = arith.constant 16 : i32
        %broadcast_in_dim3A_468 = vector.broadcast %broadcast_in_dim3A_467 : i32 to vector<16xi32>
        %shift_left3A_469 = arith.shli %get3A_466, %broadcast_in_dim3A_468 : vector<16xi32>
        %bitcast_convert_type3A_470 = tpu.bitcast %shift_left3A_469 : vector<16xi32> -> vector<16xf32>
        %broadcast_in_dim3A_471 = arith.constant -65536 : i32
        %broadcast_in_dim3A_472 = vector.broadcast %broadcast_in_dim3A_471 : i32 to vector<16xi32>
        %and3A_473 = arith.andi %get3A_466, %broadcast_in_dim3A_472 : vector<16xi32>
        %bitcast_convert_type3A_474 = tpu.bitcast %and3A_473 : vector<16xi32> -> vector<16xf32>
        %add3A_475 = arith.addf %scan3A_443, %bitcast_convert_type3A_470 : vector<16xf32>
        %add3A_476 = arith.addf %scan3A_444, %bitcast_convert_type3A_474 : vector<16xf32>
        %get3A_477 = arith.index_cast %add3A_452 : i32 to index
        %get3A_478 = arith.constant 32 : index
        %get3A_479 = tpu.vector_load %arg8[%get3A_477, %get3A_478] {strides = array<i32>} : memref<200x64xi32, #tpu.memory_space<vmem>>, vector<1x16xi32>,
        %get3A_480 = vector.shape_cast %get3A_479 : vector<1x16xi32> to vector<16xi32>
        %broadcast_in_dim3A_481 = arith.constant 16 : i32
        %broadcast_in_dim3A_482 = vector.broadcast %broadcast_in_dim3A_481 : i32 to vector<16xi32>
        %shift_left3A_483 = arith.shli %get3A_480, %broadcast_in_dim3A_482 : vector<16xi32>
        %bitcast_convert_type3A_484 = tpu.bitcast %shift_left3A_483 : vector<16xi32> -> vector<16xf32>
        %broadcast_in_dim3A_485 = arith.constant -65536 : i32
        %broadcast_in_dim3A_486 = vector.broadcast %broadcast_in_dim3A_485 : i32 to vector<16xi32>
        %and3A_487 = arith.andi %get3A_480, %broadcast_in_dim3A_486 : vector<16xi32>
        %bitcast_convert_type3A_488 = tpu.bitcast %and3A_487 : vector<16xi32> -> vector<16xf32>
        %add3A_489 = arith.addf %scan3A_445, %bitcast_convert_type3A_484 : vector<16xf32>
        %add3A_490 = arith.addf %scan3A_446, %bitcast_convert_type3A_488 : vector<16xf32>
        %get3A_491 = arith.index_cast %add3A_452 : i32 to index
        %get3A_492 = arith.constant 48 : index
        %get3A_493 = tpu.vector_load %arg8[%get3A_491, %get3A_492] {strides = array<i32>} : memref<200x64xi32, #tpu.memory_space<vmem>>, vector<1x16xi32>,
        %get3A_494 = vector.shape_cast %get3A_493 : vector<1x16xi32> to vector<16xi32>
        %broadcast_in_dim3A_495 = arith.constant 16 : i32
        %broadcast_in_dim3A_496 = vector.broadcast %broadcast_in_dim3A_495 : i32 to vector<16xi32>
        %shift_left3A_497 = arith.shli %get3A_494, %broadcast_in_dim3A_496 : vector<16xi32>
        %bitcast_convert_type3A_498 = tpu.bitcast %shift_left3A_497 : vector<16xi32> -> vector<16xf32>
        %broadcast_in_dim3A_499 = arith.constant -65536 : i32
        %broadcast_in_dim3A_500 = vector.broadcast %broadcast_in_dim3A_499 : i32 to vector<16xi32>
        %and3A_501 = arith.andi %get3A_494, %broadcast_in_dim3A_500 : vector<16xi32>
        %bitcast_convert_type3A_502 = tpu.bitcast %and3A_501 : vector<16xi32> -> vector<16xf32>
        %add3A_503 = arith.addf %scan3A_447, %bitcast_convert_type3A_498 : vector<16xf32>
        %add3A_504 = arith.addf %scan3A_448, %bitcast_convert_type3A_502 : vector<16xf32>
        %mul3A_505 = arith.constant 4 : i32
        %mul3A_506 = arith.muli %mul3A_505, %scan3A_440 : i32
        %add3A_507 = arith.constant 1 : i32
        %add3A_508 = arith.addi %mul3A_506, %add3A_507 : i32
        %get3A_509 = arith.index_cast %add3A_508 : i32 to index
        %get3A_510 = arith.constant 0 : index
        %get3A_511 = tpu.vector_load %arg8[%get3A_509, %get3A_510] {strides = array<i32>} : memref<200x64xi32, #tpu.memory_space<vmem>>, vector<1x16xi32>,
        %get3A_512 = vector.shape_cast %get3A_511 : vector<1x16xi32> to vector<16xi32>
        %broadcast_in_dim3A_513 = arith.constant 16 : i32
        %broadcast_in_dim3A_514 = vector.broadcast %broadcast_in_dim3A_513 : i32 to vector<16xi32>
        %shift_left3A_515 = arith.shli %get3A_512, %broadcast_in_dim3A_514 : vector<16xi32>
        %bitcast_convert_type3A_516 = tpu.bitcast %shift_left3A_515 : vector<16xi32> -> vector<16xf32>
        %broadcast_in_dim3A_517 = arith.constant -65536 : i32
        %broadcast_in_dim3A_518 = vector.broadcast %broadcast_in_dim3A_517 : i32 to vector<16xi32>
        %and3A_519 = arith.andi %get3A_512, %broadcast_in_dim3A_518 : vector<16xi32>
        %bitcast_convert_type3A_520 = tpu.bitcast %and3A_519 : vector<16xi32> -> vector<16xf32>
        %add3A_521 = arith.addf %add3A_461, %bitcast_convert_type3A_516 : vector<16xf32>
        %add3A_522 = arith.addf %add3A_462, %bitcast_convert_type3A_520 : vector<16xf32>
        %get3A_523 = arith.index_cast %add3A_508 : i32 to index
        %get3A_524 = arith.constant 16 : index
        %get3A_525 = tpu.vector_load %arg8[%get3A_523, %get3A_524] {strides = array<i32>} : memref<200x64xi32, #tpu.memory_space<vmem>>, vector<1x16xi32>,
        %get3A_526 = vector.shape_cast %get3A_525 : vector<1x16xi32> to vector<16xi32>
        %broadcast_in_dim3A_527 = arith.constant 16 : i32
        %broadcast_in_dim3A_528 = vector.broadcast %broadcast_in_dim3A_527 : i32 to vector<16xi32>
        %shift_left3A_529 = arith.shli %get3A_526, %broadcast_in_dim3A_528 : vector<16xi32>
        %bitcast_convert_type3A_530 = tpu.bitcast %shift_left3A_529 : vector<16xi32> -> vector<16xf32>
        %broadcast_in_dim3A_531 = arith.constant -65536 : i32
        %broadcast_in_dim3A_532 = vector.broadcast %broadcast_in_dim3A_531 : i32 to vector<16xi32>
        %and3A_533 = arith.andi %get3A_526, %broadcast_in_dim3A_532 : vector<16xi32>
        %bitcast_convert_type3A_534 = tpu.bitcast %and3A_533 : vector<16xi32> -> vector<16xf32>
        %add3A_535 = arith.addf %add3A_475, %bitcast_convert_type3A_530 : vector<16xf32>
        %add3A_536 = arith.addf %add3A_476, %bitcast_convert_type3A_534 : vector<16xf32>
        %get3A_537 = arith.index_cast %add3A_508 : i32 to index
        %get3A_538 = arith.constant 32 : index
        %get3A_539 = tpu.vector_load %arg8[%get3A_537, %get3A_538] {strides = array<i32>} : memref<200x64xi32, #tpu.memory_space<vmem>>, vector<1x16xi32>,
        %get3A_540 = vector.shape_cast %get3A_539 : vector<1x16xi32> to vector<16xi32>
        %broadcast_in_dim3A_541 = arith.constant 16 : i32
        %broadcast_in_dim3A_542 = vector.broadcast %broadcast_in_dim3A_541 : i32 to vector<16xi32>
        %shift_left3A_543 = arith.shli %get3A_540, %broadcast_in_dim3A_542 : vector<16xi32>
        %bitcast_convert_type3A_544 = tpu.bitcast %shift_left3A_543 : vector<16xi32> -> vector<16xf32>
        %broadcast_in_dim3A_545 = arith.constant -65536 : i32
        %broadcast_in_dim3A_546 = vector.broadcast %broadcast_in_dim3A_545 : i32 to vector<16xi32>
        %and3A_547 = arith.andi %get3A_540, %broadcast_in_dim3A_546 : vector<16xi32>
        %bitcast_convert_type3A_548 = tpu.bitcast %and3A_547 : vector<16xi32> -> vector<16xf32>
        %add3A_549 = arith.addf %add3A_489, %bitcast_convert_type3A_544 : vector<16xf32>
        %add3A_550 = arith.addf %add3A_490, %bitcast_convert_type3A_548 : vector<16xf32>
        %get3A_551 = arith.index_cast %add3A_508 : i32 to index
        %get3A_552 = arith.constant 48 : index
        %get3A_553 = tpu.vector_load %arg8[%get3A_551, %get3A_552] {strides = array<i32>} : memref<200x64xi32, #tpu.memory_space<vmem>>, vector<1x16xi32>,
        %get3A_554 = vector.shape_cast %get3A_553 : vector<1x16xi32> to vector<16xi32>
        %broadcast_in_dim3A_555 = arith.constant 16 : i32
        %broadcast_in_dim3A_556 = vector.broadcast %broadcast_in_dim3A_555 : i32 to vector<16xi32>
        %shift_left3A_557 = arith.shli %get3A_554, %broadcast_in_dim3A_556 : vector<16xi32>
        %bitcast_convert_type3A_558 = tpu.bitcast %shift_left3A_557 : vector<16xi32> -> vector<16xf32>
        %broadcast_in_dim3A_559 = arith.constant -65536 : i32
        %broadcast_in_dim3A_560 = vector.broadcast %broadcast_in_dim3A_559 : i32 to vector<16xi32>
        %and3A_561 = arith.andi %get3A_554, %broadcast_in_dim3A_560 : vector<16xi32>
        %bitcast_convert_type3A_562 = tpu.bitcast %and3A_561 : vector<16xi32> -> vector<16xf32>
        %add3A_563 = arith.addf %add3A_503, %bitcast_convert_type3A_558 : vector<16xf32>
        %add3A_564 = arith.addf %add3A_504, %bitcast_convert_type3A_562 : vector<16xf32>
        %mul3A_565 = arith.constant 4 : i32
        %mul3A_566 = arith.muli %mul3A_565, %scan3A_440 : i32
        %add3A_567 = arith.constant 2 : i32
        %add3A_568 = arith.addi %mul3A_566, %add3A_567 : i32
        %get3A_569 = arith.index_cast %add3A_568 : i32 to index
        %get3A_570 = arith.constant 0 : index
        %get3A_571 = tpu.vector_load %arg8[%get3A_569, %get3A_570] {strides = array<i32>} : memref<200x64xi32, #tpu.memory_space<vmem>>, vector<1x16xi32>,
        %get3A_572 = vector.shape_cast %get3A_571 : vector<1x16xi32> to vector<16xi32>
        %broadcast_in_dim3A_573 = arith.constant 16 : i32
        %broadcast_in_dim3A_574 = vector.broadcast %broadcast_in_dim3A_573 : i32 to vector<16xi32>
        %shift_left3A_575 = arith.shli %get3A_572, %broadcast_in_dim3A_574 : vector<16xi32>
        %bitcast_convert_type3A_576 = tpu.bitcast %shift_left3A_575 : vector<16xi32> -> vector<16xf32>
        %broadcast_in_dim3A_577 = arith.constant -65536 : i32
        %broadcast_in_dim3A_578 = vector.broadcast %broadcast_in_dim3A_577 : i32 to vector<16xi32>
        %and3A_579 = arith.andi %get3A_572, %broadcast_in_dim3A_578 : vector<16xi32>
        %bitcast_convert_type3A_580 = tpu.bitcast %and3A_579 : vector<16xi32> -> vector<16xf32>
        %add3A_581 = arith.addf %add3A_521, %bitcast_convert_type3A_576 : vector<16xf32>
        %add3A_582 = arith.addf %add3A_522, %bitcast_convert_type3A_580 : vector<16xf32>
        %get3A_583 = arith.index_cast %add3A_568 : i32 to index
        %get3A_584 = arith.constant 16 : index
        %get3A_585 = tpu.vector_load %arg8[%get3A_583, %get3A_584] {strides = array<i32>} : memref<200x64xi32, #tpu.memory_space<vmem>>, vector<1x16xi32>,
        %get3A_586 = vector.shape_cast %get3A_585 : vector<1x16xi32> to vector<16xi32>
        %broadcast_in_dim3A_587 = arith.constant 16 : i32
        %broadcast_in_dim3A_588 = vector.broadcast %broadcast_in_dim3A_587 : i32 to vector<16xi32>
        %shift_left3A_589 = arith.shli %get3A_586, %broadcast_in_dim3A_588 : vector<16xi32>
        %bitcast_convert_type3A_590 = tpu.bitcast %shift_left3A_589 : vector<16xi32> -> vector<16xf32>
        %broadcast_in_dim3A_591 = arith.constant -65536 : i32
        %broadcast_in_dim3A_592 = vector.broadcast %broadcast_in_dim3A_591 : i32 to vector<16xi32>
        %and3A_593 = arith.andi %get3A_586, %broadcast_in_dim3A_592 : vector<16xi32>
        %bitcast_convert_type3A_594 = tpu.bitcast %and3A_593 : vector<16xi32> -> vector<16xf32>
        %add3A_595 = arith.addf %add3A_535, %bitcast_convert_type3A_590 : vector<16xf32>
        %add3A_596 = arith.addf %add3A_536, %bitcast_convert_type3A_594 : vector<16xf32>
        %get3A_597 = arith.index_cast %add3A_568 : i32 to index
        %get3A_598 = arith.constant 32 : index
        %get3A_599 = tpu.vector_load %arg8[%get3A_597, %get3A_598] {strides = array<i32>} : memref<200x64xi32, #tpu.memory_space<vmem>>, vector<1x16xi32>,
        %get3A_600 = vector.shape_cast %get3A_599 : vector<1x16xi32> to vector<16xi32>
        %broadcast_in_dim3A_601 = arith.constant 16 : i32
        %broadcast_in_dim3A_602 = vector.broadcast %broadcast_in_dim3A_601 : i32 to vector<16xi32>
        %shift_left3A_603 = arith.shli %get3A_600, %broadcast_in_dim3A_602 : vector<16xi32>
        %bitcast_convert_type3A_604 = tpu.bitcast %shift_left3A_603 : vector<16xi32> -> vector<16xf32>
        %broadcast_in_dim3A_605 = arith.constant -65536 : i32
        %broadcast_in_dim3A_606 = vector.broadcast %broadcast_in_dim3A_605 : i32 to vector<16xi32>
        %and3A_607 = arith.andi %get3A_600, %broadcast_in_dim3A_606 : vector<16xi32>
        %bitcast_convert_type3A_608 = tpu.bitcast %and3A_607 : vector<16xi32> -> vector<16xf32>
        %add3A_609 = arith.addf %add3A_549, %bitcast_convert_type3A_604 : vector<16xf32>
        %add3A_610 = arith.addf %add3A_550, %bitcast_convert_type3A_608 : vector<16xf32>
        %get3A_611 = arith.index_cast %add3A_568 : i32 to index
        %get3A_612 = arith.constant 48 : index
        %get3A_613 = tpu.vector_load %arg8[%get3A_611, %get3A_612] {strides = array<i32>} : memref<200x64xi32, #tpu.memory_space<vmem>>, vector<1x16xi32>,
        %get3A_614 = vector.shape_cast %get3A_613 : vector<1x16xi32> to vector<16xi32>
        %broadcast_in_dim3A_615 = arith.constant 16 : i32
        %broadcast_in_dim3A_616 = vector.broadcast %broadcast_in_dim3A_615 : i32 to vector<16xi32>
        %shift_left3A_617 = arith.shli %get3A_614, %broadcast_in_dim3A_616 : vector<16xi32>
        %bitcast_convert_type3A_618 = tpu.bitcast %shift_left3A_617 : vector<16xi32> -> vector<16xf32>
        %broadcast_in_dim3A_619 = arith.constant -65536 : i32
        %broadcast_in_dim3A_620 = vector.broadcast %broadcast_in_dim3A_619 : i32 to vector<16xi32>
        %and3A_621 = arith.andi %get3A_614, %broadcast_in_dim3A_620 : vector<16xi32>
        %bitcast_convert_type3A_622 = tpu.bitcast %and3A_621 : vector<16xi32> -> vector<16xf32>
        %add3A_623 = arith.addf %add3A_563, %bitcast_convert_type3A_618 : vector<16xf32>
        %add3A_624 = arith.addf %add3A_564, %bitcast_convert_type3A_622 : vector<16xf32>
        %mul3A_625 = arith.constant 4 : i32
        %mul3A_626 = arith.muli %mul3A_625, %scan3A_440 : i32
        %add3A_627 = arith.constant 3 : i32
        %add3A_628 = arith.addi %mul3A_626, %add3A_627 : i32
        %get3A_629 = arith.index_cast %add3A_628 : i32 to index
        %get3A_630 = arith.constant 0 : index
        %get3A_631 = tpu.vector_load %arg8[%get3A_629, %get3A_630] {strides = array<i32>} : memref<200x64xi32, #tpu.memory_space<vmem>>, vector<1x16xi32>,
        %get3A_632 = vector.shape_cast %get3A_631 : vector<1x16xi32> to vector<16xi32>
        %broadcast_in_dim3A_633 = arith.constant 16 : i32
        %broadcast_in_dim3A_634 = vector.broadcast %broadcast_in_dim3A_633 : i32 to vector<16xi32>
        %shift_left3A_635 = arith.shli %get3A_632, %broadcast_in_dim3A_634 : vector<16xi32>
        %bitcast_convert_type3A_636 = tpu.bitcast %shift_left3A_635 : vector<16xi32> -> vector<16xf32>
        %broadcast_in_dim3A_637 = arith.constant -65536 : i32
        %broadcast_in_dim3A_638 = vector.broadcast %broadcast_in_dim3A_637 : i32 to vector<16xi32>
        %and3A_639 = arith.andi %get3A_632, %broadcast_in_dim3A_638 : vector<16xi32>
        %bitcast_convert_type3A_640 = tpu.bitcast %and3A_639 : vector<16xi32> -> vector<16xf32>
        %add3A_641 = arith.addf %add3A_581, %bitcast_convert_type3A_636 : vector<16xf32>
        %add3A_642 = arith.addf %add3A_582, %bitcast_convert_type3A_640 : vector<16xf32>
        %get3A_643 = arith.index_cast %add3A_628 : i32 to index
        %get3A_644 = arith.constant 16 : index
        %get3A_645 = tpu.vector_load %arg8[%get3A_643, %get3A_644] {strides = array<i32>} : memref<200x64xi32, #tpu.memory_space<vmem>>, vector<1x16xi32>,
        %get3A_646 = vector.shape_cast %get3A_645 : vector<1x16xi32> to vector<16xi32>
        %broadcast_in_dim3A_647 = arith.constant 16 : i32
        %broadcast_in_dim3A_648 = vector.broadcast %broadcast_in_dim3A_647 : i32 to vector<16xi32>
        %shift_left3A_649 = arith.shli %get3A_646, %broadcast_in_dim3A_648 : vector<16xi32>
        %bitcast_convert_type3A_650 = tpu.bitcast %shift_left3A_649 : vector<16xi32> -> vector<16xf32>
        %broadcast_in_dim3A_651 = arith.constant -65536 : i32
        %broadcast_in_dim3A_652 = vector.broadcast %broadcast_in_dim3A_651 : i32 to vector<16xi32>
        %and3A_653 = arith.andi %get3A_646, %broadcast_in_dim3A_652 : vector<16xi32>
        %bitcast_convert_type3A_654 = tpu.bitcast %and3A_653 : vector<16xi32> -> vector<16xf32>
        %add3A_655 = arith.addf %add3A_595, %bitcast_convert_type3A_650 : vector<16xf32>
        %add3A_656 = arith.addf %add3A_596, %bitcast_convert_type3A_654 : vector<16xf32>
        %get3A_657 = arith.index_cast %add3A_628 : i32 to index
        %get3A_658 = arith.constant 32 : index
        %get3A_659 = tpu.vector_load %arg8[%get3A_657, %get3A_658] {strides = array<i32>} : memref<200x64xi32, #tpu.memory_space<vmem>>, vector<1x16xi32>,
        %get3A_660 = vector.shape_cast %get3A_659 : vector<1x16xi32> to vector<16xi32>
        %broadcast_in_dim3A_661 = arith.constant 16 : i32
        %broadcast_in_dim3A_662 = vector.broadcast %broadcast_in_dim3A_661 : i32 to vector<16xi32>
        %shift_left3A_663 = arith.shli %get3A_660, %broadcast_in_dim3A_662 : vector<16xi32>
        %bitcast_convert_type3A_664 = tpu.bitcast %shift_left3A_663 : vector<16xi32> -> vector<16xf32>
        %broadcast_in_dim3A_665 = arith.constant -65536 : i32
        %broadcast_in_dim3A_666 = vector.broadcast %broadcast_in_dim3A_665 : i32 to vector<16xi32>
        %and3A_667 = arith.andi %get3A_660, %broadcast_in_dim3A_666 : vector<16xi32>
        %bitcast_convert_type3A_668 = tpu.bitcast %and3A_667 : vector<16xi32> -> vector<16xf32>
        %add3A_669 = arith.addf %add3A_609, %bitcast_convert_type3A_664 : vector<16xf32>
        %add3A_670 = arith.addf %add3A_610, %bitcast_convert_type3A_668 : vector<16xf32>
        %get3A_671 = arith.index_cast %add3A_628 : i32 to index
        %get3A_672 = arith.constant 48 : index
        %get3A_673 = tpu.vector_load %arg8[%get3A_671, %get3A_672] {strides = array<i32>} : memref<200x64xi32, #tpu.memory_space<vmem>>, vector<1x16xi32>,
        %get3A_674 = vector.shape_cast %get3A_673 : vector<1x16xi32> to vector<16xi32>
        %broadcast_in_dim3A_675 = arith.constant 16 : i32
        %broadcast_in_dim3A_676 = vector.broadcast %broadcast_in_dim3A_675 : i32 to vector<16xi32>
        %shift_left3A_677 = arith.shli %get3A_674, %broadcast_in_dim3A_676 : vector<16xi32>
        %bitcast_convert_type3A_678 = tpu.bitcast %shift_left3A_677 : vector<16xi32> -> vector<16xf32>
        %broadcast_in_dim3A_679 = arith.constant -65536 : i32
        %broadcast_in_dim3A_680 = vector.broadcast %broadcast_in_dim3A_679 : i32 to vector<16xi32>
        %and3A_681 = arith.andi %get3A_674, %broadcast_in_dim3A_680 : vector<16xi32>
        %bitcast_convert_type3A_682 = tpu.bitcast %and3A_681 : vector<16xi32> -> vector<16xf32>
        %add3A_683 = arith.addf %add3A_623, %bitcast_convert_type3A_678 : vector<16xf32>
        %add3A_684 = arith.addf %add3A_624, %bitcast_convert_type3A_682 : vector<16xf32>
        scf.yield %add3A_641, %add3A_642, %add3A_655, %add3A_656, %add3A_669, %add3A_670, %add3A_683, %add3A_684 : vector<16xf32>, vector<16xf32>, vector<16xf32>, vector<16xf32>, vector<16xf32>, vector<16xf32>, vector<16xf32>, vector<16xf32>
      }
      %scan3A_360 = arith.constant 50 : i32
      %mul3A_361 = arith.constant 128 : i32
      %mul3A_362 = arith.muli %add3A_322, %mul3A_361 : i32
      %add3A_363 = arith.constant 0 : i32
      %add3A_364 = arith.addi %mul3A_362, %add3A_363 : i32
      %multiple_of3A_365 = tpu.assume_multiple %add3A_364, 16 : i32
      %swap3A_366 = arith.index_cast %multiple_of3A_365 : i32 to index
      %swap3A_367 = tpu.vector_load %arg9[%swap3A_366] {strides = array<i32>} : memref<16896xf32, #tpu.memory_space<vmem>>, vector<16xf32>,
      %swap3A_368 = vector.shape_cast %swap3A_367 : vector<16xf32> to vector<16xf32>
      %swap3A_369 = vector.shape_cast %scan3A_359#0 : vector<16xf32> to vector<16xf32>
      tpu.vector_store %arg9[%swap3A_366], %swap3A_369 {strides = array<i32>} : memref<16896xf32, #tpu.memory_space<vmem>>, vector<16xf32>,
      %mul3A_370 = arith.constant 128 : i32
      %mul3A_371 = arith.muli %add3A_322, %mul3A_370 : i32
      %add3A_372 = arith.constant 16 : i32
      %add3A_373 = arith.addi %mul3A_371, %add3A_372 : i32
      %multiple_of3A_374 = tpu.assume_multiple %add3A_373, 16 : i32
      %swap3A_375 = arith.index_cast %multiple_of3A_374 : i32 to index
      %swap3A_376 = tpu.vector_load %arg9[%swap3A_375] {strides = array<i32>} : memref<16896xf32, #tpu.memory_space<vmem>>, vector<16xf32>,
      %swap3A_377 = vector.shape_cast %swap3A_376 : vector<16xf32> to vector<16xf32>
      %swap3A_378 = vector.shape_cast %scan3A_359#1 : vector<16xf32> to vector<16xf32>
      tpu.vector_store %arg9[%swap3A_375], %swap3A_378 {strides = array<i32>} : memref<16896xf32, #tpu.memory_space<vmem>>, vector<16xf32>,
      %mul3A_379 = arith.constant 128 : i32
      %mul3A_380 = arith.muli %add3A_322, %mul3A_379 : i32
      %add3A_381 = arith.constant 32 : i32
      %add3A_382 = arith.addi %mul3A_380, %add3A_381 : i32
      %multiple_of3A_383 = tpu.assume_multiple %add3A_382, 16 : i32
      %swap3A_384 = arith.index_cast %multiple_of3A_383 : i32 to index
      %swap3A_385 = tpu.vector_load %arg9[%swap3A_384] {strides = array<i32>} : memref<16896xf32, #tpu.memory_space<vmem>>, vector<16xf32>,
      %swap3A_386 = vector.shape_cast %swap3A_385 : vector<16xf32> to vector<16xf32>
      %swap3A_387 = vector.shape_cast %scan3A_359#2 : vector<16xf32> to vector<16xf32>
      tpu.vector_store %arg9[%swap3A_384], %swap3A_387 {strides = array<i32>} : memref<16896xf32, #tpu.memory_space<vmem>>, vector<16xf32>,
      %mul3A_388 = arith.constant 128 : i32
      %mul3A_389 = arith.muli %add3A_322, %mul3A_388 : i32
      %add3A_390 = arith.constant 48 : i32
      %add3A_391 = arith.addi %mul3A_389, %add3A_390 : i32
      %multiple_of3A_392 = tpu.assume_multiple %add3A_391, 16 : i32
      %swap3A_393 = arith.index_cast %multiple_of3A_392 : i32 to index
      %swap3A_394 = tpu.vector_load %arg9[%swap3A_393] {strides = array<i32>} : memref<16896xf32, #tpu.memory_space<vmem>>, vector<16xf32>,
      %swap3A_395 = vector.shape_cast %swap3A_394 : vector<16xf32> to vector<16xf32>
      %swap3A_396 = vector.shape_cast %scan3A_359#3 : vector<16xf32> to vector<16xf32>
      tpu.vector_store %arg9[%swap3A_393], %swap3A_396 {strides = array<i32>} : memref<16896xf32, #tpu.memory_space<vmem>>, vector<16xf32>,
      %mul3A_397 = arith.constant 128 : i32
      %mul3A_398 = arith.muli %add3A_322, %mul3A_397 : i32
      %add3A_399 = arith.constant 64 : i32
      %add3A_400 = arith.addi %mul3A_398, %add3A_399 : i32
      %multiple_of3A_401 = tpu.assume_multiple %add3A_400, 16 : i32
      %swap3A_402 = arith.index_cast %multiple_of3A_401 : i32 to index
      %swap3A_403 = tpu.vector_load %arg9[%swap3A_402] {strides = array<i32>} : memref<16896xf32, #tpu.memory_space<vmem>>, vector<16xf32>,
      %swap3A_404 = vector.shape_cast %swap3A_403 : vector<16xf32> to vector<16xf32>
      %swap3A_405 = vector.shape_cast %scan3A_359#4 : vector<16xf32> to vector<16xf32>
      tpu.vector_store %arg9[%swap3A_402], %swap3A_405 {strides = array<i32>} : memref<16896xf32, #tpu.memory_space<vmem>>, vector<16xf32>,
      %mul3A_406 = arith.constant 128 : i32
      %mul3A_407 = arith.muli %add3A_322, %mul3A_406 : i32
      %add3A_408 = arith.constant 80 : i32
      %add3A_409 = arith.addi %mul3A_407, %add3A_408 : i32
      %multiple_of3A_410 = tpu.assume_multiple %add3A_409, 16 : i32
      %swap3A_411 = arith.index_cast %multiple_of3A_410 : i32 to index
      %swap3A_412 = tpu.vector_load %arg9[%swap3A_411] {strides = array<i32>} : memref<16896xf32, #tpu.memory_space<vmem>>, vector<16xf32>,
      %swap3A_413 = vector.shape_cast %swap3A_412 : vector<16xf32> to vector<16xf32>
      %swap3A_414 = vector.shape_cast %scan3A_359#5 : vector<16xf32> to vector<16xf32>
      tpu.vector_store %arg9[%swap3A_411], %swap3A_414 {strides = array<i32>} : memref<16896xf32, #tpu.memory_space<vmem>>, vector<16xf32>,
      %mul3A_415 = arith.constant 128 : i32
      %mul3A_416 = arith.muli %add3A_322, %mul3A_415 : i32
      %add3A_417 = arith.constant 96 : i32
      %add3A_418 = arith.addi %mul3A_416, %add3A_417 : i32
      %multiple_of3A_419 = tpu.assume_multiple %add3A_418, 16 : i32
      %swap3A_420 = arith.index_cast %multiple_of3A_419 : i32 to index
      %swap3A_421 = tpu.vector_load %arg9[%swap3A_420] {strides = array<i32>} : memref<16896xf32, #tpu.memory_space<vmem>>, vector<16xf32>,
      %swap3A_422 = vector.shape_cast %swap3A_421 : vector<16xf32> to vector<16xf32>
      %swap3A_423 = vector.shape_cast %scan3A_359#6 : vector<16xf32> to vector<16xf32>
      tpu.vector_store %arg9[%swap3A_420], %swap3A_423 {strides = array<i32>} : memref<16896xf32, #tpu.memory_space<vmem>>, vector<16xf32>,
      %mul3A_424 = arith.constant 128 : i32
      %mul3A_425 = arith.muli %add3A_322, %mul3A_424 : i32
      %add3A_426 = arith.constant 112 : i32
      %add3A_427 = arith.addi %mul3A_425, %add3A_426 : i32
      %multiple_of3A_428 = tpu.assume_multiple %add3A_427, 16 : i32
      %swap3A_429 = arith.index_cast %multiple_of3A_428 : i32 to index
      %swap3A_430 = tpu.vector_load %arg9[%swap3A_429] {strides = array<i32>} : memref<16896xf32, #tpu.memory_space<vmem>>, vector<16xf32>,
      %swap3A_431 = vector.shape_cast %swap3A_430 : vector<16xf32> to vector<16xf32>
      %swap3A_432 = vector.shape_cast %scan3A_359#7 : vector<16xf32> to vector<16xf32>
      tpu.vector_store %arg9[%swap3A_429], %swap3A_432 {strides = array<i32>} : memref<16896xf32, #tpu.memory_space<vmem>>, vector<16xf32>,
      %add3A_433 = arith.constant 3 : i32
      %add3A_434 = arith.addi %add3A_322, %add3A_433 : i32
      %lt3A_435 = arith.constant 132 : i32
      %lt3A_436 = arith.cmpi slt, %add3A_434, %lt3A_435 : i32
      %convert_element_type3A_437 = arith.extui %lt3A_436 : i1 to i32
      %cond3A_438 = arith.constant 0 : i32
      %cond3A_439 = arith.cmpi ne, %convert_element_type3A_437, %cond3A_438 : i32
      scf.if %cond3A_439 {
        %add3A_440 = arith.constant 3 : i32
        %add3A_441 = arith.addi %add3A_322, %add3A_440 : i32
        %mul3A_442 = arith.constant 200 : i32
        %mul3A_443 = arith.muli %add3A_441, %mul3A_442 : i32
        %multiple_of3A_444 = tpu.assume_multiple %mul3A_443, 8 : i32
        %dma_start3A_445 = arith.constant 0 : i32
        %dma_start3A_446 = arith.constant 0 : i32
        %dma_start3A_447 = tpu.memref_slice %arg8[%dma_start3A_445, %dma_start3A_446] : memref<200x64xi32, #tpu.memory_space<vmem>> -> memref<96x64xi32, #tpu.memory_space<vmem>>
        %dma_start3A_448 = tpu.memref_slice %arg5[%multiple_of3A_444] : memref<26400xi32, #tpu.memory_space<vmem>> -> memref<96xi32, #tpu.memory_space<vmem>>
        %dma_start3A_449 = arith.constant 0 : i32
        %dma_start3A_450 = arith.constant 0 : i32
        %dma_start3A_451 = tpu.memref_slice %arg2[%dma_start3A_449, %dma_start3A_450] : memref<100001x64xi32, #tpu.memory_space<hbm>> -> memref<100001x64xi32, #tpu.memory_space<hbm>>
        tpu.enqueue_indirect_dma source(%dma_start3A_451 : memref<100001x64xi32, #tpu.memory_space<hbm>>) target(%dma_start3A_447 : memref<96x64xi32, #tpu.memory_space<vmem>>) offsets(%dma_start3A_448 : memref<96xi32, #tpu.memory_space<vmem>>) semaphore(%arg12 : memref<!tpu.dma_semaphore, #tpu.memory_space<semaphore_mem>>)
        %mul3A_452 = arith.constant 200 : i32
        %mul3A_453 = arith.muli %add3A_441, %mul3A_452 : i32
        %add3A_454 = arith.constant 96 : i32
        %add3A_455 = arith.addi %mul3A_453, %add3A_454 : i32
        %multiple_of3A_456 = tpu.assume_multiple %add3A_455, 8 : i32
        %dma_start3A_457 = arith.constant 96 : i32
        %dma_start3A_458 = arith.constant 0 : i32
        %dma_start3A_459 = tpu.memref_slice %arg8[%dma_start3A_457, %dma_start3A_458] : memref<200x64xi32, #tpu.memory_space<vmem>> -> memref<104x64xi32, #tpu.memory_space<vmem>>
        %dma_start3A_460 = tpu.memref_slice %arg5[%multiple_of3A_456] : memref<26400xi32, #tpu.memory_space<vmem>> -> memref<104xi32, #tpu.memory_space<vmem>>
        %dma_start3A_461 = arith.constant 0 : i32
        %dma_start3A_462 = arith.constant 0 : i32
        %dma_start3A_463 = tpu.memref_slice %arg2[%dma_start3A_461, %dma_start3A_462] : memref<100001x64xi32, #tpu.memory_space<hbm>> -> memref<100001x64xi32, #tpu.memory_space<hbm>>
        tpu.enqueue_indirect_dma source(%dma_start3A_463 : memref<100001x64xi32, #tpu.memory_space<hbm>>) target(%dma_start3A_459 : memref<104x64xi32, #tpu.memory_space<vmem>>) offsets(%dma_start3A_460 : memref<104xi32, #tpu.memory_space<vmem>>) semaphore(%arg12 : memref<!tpu.dma_semaphore, #tpu.memory_space<semaphore_mem>>)
      } else {
      }
    }
    %scan3A_78 = arith.constant 44 : i32
    %mul3A_79 = arith.constant 16896 : i32
    %mul3A_80 = arith.muli %add3A, %mul3A_79 : i32
    %multiple_of3A_81 = tpu.assume_multiple %mul3A_80, 8 : i32
    "tpu.region"() ({
      %run_scoped3A = tpu.sem_alloc : memref<!tpu.dma_semaphore, #tpu.memory_space<semaphore_mem>>
      %dma_start3A_82 = tpu.memref_slice %arg4[%multiple_of3A_81] : memref<540672xf32, #tpu.memory_space<hbm>> -> memref<16896xf32, #tpu.memory_space<hbm>>
      %dma_start3A_83 = tpu.memref_slice %arg4[%multiple_of3A_81] : memref<540672xf32, #tpu.memory_space<hbm>> -> memref<16896xf32, #tpu.memory_space<hbm>>
      tpu.enqueue_dma source(%arg9 : memref<16896xf32, #tpu.memory_space<vmem>>) target(%dma_start3A_83 : memref<16896xf32, #tpu.memory_space<hbm>>) target_semaphore(%run_scoped3A : memref<!tpu.dma_semaphore, #tpu.memory_space<semaphore_mem>>)
      %dma_wait3A = tpu.memref_slice %arg4[%multiple_of3A_81] : memref<540672xf32, #tpu.memory_space<hbm>> -> memref<16896xf32, #tpu.memory_space<hbm>>
      %dma_wait3A_84 = tpu.memref_slice %arg4[%multiple_of3A_81] : memref<540672xf32, #tpu.memory_space<hbm>> -> memref<16896xf32, #tpu.memory_space<hbm>>
      tpu.wait_dma2 semaphore(%run_scoped3A : memref<!tpu.dma_semaphore, #tpu.memory_space<semaphore_mem>>) src(%arg9 : memref<16896xf32, #tpu.memory_space<vmem>>) dst(%dma_wait3A_84 : memref<16896xf32, #tpu.memory_space<hbm>>)
      tpu.yield
    }) : () -> ()
    return
  }
}

module attributes {stable_mosaic.version = 14 : i64} {
  func.func @body(%arg0: i32, %arg1: memref<128x512xf32, #tpu.memory_space<vmem>>, %arg2: memref<128x1xf32, #tpu.memory_space<vmem>>, %arg3: memref<128x1xf32, #tpu.memory_space<vmem>>, %arg4: memref<8x512xf32, #tpu.memory_space<vmem>>, %arg5: memref<8x1xf32, #tpu.memory_space<vmem>>, %arg6: memref<8x1xf32, #tpu.memory_space<vmem>>, %arg7: memref<128x256xf32, #tpu.memory_space<vmem>>, %arg8: memref<1x128xf32, #tpu.memory_space<vmem>>, %arg9: memref<512x256xf32, #tpu.memory_space<vmem>>, %arg10: memref<1x512xf32, #tpu.memory_space<vmem>>, %arg11: memref<256x512xf32, #tpu.memory_space<vmem>>, %arg12: memref<1x256xf32, #tpu.memory_space<vmem>>, %arg13: memref<1x256xf32, #tpu.memory_space<vmem>>, %arg14: memref<1x256xf32, #tpu.memory_space<vmem>>, %arg15: memref<2048x256xf32, #tpu.memory_space<vmem>>, %arg16: memref<2048x256xf32, #tpu.memory_space<vmem>>, %arg17: memref<2048x256xf32, #tpu.memory_space<vmem>>, %arg18: memref<1x2048xf32, #tpu.memory_space<vmem>>, %arg19: memref<1x1x128xf32, #tpu.memory_space<vmem>>) attributes {dimension_semantics = [#tpu.dimension_semantics<arbitrary>], iteration_bounds = array<i64: 8>, scalar_prefetch = 0 : i64, scratch_operands = 0 : i64, tpu.core_type = #tpu.core_type<tc>, window_params = [{transform_indices = @transform_0, window_bounds = array<i64: 128, 512>}, {transform_indices = @transform_1, window_bounds = array<i64: 128, 1>}, {transform_indices = @transform_2, window_bounds = array<i64: 128, 1>}, {pipeline_mode = #tpu.pipeline_mode<synchronous>, transform_indices = @transform_3, window_bounds = array<i64: 8, 512>}, {pipeline_mode = #tpu.pipeline_mode<synchronous>, transform_indices = @transform_4, window_bounds = array<i64: 8, 1>}, {pipeline_mode = #tpu.pipeline_mode<synchronous>, transform_indices = @transform_5, window_bounds = array<i64: 8, 1>}, {pipeline_mode = #tpu.pipeline_mode<synchronous>, transform_indices = @transform_6, window_bounds = array<i64: 128, 256>}, {pipeline_mode = #tpu.pipeline_mode<synchronous>, transform_indices = @transform_7, window_bounds = array<i64: 1, 128>}, {pipeline_mode = #tpu.pipeline_mode<synchronous>, transform_indices = @transform_8, window_bounds = array<i64: 512, 256>}, {pipeline_mode = #tpu.pipeline_mode<synchronous>, transform_indices = @transform_9, window_bounds = array<i64: 1, 512>}, {pipeline_mode = #tpu.pipeline_mode<synchronous>, transform_indices = @transform_10, window_bounds = array<i64: 256, 512>}, {pipeline_mode = #tpu.pipeline_mode<synchronous>, transform_indices = @transform_11, window_bounds = array<i64: 1, 256>}, {pipeline_mode = #tpu.pipeline_mode<synchronous>, transform_indices = @transform_12, window_bounds = array<i64: 1, 256>}, {pipeline_mode = #tpu.pipeline_mode<synchronous>, transform_indices = @transform_13, window_bounds = array<i64: 1, 256>}, {pipeline_mode = #tpu.pipeline_mode<synchronous>, transform_indices = @transform_14, window_bounds = array<i64: 2048, 256>}, {pipeline_mode = #tpu.pipeline_mode<synchronous>, transform_indices = @transform_15, window_bounds = array<i64: 2048, 256>}, {pipeline_mode = #tpu.pipeline_mode<synchronous>, transform_indices = @transform_16, window_bounds = array<i64: 2048, 256>}, {pipeline_mode = #tpu.pipeline_mode<synchronous>, transform_indices = @transform_17, window_bounds = array<i64: 1, 2048>}, {transform_indices = @transform_18, window_bounds = array<i64: 1, 1, 128>}]} {
    %get3A = arith.constant 0 : index
    %get3A_0 = arith.constant 0 : index
    %get3A_1 = vector.load %arg7[%get3A, %get3A_0] : memref<128x256xf32, #tpu.memory_space<vmem>>, vector<128x256xf32>
    %get3A_2 = arith.constant 0 : index
    %get3A_3 = arith.constant 0 : index
    %get3A_4 = vector.load %arg8[%get3A_2, %get3A_3] : memref<1x128xf32, #tpu.memory_space<vmem>>, vector<1x128xf32>
    %get3A_5 = arith.constant 0 : index
    %get3A_6 = arith.constant 0 : index
    %get3A_7 = vector.load %arg9[%get3A_5, %get3A_6] : memref<512x256xf32, #tpu.memory_space<vmem>>, vector<512x256xf32>
    %get3A_8 = arith.constant 0 : index
    %get3A_9 = arith.constant 0 : index
    %get3A_10 = vector.load %arg11[%get3A_8, %get3A_9] : memref<256x512xf32, #tpu.memory_space<vmem>>, vector<256x512xf32>
    %get3A_11 = arith.constant 0 : index
    %get3A_12 = arith.constant 0 : index
    %get3A_13 = vector.load %arg4[%get3A_11, %get3A_12] : memref<8x512xf32, #tpu.memory_space<vmem>>, vector<8x512xf32>
    %get3A_14 = arith.constant 0 : index
    %get3A_15 = arith.constant 0 : index
    %get3A_16 = vector.load %arg5[%get3A_14, %get3A_15] : memref<8x1xf32, #tpu.memory_space<vmem>>, vector<8x1xf32>
    %get3A_17 = arith.constant 0 : index
    %get3A_18 = arith.constant 0 : index
    %get3A_19 = vector.load %arg6[%get3A_17, %get3A_18] : memref<8x1xf32, #tpu.memory_space<vmem>>, vector<8x1xf32>
    %slice3A = vector.extract_strided_slice %get3A_13 {offsets = [0, 0], sizes = [8, 256], strides = [1, 1]} : vector<8x512xf32> to vector<8x256xf32>
    %dot_general3A = arith.constant dense<0.000000e+00> : vector<8x128xf32>
    %dot_general3A_20 = tpu.matmul %slice3A, %get3A_1, %dot_general3A {dimension_numbers = #tpu.dot_dimension_numbers<[1], [1], [0], [0], [0, 0, 1, 0], [], []>, transpose_lhs_hint = false} : vector<8x256xf32>, vector<128x256xf32>, vector<8x128xf32> -> vector<8x128xf32>
    %mul3A = arith.constant 2.000000e+02 : f32
    %mul3A_21 = vector.broadcast %mul3A : f32 to vector<1x128xf32>
    %mul3A_22 = arith.mulf %mul3A_21, %get3A_4 : vector<1x128xf32>
    %add3A = vector.broadcast %mul3A_22 : vector<1x128xf32> to vector<8x128xf32>
    %add3A_23 = arith.addf %dot_general3A_20, %add3A : vector<8x128xf32>
    %div3A = vector.broadcast %get3A_16 : vector<8x1xf32> to vector<8x128xf32>
    %div3A_24 = arith.divf %add3A_23, %div3A : vector<8x128xf32>
    %tanh3A = math.tanh %div3A_24 : vector<8x128xf32>
    %slice3A_25 = vector.extract_strided_slice %get3A_13 {offsets = [0, 256], sizes = [8, 256], strides = [1, 1]} : vector<8x512xf32> to vector<8x256xf32>
    %dot_general3A_26 = arith.constant dense<0.000000e+00> : vector<8x128xf32>
    %dot_general3A_27 = tpu.matmul %slice3A_25, %get3A_1, %dot_general3A_26 {dimension_numbers = #tpu.dot_dimension_numbers<[1], [1], [0], [0], [0, 0, 1, 0], [], []>, transpose_lhs_hint = false} : vector<8x256xf32>, vector<128x256xf32>, vector<8x128xf32> -> vector<8x128xf32>
    %mul3A_28 = arith.constant 2.000000e+02 : f32
    %mul3A_29 = vector.broadcast %mul3A_28 : f32 to vector<1x128xf32>
    %mul3A_30 = arith.mulf %mul3A_29, %get3A_4 : vector<1x128xf32>
    %add3A_31 = vector.broadcast %mul3A_30 : vector<1x128xf32> to vector<8x128xf32>
    %add3A_32 = arith.addf %dot_general3A_27, %add3A_31 : vector<8x128xf32>
    %div3A_33 = vector.broadcast %get3A_19 : vector<8x1xf32> to vector<8x128xf32>
    %div3A_34 = arith.divf %add3A_32, %div3A_33 : vector<8x128xf32>
    %tanh3A_35 = math.tanh %div3A_34 : vector<8x128xf32>
    %concatenate3A = tpu.concatenate %tanh3A, %tanh3A_35 in 1 : vector<8x128xf32>, vector<8x128xf32> -> vector<8x256xf32>
    %dot_general3A_36 = arith.constant dense<0.000000e+00> : vector<8x512xf32>
    %dot_general3A_37 = tpu.matmul %concatenate3A, %get3A_7, %dot_general3A_36 {dimension_numbers = #tpu.dot_dimension_numbers<[1], [1], [0], [0], [0, 0, 1, 0], [], []>, transpose_lhs_hint = false} : vector<8x256xf32>, vector<512x256xf32>, vector<8x512xf32> -> vector<8x512xf32>
    %get3A_38 = arith.constant 0 : index
    %get3A_39 = arith.constant 0 : index
    %get3A_40 = vector.load %arg10[%get3A_38, %get3A_39] : memref<1x512xf32, #tpu.memory_space<vmem>>, vector<1x512xf32>
    %add3A_41 = vector.broadcast %get3A_40 : vector<1x512xf32> to vector<8x512xf32>
    %add3A_42 = arith.addf %dot_general3A_37, %add3A_41 : vector<8x512xf32>
    %max3A = arith.constant 0.000000e+00 : f32
    %max3A_43 = vector.broadcast %max3A : f32 to vector<8x512xf32>
    %max3A_44 = arith.maximumf %add3A_42, %max3A_43 : vector<8x512xf32>
    %dot_general3A_45 = arith.constant dense<0.000000e+00> : vector<8x256xf32>
    %dot_general3A_46 = tpu.matmul %max3A_44, %get3A_10, %dot_general3A_45 {dimension_numbers = #tpu.dot_dimension_numbers<[1], [1], [0], [0], [0, 0, 1, 0], [], []>, transpose_lhs_hint = false} : vector<8x512xf32>, vector<256x512xf32>, vector<8x256xf32> -> vector<8x256xf32>
    %get3A_47 = arith.constant 0 : index
    %get3A_48 = arith.constant 0 : index
    %get3A_49 = vector.load %arg12[%get3A_47, %get3A_48] : memref<1x256xf32, #tpu.memory_space<vmem>>, vector<1x256xf32>
    %add3A_50 = vector.broadcast %get3A_49 : vector<1x256xf32> to vector<8x256xf32>
    %add3A_51 = arith.addf %dot_general3A_46, %add3A_50 : vector<8x256xf32>
    %add3A_52 = arith.addf %add3A_51, %concatenate3A : vector<8x256xf32>
    %reduce_sum3A = arith.constant dense<0.000000e+00> : vector<8xf32>
    %reduce_sum3A_53 = vector.multi_reduction <add>, %add3A_52, %reduce_sum3A [1] : vector<8x256xf32> to vector<8xf32>
    %broadcast_in_dim3A = vector.shape_cast %reduce_sum3A_53 : vector<8xf32> to vector<8x1xf32>
    %div3A_54 = arith.constant 2.560000e+02 : f32
    %div3A_55 = vector.broadcast %div3A_54 : f32 to vector<8x1xf32>
    %div3A_56 = arith.divf %broadcast_in_dim3A, %div3A_55 : vector<8x1xf32>
    %sub3A = vector.broadcast %div3A_56 : vector<8x1xf32> to vector<8x256xf32>
    %sub3A_57 = arith.subf %add3A_52, %sub3A : vector<8x256xf32>
    %integer_pow3A = arith.mulf %sub3A_57, %sub3A_57 : vector<8x256xf32>
    %reduce_sum3A_58 = arith.constant dense<0.000000e+00> : vector<8xf32>
    %reduce_sum3A_59 = vector.multi_reduction <add>, %integer_pow3A, %reduce_sum3A_58 [1] : vector<8x256xf32> to vector<8xf32>
    %broadcast_in_dim3A_60 = vector.shape_cast %reduce_sum3A_59 : vector<8xf32> to vector<8x1xf32>
    %div3A_61 = arith.constant 2.550000e+02 : f32
    %div3A_62 = vector.broadcast %div3A_61 : f32 to vector<8x1xf32>
    %div3A_63 = arith.divf %broadcast_in_dim3A_60, %div3A_62 : vector<8x1xf32>
    %sub3A_64 = vector.broadcast %div3A_56 : vector<8x1xf32> to vector<8x256xf32>
    %sub3A_65 = arith.subf %add3A_52, %sub3A_64 : vector<8x256xf32>
    %sqrt3A = math.sqrt %div3A_63 : vector<8x1xf32>
    %add3A_66 = arith.constant 1.000000e-03 : f32
    %add3A_67 = vector.broadcast %add3A_66 : f32 to vector<8x1xf32>
    %add3A_68 = arith.addf %sqrt3A, %add3A_67 : vector<8x1xf32>
    %div3A_69 = vector.broadcast %add3A_68 : vector<8x1xf32> to vector<8x256xf32>
    %div3A_70 = arith.divf %sub3A_65, %div3A_69 : vector<8x256xf32>
    %get3A_71 = arith.constant 0 : index
    %get3A_72 = arith.constant 0 : index
    %get3A_73 = vector.load %arg13[%get3A_71, %get3A_72] : memref<1x256xf32, #tpu.memory_space<vmem>>, vector<1x256xf32>
    %mul3A_74 = vector.broadcast %get3A_73 : vector<1x256xf32> to vector<8x256xf32>
    %mul3A_75 = arith.mulf %div3A_70, %mul3A_74 : vector<8x256xf32>
    %get3A_76 = arith.constant 0 : index
    %get3A_77 = arith.constant 0 : index
    %get3A_78 = vector.load %arg14[%get3A_76, %get3A_77] : memref<1x256xf32, #tpu.memory_space<vmem>>, vector<1x256xf32>
    %add3A_79 = vector.broadcast %get3A_78 : vector<1x256xf32> to vector<8x256xf32>
    %add3A_80 = arith.addf %mul3A_75, %add3A_79 : vector<8x256xf32>
    %iota3A = tpu.iota {dimensions = array<i32: 0>} : vector<8x1xi32>
    %lt3A = arith.constant 5 : i32
    %lt3A_81 = vector.broadcast %lt3A : i32 to vector<8x1xi32>
    %lt3A_82 = arith.cmpi slt, %iota3A, %lt3A_81 : vector<8x1xi32>
    %jit3A = arith.constant 0.000000e+00 : f32
    %broadcast_in_dim3A_83 = vector.shape_cast %lt3A_82 : vector<8x1xi1> to vector<8x1xi1>
    %broadcast_in_dim3A_84 = vector.broadcast %broadcast_in_dim3A_83 : vector<8x1xi1> to vector<8x256xi1>
    %broadcast_in_dim3A_85 = vector.broadcast %jit3A : f32 to vector<8x256xf32>
    %select_n3A = arith.select %broadcast_in_dim3A_84, %add3A_80, %broadcast_in_dim3A_85 : vector<8x256xi1>, vector<8x256xf32>
    %reduce_sum3A_86 = arith.constant dense<0.000000e+00> : vector<256xf32>
    %reduce_sum3A_87 = vector.multi_reduction <add>, %select_n3A, %reduce_sum3A_86 [0] : vector<8x256xf32> to vector<256xf32>
    %broadcast_in_dim3A_88 = vector.shape_cast %reduce_sum3A_87 : vector<256xf32> to vector<1x256xf32>
    %div3A_89 = arith.constant 5.000000e+00 : f32
    %div3A_90 = vector.broadcast %div3A_89 : f32 to vector<1x256xf32>
    %div3A_91 = arith.divf %broadcast_in_dim3A_88, %div3A_90 : vector<1x256xf32>
    %get3A_92 = arith.constant 0 : index
    %get3A_93 = arith.constant 0 : index
    %get3A_94 = vector.load %arg1[%get3A_92, %get3A_93] : memref<128x512xf32, #tpu.memory_space<vmem>>, vector<128x512xf32>
    %get3A_95 = arith.constant 0 : index
    %get3A_96 = arith.constant 0 : index
    %get3A_97 = vector.load %arg2[%get3A_95, %get3A_96] : memref<128x1xf32, #tpu.memory_space<vmem>>, vector<128x1xf32>
    %get3A_98 = arith.constant 0 : index
    %get3A_99 = arith.constant 0 : index
    %get3A_100 = vector.load %arg3[%get3A_98, %get3A_99] : memref<128x1xf32, #tpu.memory_space<vmem>>, vector<128x1xf32>
    %slice3A_101 = vector.extract_strided_slice %get3A_94 {offsets = [0, 0], sizes = [128, 256], strides = [1, 1]} : vector<128x512xf32> to vector<128x256xf32>
    %dot_general3A_102 = arith.constant dense<0.000000e+00> : vector<128x128xf32>
    %dot_general3A_103 = tpu.matmul %slice3A_101, %get3A_1, %dot_general3A_102 {dimension_numbers = #tpu.dot_dimension_numbers<[1], [1], [0], [0], [0, 0, 1, 0], [], []>, transpose_lhs_hint = false} : vector<128x256xf32>, vector<128x256xf32>, vector<128x128xf32> -> vector<128x128xf32>
    %mul3A_104 = arith.constant 2.000000e+02 : f32
    %mul3A_105 = vector.broadcast %mul3A_104 : f32 to vector<1x128xf32>
    %mul3A_106 = arith.mulf %mul3A_105, %get3A_4 : vector<1x128xf32>
    %add3A_107 = vector.broadcast %mul3A_106 : vector<1x128xf32> to vector<128x128xf32>
    %add3A_108 = arith.addf %dot_general3A_103, %add3A_107 : vector<128x128xf32>
    %div3A_109 = vector.broadcast %get3A_97 : vector<128x1xf32> to vector<128x128xf32>
    %div3A_110 = arith.divf %add3A_108, %div3A_109 : vector<128x128xf32>
    %tanh3A_111 = math.tanh %div3A_110 : vector<128x128xf32>
    %slice3A_112 = vector.extract_strided_slice %get3A_94 {offsets = [0, 256], sizes = [128, 256], strides = [1, 1]} : vector<128x512xf32> to vector<128x256xf32>
    %dot_general3A_113 = arith.constant dense<0.000000e+00> : vector<128x128xf32>
    %dot_general3A_114 = tpu.matmul %slice3A_112, %get3A_1, %dot_general3A_113 {dimension_numbers = #tpu.dot_dimension_numbers<[1], [1], [0], [0], [0, 0, 1, 0], [], []>, transpose_lhs_hint = false} : vector<128x256xf32>, vector<128x256xf32>, vector<128x128xf32> -> vector<128x128xf32>
    %mul3A_115 = arith.constant 2.000000e+02 : f32
    %mul3A_116 = vector.broadcast %mul3A_115 : f32 to vector<1x128xf32>
    %mul3A_117 = arith.mulf %mul3A_116, %get3A_4 : vector<1x128xf32>
    %add3A_118 = vector.broadcast %mul3A_117 : vector<1x128xf32> to vector<128x128xf32>
    %add3A_119 = arith.addf %dot_general3A_114, %add3A_118 : vector<128x128xf32>
    %div3A_120 = vector.broadcast %get3A_100 : vector<128x1xf32> to vector<128x128xf32>
    %div3A_121 = arith.divf %add3A_119, %div3A_120 : vector<128x128xf32>
    %tanh3A_122 = math.tanh %div3A_121 : vector<128x128xf32>
    %concatenate3A_123 = tpu.concatenate %tanh3A_111, %tanh3A_122 in 1 : vector<128x128xf32>, vector<128x128xf32> -> vector<128x256xf32>
    %dot_general3A_124 = arith.constant dense<0.000000e+00> : vector<128x512xf32>
    %dot_general3A_125 = tpu.matmul %concatenate3A_123, %get3A_7, %dot_general3A_124 {dimension_numbers = #tpu.dot_dimension_numbers<[1], [1], [0], [0], [0, 0, 1, 0], [], []>, transpose_lhs_hint = false} : vector<128x256xf32>, vector<512x256xf32>, vector<128x512xf32> -> vector<128x512xf32>
    %get3A_126 = arith.constant 0 : index
    %get3A_127 = arith.constant 0 : index
    %get3A_128 = vector.load %arg10[%get3A_126, %get3A_127] : memref<1x512xf32, #tpu.memory_space<vmem>>, vector<1x512xf32>
    %add3A_129 = vector.broadcast %get3A_128 : vector<1x512xf32> to vector<128x512xf32>
    %add3A_130 = arith.addf %dot_general3A_125, %add3A_129 : vector<128x512xf32>
    %max3A_131 = arith.constant 0.000000e+00 : f32
    %max3A_132 = vector.broadcast %max3A_131 : f32 to vector<128x512xf32>
    %max3A_133 = arith.maximumf %add3A_130, %max3A_132 : vector<128x512xf32>
    %dot_general3A_134 = arith.constant dense<0.000000e+00> : vector<128x256xf32>
    %dot_general3A_135 = tpu.matmul %max3A_133, %get3A_10, %dot_general3A_134 {dimension_numbers = #tpu.dot_dimension_numbers<[1], [1], [0], [0], [0, 0, 1, 0], [], []>, transpose_lhs_hint = false} : vector<128x512xf32>, vector<256x512xf32>, vector<128x256xf32> -> vector<128x256xf32>
    %get3A_136 = arith.constant 0 : index
    %get3A_137 = arith.constant 0 : index
    %get3A_138 = vector.load %arg12[%get3A_136, %get3A_137] : memref<1x256xf32, #tpu.memory_space<vmem>>, vector<1x256xf32>
    %add3A_139 = vector.broadcast %get3A_138 : vector<1x256xf32> to vector<128x256xf32>
    %add3A_140 = arith.addf %dot_general3A_135, %add3A_139 : vector<128x256xf32>
    %add3A_141 = arith.addf %add3A_140, %concatenate3A_123 : vector<128x256xf32>
    %reduce_sum3A_142 = arith.constant dense<0.000000e+00> : vector<128xf32>
    %reduce_sum3A_143 = vector.multi_reduction <add>, %add3A_141, %reduce_sum3A_142 [1] : vector<128x256xf32> to vector<128xf32>
    %broadcast_in_dim3A_144 = vector.shape_cast %reduce_sum3A_143 : vector<128xf32> to vector<128x1xf32>
    %div3A_145 = arith.constant 2.560000e+02 : f32
    %div3A_146 = vector.broadcast %div3A_145 : f32 to vector<128x1xf32>
    %div3A_147 = arith.divf %broadcast_in_dim3A_144, %div3A_146 : vector<128x1xf32>
    %sub3A_148 = vector.broadcast %div3A_147 : vector<128x1xf32> to vector<128x256xf32>
    %sub3A_149 = arith.subf %add3A_141, %sub3A_148 : vector<128x256xf32>
    %integer_pow3A_150 = arith.mulf %sub3A_149, %sub3A_149 : vector<128x256xf32>
    %reduce_sum3A_151 = arith.constant dense<0.000000e+00> : vector<128xf32>
    %reduce_sum3A_152 = vector.multi_reduction <add>, %integer_pow3A_150, %reduce_sum3A_151 [1] : vector<128x256xf32> to vector<128xf32>
    %broadcast_in_dim3A_153 = vector.shape_cast %reduce_sum3A_152 : vector<128xf32> to vector<128x1xf32>
    %div3A_154 = arith.constant 2.550000e+02 : f32
    %div3A_155 = vector.broadcast %div3A_154 : f32 to vector<128x1xf32>
    %div3A_156 = arith.divf %broadcast_in_dim3A_153, %div3A_155 : vector<128x1xf32>
    %sub3A_157 = vector.broadcast %div3A_147 : vector<128x1xf32> to vector<128x256xf32>
    %sub3A_158 = arith.subf %add3A_141, %sub3A_157 : vector<128x256xf32>
    %sqrt3A_159 = math.sqrt %div3A_156 : vector<128x1xf32>
    %add3A_160 = arith.constant 1.000000e-03 : f32
    %add3A_161 = vector.broadcast %add3A_160 : f32 to vector<128x1xf32>
    %add3A_162 = arith.addf %sqrt3A_159, %add3A_161 : vector<128x1xf32>
    %div3A_163 = vector.broadcast %add3A_162 : vector<128x1xf32> to vector<128x256xf32>
    %div3A_164 = arith.divf %sub3A_158, %div3A_163 : vector<128x256xf32>
    %get3A_165 = arith.constant 0 : index
    %get3A_166 = arith.constant 0 : index
    %get3A_167 = vector.load %arg13[%get3A_165, %get3A_166] : memref<1x256xf32, #tpu.memory_space<vmem>>, vector<1x256xf32>
    %mul3A_168 = vector.broadcast %get3A_167 : vector<1x256xf32> to vector<128x256xf32>
    %mul3A_169 = arith.mulf %div3A_164, %mul3A_168 : vector<128x256xf32>
    %get3A_170 = arith.constant 0 : index
    %get3A_171 = arith.constant 0 : index
    %get3A_172 = vector.load %arg14[%get3A_170, %get3A_171] : memref<1x256xf32, #tpu.memory_space<vmem>>, vector<1x256xf32>
    %add3A_173 = vector.broadcast %get3A_172 : vector<1x256xf32> to vector<128x256xf32>
    %add3A_174 = arith.addf %mul3A_169, %add3A_173 : vector<128x256xf32>
    %get3A_175 = arith.constant 0 : index
    %get3A_176 = arith.constant 0 : index
    %get3A_177 = vector.load %arg15[%get3A_175, %get3A_176] : memref<2048x256xf32, #tpu.memory_space<vmem>>, vector<2048x256xf32>
    %dot_general3A_178 = arith.constant dense<0.000000e+00> : vector<128x2048xf32>
    %dot_general3A_179 = tpu.matmul %add3A_174, %get3A_177, %dot_general3A_178 {dimension_numbers = #tpu.dot_dimension_numbers<[1], [1], [0], [0], [0, 0, 1, 0], [], []>, transpose_lhs_hint = false} : vector<128x256xf32>, vector<2048x256xf32>, vector<128x2048xf32> -> vector<128x2048xf32>
    %get3A_180 = arith.constant 0 : index
    %get3A_181 = arith.constant 0 : index
    %get3A_182 = vector.load %arg17[%get3A_180, %get3A_181] : memref<2048x256xf32, #tpu.memory_space<vmem>>, vector<2048x256xf32>
    %dot_general3A_183 = arith.constant dense<0.000000e+00> : vector<1x2048xf32>
    %dot_general3A_184 = tpu.matmul %div3A_91, %get3A_182, %dot_general3A_183 {dimension_numbers = #tpu.dot_dimension_numbers<[1], [1], [0], [0], [0, 0, 1, 0], [], []>, transpose_lhs_hint = false} : vector<1x256xf32>, vector<2048x256xf32>, vector<1x2048xf32> -> vector<1x2048xf32>
    %get3A_185 = arith.constant 0 : index
    %get3A_186 = arith.constant 0 : index
    %get3A_187 = vector.load %arg18[%get3A_185, %get3A_186] : memref<1x2048xf32, #tpu.memory_space<vmem>>, vector<1x2048xf32>
    %get3A_188 = arith.constant 0 : index
    %get3A_189 = arith.constant 0 : index
    %get3A_190 = vector.load %arg16[%get3A_188, %get3A_189] : memref<2048x256xf32, #tpu.memory_space<vmem>>, vector<2048x256xf32>
    %broadcast_in_dim3A_191 = arith.constant 0.000000e+00 : f32
    %broadcast_in_dim3A_192 = vector.broadcast %broadcast_in_dim3A_191 : f32 to vector<128x512xf32>
    %add3A_193 = vector.broadcast %get3A_187 : vector<1x2048xf32> to vector<128x2048xf32>
    %add3A_194 = arith.addf %dot_general3A_179, %add3A_193 : vector<128x2048xf32>
    %slice3A_195 = vector.extract_strided_slice %add3A_194 {offsets = [0, 0], sizes = [128, 512], strides = [1, 1]} : vector<128x2048xf32> to vector<128x512xf32>
    %logistic3A = arith.negf %slice3A_195 : vector<128x512xf32>
    %logistic3A_196 = math.exp %logistic3A : vector<128x512xf32>
    %logistic3A_197 = arith.constant 1.000000e+00 : f32
    %logistic3A_198 = vector.broadcast %logistic3A_197 : f32 to vector<128x512xf32>
    %logistic3A_199 = arith.addf %logistic3A_198, %logistic3A_196 : vector<128x512xf32>
    %logistic3A_200 = arith.divf %logistic3A_198, %logistic3A_199 : vector<128x512xf32>
    %slice3A_201 = vector.extract_strided_slice %add3A_194 {offsets = [0, 512], sizes = [128, 512], strides = [1, 1]} : vector<128x2048xf32> to vector<128x512xf32>
    %logistic3A_202 = arith.negf %slice3A_201 : vector<128x512xf32>
    %logistic3A_203 = math.exp %logistic3A_202 : vector<128x512xf32>
    %logistic3A_204 = arith.constant 1.000000e+00 : f32
    %logistic3A_205 = vector.broadcast %logistic3A_204 : f32 to vector<128x512xf32>
    %logistic3A_206 = arith.addf %logistic3A_205, %logistic3A_203 : vector<128x512xf32>
    %logistic3A_207 = arith.divf %logistic3A_205, %logistic3A_206 : vector<128x512xf32>
    %slice3A_208 = vector.extract_strided_slice %add3A_194 {offsets = [0, 1024], sizes = [128, 512], strides = [1, 1]} : vector<128x2048xf32> to vector<128x512xf32>
    %tanh3A_209 = math.tanh %slice3A_208 : vector<128x512xf32>
    %slice3A_210 = vector.extract_strided_slice %add3A_194 {offsets = [0, 1536], sizes = [128, 512], strides = [1, 1]} : vector<128x2048xf32> to vector<128x512xf32>
    %logistic3A_211 = arith.negf %slice3A_210 : vector<128x512xf32>
    %logistic3A_212 = math.exp %logistic3A_211 : vector<128x512xf32>
    %logistic3A_213 = arith.constant 1.000000e+00 : f32
    %logistic3A_214 = vector.broadcast %logistic3A_213 : f32 to vector<128x512xf32>
    %logistic3A_215 = arith.addf %logistic3A_214, %logistic3A_212 : vector<128x512xf32>
    %logistic3A_216 = arith.divf %logistic3A_214, %logistic3A_215 : vector<128x512xf32>
    %mul3A_217 = arith.mulf %logistic3A_207, %broadcast_in_dim3A_192 : vector<128x512xf32>
    %mul3A_218 = arith.mulf %logistic3A_200, %tanh3A_209 : vector<128x512xf32>
    %add3A_219 = arith.addf %mul3A_217, %mul3A_218 : vector<128x512xf32>
    %tanh3A_220 = math.tanh %add3A_219 : vector<128x512xf32>
    %mul3A_221 = arith.mulf %logistic3A_216, %tanh3A_220 : vector<128x512xf32>
    %slice3A_222 = vector.extract_strided_slice %mul3A_221 {offsets = [0, 0], sizes = [128, 256], strides = [1, 1]} : vector<128x512xf32> to vector<128x256xf32>
    %add3A_223 = arith.addf %add3A_174, %slice3A_222 : vector<128x256xf32>
    %add3A_224 = vector.broadcast %get3A_187 : vector<1x2048xf32> to vector<128x2048xf32>
    %add3A_225 = arith.addf %dot_general3A_179, %add3A_224 : vector<128x2048xf32>
    %add3A_226 = vector.broadcast %dot_general3A_184 : vector<1x2048xf32> to vector<128x2048xf32>
    %add3A_227 = arith.addf %add3A_225, %add3A_226 : vector<128x2048xf32>
    %dot_general3A_228 = arith.constant dense<0.000000e+00> : vector<128x2048xf32>
    %dot_general3A_229 = tpu.matmul %add3A_223, %get3A_190, %dot_general3A_228 {dimension_numbers = #tpu.dot_dimension_numbers<[1], [1], [0], [0], [0, 0, 1, 0], [], []>, transpose_lhs_hint = false} : vector<128x256xf32>, vector<2048x256xf32>, vector<128x2048xf32> -> vector<128x2048xf32>
    %add3A_230 = arith.addf %add3A_227, %dot_general3A_229 : vector<128x2048xf32>
    %slice3A_231 = vector.extract_strided_slice %add3A_230 {offsets = [0, 0], sizes = [128, 512], strides = [1, 1]} : vector<128x2048xf32> to vector<128x512xf32>
    %logistic3A_232 = arith.negf %slice3A_231 : vector<128x512xf32>
    %logistic3A_233 = math.exp %logistic3A_232 : vector<128x512xf32>
    %logistic3A_234 = arith.constant 1.000000e+00 : f32
    %logistic3A_235 = vector.broadcast %logistic3A_234 : f32 to vector<128x512xf32>
    %logistic3A_236 = arith.addf %logistic3A_235, %logistic3A_233 : vector<128x512xf32>
    %logistic3A_237 = arith.divf %logistic3A_235, %logistic3A_236 : vector<128x512xf32>
    %slice3A_238 = vector.extract_strided_slice %add3A_230 {offsets = [0, 512], sizes = [128, 512], strides = [1, 1]} : vector<128x2048xf32> to vector<128x512xf32>
    %logistic3A_239 = arith.negf %slice3A_238 : vector<128x512xf32>
    %logistic3A_240 = math.exp %logistic3A_239 : vector<128x512xf32>
    %logistic3A_241 = arith.constant 1.000000e+00 : f32
    %logistic3A_242 = vector.broadcast %logistic3A_241 : f32 to vector<128x512xf32>
    %logistic3A_243 = arith.addf %logistic3A_242, %logistic3A_240 : vector<128x512xf32>
    %logistic3A_244 = arith.divf %logistic3A_242, %logistic3A_243 : vector<128x512xf32>
    %slice3A_245 = vector.extract_strided_slice %add3A_230 {offsets = [0, 1024], sizes = [128, 512], strides = [1, 1]} : vector<128x2048xf32> to vector<128x512xf32>
    %tanh3A_246 = math.tanh %slice3A_245 : vector<128x512xf32>
    %slice3A_247 = vector.extract_strided_slice %add3A_230 {offsets = [0, 1536], sizes = [128, 512], strides = [1, 1]} : vector<128x2048xf32> to vector<128x512xf32>
    %logistic3A_248 = arith.negf %slice3A_247 : vector<128x512xf32>
    %logistic3A_249 = math.exp %logistic3A_248 : vector<128x512xf32>
    %logistic3A_250 = arith.constant 1.000000e+00 : f32
    %logistic3A_251 = vector.broadcast %logistic3A_250 : f32 to vector<128x512xf32>
    %logistic3A_252 = arith.addf %logistic3A_251, %logistic3A_249 : vector<128x512xf32>
    %logistic3A_253 = arith.divf %logistic3A_251, %logistic3A_252 : vector<128x512xf32>
    %mul3A_254 = arith.mulf %logistic3A_244, %add3A_219 : vector<128x512xf32>
    %mul3A_255 = arith.mulf %logistic3A_237, %tanh3A_246 : vector<128x512xf32>
    %add3A_256 = arith.addf %mul3A_254, %mul3A_255 : vector<128x512xf32>
    %tanh3A_257 = math.tanh %add3A_256 : vector<128x512xf32>
    %mul3A_258 = arith.mulf %logistic3A_253, %tanh3A_257 : vector<128x512xf32>
    %slice3A_259 = vector.extract_strided_slice %mul3A_258 {offsets = [0, 0], sizes = [128, 256], strides = [1, 1]} : vector<128x512xf32> to vector<128x256xf32>
    %add3A_260 = arith.addf %add3A_174, %slice3A_259 : vector<128x256xf32>
    %add3A_261 = vector.broadcast %get3A_187 : vector<1x2048xf32> to vector<128x2048xf32>
    %add3A_262 = arith.addf %dot_general3A_179, %add3A_261 : vector<128x2048xf32>
    %add3A_263 = vector.broadcast %dot_general3A_184 : vector<1x2048xf32> to vector<128x2048xf32>
    %add3A_264 = arith.addf %add3A_262, %add3A_263 : vector<128x2048xf32>
    %dot_general3A_265 = arith.constant dense<0.000000e+00> : vector<128x2048xf32>
    %dot_general3A_266 = tpu.matmul %add3A_260, %get3A_190, %dot_general3A_265 {dimension_numbers = #tpu.dot_dimension_numbers<[1], [1], [0], [0], [0, 0, 1, 0], [], []>, transpose_lhs_hint = false} : vector<128x256xf32>, vector<2048x256xf32>, vector<128x2048xf32> -> vector<128x2048xf32>
    %add3A_267 = arith.addf %add3A_264, %dot_general3A_266 : vector<128x2048xf32>
    %slice3A_268 = vector.extract_strided_slice %add3A_267 {offsets = [0, 0], sizes = [128, 512], strides = [1, 1]} : vector<128x2048xf32> to vector<128x512xf32>
    %logistic3A_269 = arith.negf %slice3A_268 : vector<128x512xf32>
    %logistic3A_270 = math.exp %logistic3A_269 : vector<128x512xf32>
    %logistic3A_271 = arith.constant 1.000000e+00 : f32
    %logistic3A_272 = vector.broadcast %logistic3A_271 : f32 to vector<128x512xf32>
    %logistic3A_273 = arith.addf %logistic3A_272, %logistic3A_270 : vector<128x512xf32>
    %logistic3A_274 = arith.divf %logistic3A_272, %logistic3A_273 : vector<128x512xf32>
    %slice3A_275 = vector.extract_strided_slice %add3A_267 {offsets = [0, 512], sizes = [128, 512], strides = [1, 1]} : vector<128x2048xf32> to vector<128x512xf32>
    %logistic3A_276 = arith.negf %slice3A_275 : vector<128x512xf32>
    %logistic3A_277 = math.exp %logistic3A_276 : vector<128x512xf32>
    %logistic3A_278 = arith.constant 1.000000e+00 : f32
    %logistic3A_279 = vector.broadcast %logistic3A_278 : f32 to vector<128x512xf32>
    %logistic3A_280 = arith.addf %logistic3A_279, %logistic3A_277 : vector<128x512xf32>
    %logistic3A_281 = arith.divf %logistic3A_279, %logistic3A_280 : vector<128x512xf32>
    %slice3A_282 = vector.extract_strided_slice %add3A_267 {offsets = [0, 1024], sizes = [128, 512], strides = [1, 1]} : vector<128x2048xf32> to vector<128x512xf32>
    %tanh3A_283 = math.tanh %slice3A_282 : vector<128x512xf32>
    %slice3A_284 = vector.extract_strided_slice %add3A_267 {offsets = [0, 1536], sizes = [128, 512], strides = [1, 1]} : vector<128x2048xf32> to vector<128x512xf32>
    %logistic3A_285 = arith.negf %slice3A_284 : vector<128x512xf32>
    %logistic3A_286 = math.exp %logistic3A_285 : vector<128x512xf32>
    %logistic3A_287 = arith.constant 1.000000e+00 : f32
    %logistic3A_288 = vector.broadcast %logistic3A_287 : f32 to vector<128x512xf32>
    %logistic3A_289 = arith.addf %logistic3A_288, %logistic3A_286 : vector<128x512xf32>
    %logistic3A_290 = arith.divf %logistic3A_288, %logistic3A_289 : vector<128x512xf32>
    %mul3A_291 = arith.mulf %logistic3A_281, %add3A_256 : vector<128x512xf32>
    %mul3A_292 = arith.mulf %logistic3A_274, %tanh3A_283 : vector<128x512xf32>
    %add3A_293 = arith.addf %mul3A_291, %mul3A_292 : vector<128x512xf32>
    %tanh3A_294 = math.tanh %add3A_293 : vector<128x512xf32>
    %mul3A_295 = arith.mulf %logistic3A_290, %tanh3A_294 : vector<128x512xf32>
    %slice3A_296 = vector.extract_strided_slice %mul3A_295 {offsets = [0, 0], sizes = [128, 256], strides = [1, 1]} : vector<128x512xf32> to vector<128x256xf32>
    %add3A_297 = arith.addf %add3A_174, %slice3A_296 : vector<128x256xf32>
    %add3A_298 = vector.broadcast %get3A_187 : vector<1x2048xf32> to vector<128x2048xf32>
    %add3A_299 = arith.addf %dot_general3A_179, %add3A_298 : vector<128x2048xf32>
    %add3A_300 = vector.broadcast %dot_general3A_184 : vector<1x2048xf32> to vector<128x2048xf32>
    %add3A_301 = arith.addf %add3A_299, %add3A_300 : vector<128x2048xf32>
    %dot_general3A_302 = arith.constant dense<0.000000e+00> : vector<128x2048xf32>
    %dot_general3A_303 = tpu.matmul %add3A_297, %get3A_190, %dot_general3A_302 {dimension_numbers = #tpu.dot_dimension_numbers<[1], [1], [0], [0], [0, 0, 1, 0], [], []>, transpose_lhs_hint = false} : vector<128x256xf32>, vector<2048x256xf32>, vector<128x2048xf32> -> vector<128x2048xf32>
    %add3A_304 = arith.addf %add3A_301, %dot_general3A_303 : vector<128x2048xf32>
    %slice3A_305 = vector.extract_strided_slice %add3A_304 {offsets = [0, 0], sizes = [128, 512], strides = [1, 1]} : vector<128x2048xf32> to vector<128x512xf32>
    %logistic3A_306 = arith.negf %slice3A_305 : vector<128x512xf32>
    %logistic3A_307 = math.exp %logistic3A_306 : vector<128x512xf32>
    %logistic3A_308 = arith.constant 1.000000e+00 : f32
    %logistic3A_309 = vector.broadcast %logistic3A_308 : f32 to vector<128x512xf32>
    %logistic3A_310 = arith.addf %logistic3A_309, %logistic3A_307 : vector<128x512xf32>
    %logistic3A_311 = arith.divf %logistic3A_309, %logistic3A_310 : vector<128x512xf32>
    %slice3A_312 = vector.extract_strided_slice %add3A_304 {offsets = [0, 512], sizes = [128, 512], strides = [1, 1]} : vector<128x2048xf32> to vector<128x512xf32>
    %logistic3A_313 = arith.negf %slice3A_312 : vector<128x512xf32>
    %logistic3A_314 = math.exp %logistic3A_313 : vector<128x512xf32>
    %logistic3A_315 = arith.constant 1.000000e+00 : f32
    %logistic3A_316 = vector.broadcast %logistic3A_315 : f32 to vector<128x512xf32>
    %logistic3A_317 = arith.addf %logistic3A_316, %logistic3A_314 : vector<128x512xf32>
    %logistic3A_318 = arith.divf %logistic3A_316, %logistic3A_317 : vector<128x512xf32>
    %slice3A_319 = vector.extract_strided_slice %add3A_304 {offsets = [0, 1024], sizes = [128, 512], strides = [1, 1]} : vector<128x2048xf32> to vector<128x512xf32>
    %tanh3A_320 = math.tanh %slice3A_319 : vector<128x512xf32>
    %slice3A_321 = vector.extract_strided_slice %add3A_304 {offsets = [0, 1536], sizes = [128, 512], strides = [1, 1]} : vector<128x2048xf32> to vector<128x512xf32>
    %logistic3A_322 = arith.negf %slice3A_321 : vector<128x512xf32>
    %logistic3A_323 = math.exp %logistic3A_322 : vector<128x512xf32>
    %logistic3A_324 = arith.constant 1.000000e+00 : f32
    %logistic3A_325 = vector.broadcast %logistic3A_324 : f32 to vector<128x512xf32>
    %logistic3A_326 = arith.addf %logistic3A_325, %logistic3A_323 : vector<128x512xf32>
    %logistic3A_327 = arith.divf %logistic3A_325, %logistic3A_326 : vector<128x512xf32>
    %mul3A_328 = arith.mulf %logistic3A_318, %add3A_293 : vector<128x512xf32>
    %mul3A_329 = arith.mulf %logistic3A_311, %tanh3A_320 : vector<128x512xf32>
    %add3A_330 = arith.addf %mul3A_328, %mul3A_329 : vector<128x512xf32>
    %tanh3A_331 = math.tanh %add3A_330 : vector<128x512xf32>
    %mul3A_332 = arith.mulf %logistic3A_327, %tanh3A_331 : vector<128x512xf32>
    %slice3A_333 = vector.extract_strided_slice %mul3A_332 {offsets = [0, 0], sizes = [128, 256], strides = [1, 1]} : vector<128x512xf32> to vector<128x256xf32>
    %add3A_334 = arith.addf %add3A_174, %slice3A_333 : vector<128x256xf32>
    %mul3A_335 = vector.broadcast %div3A_91 : vector<1x256xf32> to vector<128x256xf32>
    %mul3A_336 = arith.mulf %add3A_334, %mul3A_335 : vector<128x256xf32>
    %reduce_sum3A_337 = arith.constant dense<0.000000e+00> : vector<128xf32>
    %reduce_sum3A_338 = vector.multi_reduction <add>, %mul3A_336, %reduce_sum3A_337 [1] : vector<128x256xf32> to vector<128xf32>
    %broadcast_in_dim3A_339 = vector.shape_cast %reduce_sum3A_338 : vector<128xf32> to vector<1x1x128xf32>
    %swap3A = arith.constant 0 : index
    %swap3A_340 = arith.constant 0 : index
    %swap3A_341 = arith.constant 0 : index
    %swap3A_342 = vector.load %arg19[%swap3A, %swap3A_340, %swap3A_341] : memref<1x1x128xf32, #tpu.memory_space<vmem>>, vector<1x1x128xf32>
    tpu.vector_store %arg19[%swap3A, %swap3A_340, %swap3A_341], %broadcast_in_dim3A_339 {strides = array<i32>} : memref<1x1x128xf32, #tpu.memory_space<vmem>>, vector<1x1x128xf32>,
    return
  }
  func.func @transform_0(%arg0: i32) -> (i32, i32) {
    %c0_i32 = arith.constant 0 : i32
    %c0_i32_0 = arith.constant 0 : i32
    return %arg0, %c0_i32 : i32, i32
  }
  func.func @transform_1(%arg0: i32) -> (i32, i32) {
    %c0_i32 = arith.constant 0 : i32
    %c0_i32_0 = arith.constant 0 : i32
    return %arg0, %c0_i32 : i32, i32
  }
  func.func @transform_2(%arg0: i32) -> (i32, i32) {
    %c0_i32 = arith.constant 0 : i32
    %c0_i32_0 = arith.constant 0 : i32
    return %arg0, %c0_i32 : i32, i32
  }
  func.func @transform_3(%arg0: i32) -> (i32, i32) {
    %c0_i32 = arith.constant 0 : i32
    %c0_i32_0 = arith.constant 0 : i32
    %c0_i32_1 = arith.constant 0 : i32
    return %c0_i32, %c0_i32_0 : i32, i32
  }
  func.func @transform_4(%arg0: i32) -> (i32, i32) {
    %c0_i32 = arith.constant 0 : i32
    %c0_i32_0 = arith.constant 0 : i32
    %c0_i32_1 = arith.constant 0 : i32
    return %c0_i32, %c0_i32_0 : i32, i32
  }
  func.func @transform_5(%arg0: i32) -> (i32, i32) {
    %c0_i32 = arith.constant 0 : i32
    %c0_i32_0 = arith.constant 0 : i32
    %c0_i32_1 = arith.constant 0 : i32
    return %c0_i32, %c0_i32_0 : i32, i32
  }
  func.func @transform_6(%arg0: i32) -> (i32, i32) {
    %c0_i32 = arith.constant 0 : i32
    %c0_i32_0 = arith.constant 0 : i32
    %c0_i32_1 = arith.constant 0 : i32
    return %c0_i32, %c0_i32_0 : i32, i32
  }
  func.func @transform_7(%arg0: i32) -> (i32, i32) {
    %c0_i32 = arith.constant 0 : i32
    %c0_i32_0 = arith.constant 0 : i32
    %c0_i32_1 = arith.constant 0 : i32
    return %c0_i32, %c0_i32_0 : i32, i32
  }
  func.func @transform_8(%arg0: i32) -> (i32, i32) {
    %c0_i32 = arith.constant 0 : i32
    %c0_i32_0 = arith.constant 0 : i32
    %c0_i32_1 = arith.constant 0 : i32
    return %c0_i32, %c0_i32_0 : i32, i32
  }
  func.func @transform_9(%arg0: i32) -> (i32, i32) {
    %c0_i32 = arith.constant 0 : i32
    %c0_i32_0 = arith.constant 0 : i32
    %c0_i32_1 = arith.constant 0 : i32
    return %c0_i32, %c0_i32_0 : i32, i32
  }
  func.func @transform_10(%arg0: i32) -> (i32, i32) {
    %c0_i32 = arith.constant 0 : i32
    %c0_i32_0 = arith.constant 0 : i32
    %c0_i32_1 = arith.constant 0 : i32
    return %c0_i32, %c0_i32_0 : i32, i32
  }
  func.func @transform_11(%arg0: i32) -> (i32, i32) {
    %c0_i32 = arith.constant 0 : i32
    %c0_i32_0 = arith.constant 0 : i32
    %c0_i32_1 = arith.constant 0 : i32
    return %c0_i32, %c0_i32_0 : i32, i32
  }
  func.func @transform_12(%arg0: i32) -> (i32, i32) {
    %c0_i32 = arith.constant 0 : i32
    %c0_i32_0 = arith.constant 0 : i32
    %c0_i32_1 = arith.constant 0 : i32
    return %c0_i32, %c0_i32_0 : i32, i32
  }
  func.func @transform_13(%arg0: i32) -> (i32, i32) {
    %c0_i32 = arith.constant 0 : i32
    %c0_i32_0 = arith.constant 0 : i32
    %c0_i32_1 = arith.constant 0 : i32
    return %c0_i32, %c0_i32_0 : i32, i32
  }
  func.func @transform_14(%arg0: i32) -> (i32, i32) {
    %c0_i32 = arith.constant 0 : i32
    %c0_i32_0 = arith.constant 0 : i32
    %c0_i32_1 = arith.constant 0 : i32
    return %c0_i32, %c0_i32_0 : i32, i32
  }
  func.func @transform_15(%arg0: i32) -> (i32, i32) {
    %c0_i32 = arith.constant 0 : i32
    %c0_i32_0 = arith.constant 0 : i32
    %c0_i32_1 = arith.constant 0 : i32
    return %c0_i32, %c0_i32_0 : i32, i32
  }
  func.func @transform_16(%arg0: i32) -> (i32, i32) {
    %c0_i32 = arith.constant 0 : i32
    %c0_i32_0 = arith.constant 0 : i32
    %c0_i32_1 = arith.constant 0 : i32
    return %c0_i32, %c0_i32_0 : i32, i32
  }
  func.func @transform_17(%arg0: i32) -> (i32, i32) {
    %c0_i32 = arith.constant 0 : i32
    %c0_i32_0 = arith.constant 0 : i32
    %c0_i32_1 = arith.constant 0 : i32
    return %c0_i32, %c0_i32_0 : i32, i32
  }
  func.func @transform_18(%arg0: i32) -> (i32, i32, i32) {
    %c0_i32 = arith.constant 0 : i32
    %c0_i32_0 = arith.constant 0 : i32
    %c0_i32_1 = arith.constant 0 : i32
    return %arg0, %c0_i32, %c0_i32_0 : i32, i32, i32
  }
}

</mosaic_0001>

<sc_bundles>
// kernel: kernel.4.cloned.1.call-start
scs
__scs_entry_jumppad:
0x0: {  	(pc) =	sbr.rel $0x88, $3  }
0x1: {  	(tag) =	ssettag $0x0;
	lr =	simm.s32 $0x1  }
0x2: {  	[smem:$0x3F8C] =	sst lr;
	_ =	strace $0xD0000000  }
0x3: {  	_ = 	snop  }
0x4: {  	_ = 	snop  }
0x5: {  	_ = 	snop  }
0x6: {  	_ = 	snop  }
0x7: {  	_ = 	snop  }
__scs_overlays_trampoline_lowered:
0x8: {  	[smem:$0x3F9B] =	sst s0  }
0x9: {  	[smem:$0x3F9C] =	sst s1  }
0xa: {  	[smem:$0x3F9D] =	sst s2  }
0xb: {  	[smem:$0x3F9E] =	sst s3  }
0xc: {  	[smem:$0x3F9F] =	sst s4  }
0xd: {  	[smem:$0x3FA0] =	sst s5  }
0xe: {  	[smem:$0x3FA1] =	sst s6  }
0xf: {  	[smem:$0x3FA2] =	sst s7  }
0x10: {  	[smem:$0x3FA3] =	sst s8  }
0x11: {  	[smem:$0x3FA4] =	sst s9;
	s0 =	simm.s32 @!p0 $0x0  }
0x12: {  	s1 =	sld [smem:$0x3F8A];
	s0 =	simm.s32 @p0 $0x1  }
0x13: {  	[smem:$0x3FA5] =	sst s0;
	s0 =	simm.s32 @!p1 $0x0  }
0x14: {  	s2 =	sld [smem:$0x3F89];
	s0 =	simm.s32 @p1 $0x1  }
0x15: {  	[smem:$0x3FA6] =	sst s0;
	s0 =	simm.s32 @!p2 $0x0  }
0x16: {  	s3 =	sld [smem:$0x3FDB];
	s0 =	simm.s32 @p2 $0x1  }
0x17: {  	s4 =	simm.s32 $0x1BF5;
	[smem:$0x3FA8] =	sst s0  }
0x18: {  	s0 =	sld [smem:$0x3F8B];
	_ =	swait.ge [sflag:s4], $0x0  }
0x19: {  	s7 =	sld [smem:$0x3F8C]  }
0x1a: {  	s8 =	sadd.s32 $0xFFFFE003, lr  }
0x1b: {  	s9 =	sadd.s32 $0xFFFFFEF7, lr;
	s5 =	simm.s32 $0xFFFFFFFF;
	p2 =	slt.u32 s8, $0xFFFFF086  }
0x1c: {  	p1 =	slt.u32 s9, $0xF7A;
	s5 =	simm.s32 @!p2 $0x0  }
0x1d: {  	s5 =	simm.s32 @p1 $0x1;
	p0 =	seq.s32 s7, s2  }
0x1e: {  	s7 =	smul.u32 @!p0 $0xF7A, s2;
	p2 =	seq.s32 @!p0 s5, $0x0  }
0x1f: {  	s9 =	smul.u32 $0xF7A, s1;
	s8 =	simm.s32 @!p0 $0x1BF5;
	p2 =	por !p2, p0  }
0x20: {  	[sflag:s8] =	ssyncset.s32 @!p0 $0xFFFFF086;
	s6 =	sadd.s32 @!p0 s3, s7;
	s7 =	simm.s32 @!p0 $0x108  }
0x21: {  	s3 =	sadd.s32 s3, s9;
	s6 =	sadd.s32 @!p0 $0x88, s6;
	s7 =	simm.s32 @p2 $0x1082  }
0x22: {  	[simem:s7], [sflag:s8] =	dma.local @!p0 [hbm:s6], $0xF7A  }
0x23: {  	s9 =	sor.u32 $0xD0000000, s2;
	s6 =	simm.s32 $0x108;
	_ =	swait.ge @!p0 [sflag:s8], $0x0  }
0x24: {  	s3 =	sadd.s32 $0x88, s3;
	s6 =	simm.s32 @!p1 $0x1082;
	[sflag:s4] =	ssyncset.s32 $0xFFFFF086  }
0x25: {  	[simem:s6], [sflag:s4] =	dma.local [hbm:s3], $0xF7A  }
0x26: {  	[smem:$0x3F8C] =	sst s1;
	(tag) =	ssettag s2;
	_ =	strace s9  }
0x27: {  	s1 =	sld [smem:$0x3F9C]  }
0x28: {  	s2 =	sld [smem:$0x3F9D]  }
0x29: {  	s4 =	sld [smem:$0x3F9F]  }
0x2a: {  	p0 =	seq.s32 s5, $0x0;
	s5 =	sld [smem:$0x3FA0]  }
0x2b: {  	s6 =	sld [smem:$0x3FA1]  }
0x2c: {  	s7 =	sld [smem:$0x3FA2]  }
0x2d: {  	s3 =	simm.s32 $0x108;
	s8 =	sld [smem:$0x3FA3]  }
0x2e: {  	s3 =	simm.s32 @!p0 $0x1082;
	s9 =	sld [smem:$0x3FA4]  }
0x2f: {  	lr =	sadd.s32 s0, s3;
	s0 =	sld [smem:$0x3F9B]  }
0x30: {  	s3 =	sld [smem:$0x3F9E]  }
0x31: {  	[smem:$0x3FA7] =	sst s10  }
0x32: {  	s10 =	sld [smem:$0x3FA5];
	_ =	sdelay $0x3  }
0x33: {  	p0 =	seq.s32 s10, $0x1;
	s10 =	sld [smem:$0x3FA7];
	_ =	sdelay $0x3  }
0x34: {  	[smem:$0x3FA7] =	sst s10  }
0x35: {  	s10 =	sld [smem:$0x3FA6];
	_ =	sdelay $0x3  }
0x36: {  	p1 =	seq.s32 s10, $0x1;
	s10 =	sld [smem:$0x3FA7];
	_ =	sdelay $0x3  }
0x37: {  	[smem:$0x3FA7] =	sst s10  }
0x38: {  	s10 =	sld [smem:$0x3FA8]  }
0x39: {  	_ = 	snop;
	(pc) =	sbr.ind lr, $3  }
0x3a: {  	_ = 	snop  }
0x3b: {  	_ = 	snop  }
0x3c: {  	p2 =	seq.s32 s10, $0x1;
	s10 =	sld [smem:$0x3FA7]  }
0x3d: {  	_ =	shalt  }
0x3e: {  	_ =	shalt  }
0x3f: {  	_ =	shalt  }
0x40: {  	_ =	shalt  }
0x41: {  	_ =	shalt  }
0x42: {  	_ =	shalt  }
0x43: {  	_ =	shalt  }
0x44: {  	_ =	shalt  }
0x45: {  	_ =	shalt  }
0x46: {  	_ =	shalt  }
0x47: {  	_ =	shalt  }
0x48: {  	_ =	shalt  }
0x49: {  	_ =	shalt  }
0x4a: {  	_ =	shalt  }
0x4b: {  	_ =	shalt  }
0x4c: {  	_ =	shalt  }
0x4d: {  	_ =	shalt  }
0x4e: {  	_ =	shalt  }
0x4f: {  	_ =	shalt  }
0x50: {  	_ =	shalt  }
0x51: {  	_ =	shalt  }
0x52: {  	_ =	shalt  }
0x53: {  	_ =	shalt  }
0x54: {  	_ =	shalt  }
0x55: {  	_ =	shalt  }
0x56: {  	_ =	shalt  }
0x57: {  	_ =	shalt  }
0x58: {  	_ =	shalt  }
0x59: {  	_ =	shalt  }
0x5a: {  	_ =	shalt  }
0x5b: {  	_ =	shalt  }
0x5c: {  	_ =	shalt  }
0x5d: {  	_ =	shalt  }
0x5e: {  	_ =	shalt  }
0x5f: {  	_ =	shalt  }
0x60: {  	_ =	shalt  }
0x61: {  	_ =	shalt  }
0x62: {  	_ =	shalt  }
0x63: {  	_ =	shalt  }
0x64: {  	_ =	shalt  }
0x65: {  	_ =	shalt  }
0x66: {  	_ =	shalt  }
0x67: {  	_ =	shalt  }
0x68: {  	_ =	shalt  }
0x69: {  	_ =	shalt  }
0x6a: {  	_ =	shalt  }
0x6b: {  	_ =	shalt  }
0x6c: {  	_ =	shalt  }
0x6d: {  	_ =	shalt  }
0x6e: {  	_ =	shalt  }
0x6f: {  	_ =	shalt  }
0x70: {  	_ =	shalt  }
0x71: {  	_ =	shalt  }
0x72: {  	_ =	shalt  }
0x73: {  	_ =	shalt  }
0x74: {  	_ =	shalt  }
0x75: {  	_ =	shalt  }
0x76: {  	_ =	shalt  }
0x77: {  	_ =	shalt  }
0x78: {  	_ =	shalt  }
0x79: {  	_ =	shalt  }
0x7a: {  	_ =	shalt  }
0x7b: {  	_ =	shalt  }
0x7c: {  	_ =	shalt  }
0x7d: {  	_ =	shalt  }
0x7e: {  	_ =	shalt  }
0x7f: {  	_ =	shalt  }
0x80: {  	_ =	shalt  }
0x81: {  	_ =	shalt  }
0x82: {  	_ =	shalt  }
0x83: {  	_ =	shalt  }
0x84: {  	_ =	shalt  }
0x85: {  	_ =	shalt  }
0x86: {  	_ =	shalt  }
0x87: {  	_ =	shalt  }
.Lfunc_end0:
.L_simem_size_0:
called_computation.1_lowered:
.L_overlay_start_0:
0x88: {  	s2 =	sld [smem:$0x3FD9]  }
0x89: {  	s3 =	sld [smem:$0x3FFE];
	_ =	sdelay $0x1  }
0x8a: {  	s1 =	srdreg.scid  }
0x8b: {  	s0 =	sand.u32 $0x1, s1  }
0x8c: {  	s16 =	sshll.u32 s0, $0xA;
	s2 =	sadd.s32 s3, s2  }
0x8d: {  	s2 =	sadd.s32 s2, s16  }
0x8e: {  	[smem:$0x3FB3] =	sst s2  }
0x8f: {  	_ = 	snop  }
0x90: {  	(tm) =	ssettm $0x1  }
0x91: {  	s17 =	sld [smem:$0x3FFB];
	_ =	sdelay $0x3  }
0x92: {  	_ =	strace s17  }
0x93: {  	s2 =	sld [smem:$0x3FFC];
	_ =	sdelay $0x3  }
0x94: {  	_ =	strace s2  }
0x95: {  	s2 =	sld [smem:$0x3FFD];
	_ =	sdelay $0x3  }
0x96: {  	_ =	strace s2  }
0x97: {  	_ =	strace $0x8FFFFFFF  }
0x98: {  	s18 =	sld [smem:$0x3FDB];
	_ =	sdelay $0x1  }
0x99: {  	s19 =	simm.s32 $_scs_section_size  }
0x9a: {  	s4 =	simm.s32 $_size__tile_overlayer_lowered;
	s5 =	simm.s32 $_tile_overlayer_lowered  }
0x9b: {  	s22 =	simm.s32 $0x1BFF;
	s21 =	sshll.u32 s5, $0x1;
	s2 =	sadd.s32 s19, s18  }
0x9c: {  	s6 =	simm.s32 $0x0;
	s20 =	sshll.u32 s4, $0x1;
	s4 =	sadd.s32 s21, s2  }
0x9d: {  	[timem:s6], [sflag:s22] =	dma.local [hbm:s4], s20  }
0x9e: {  	_ =	swait.ge [sflag:s22], s20  }
0x9f: {  	s3 =	ssub.s32 $0x0, s20;
	[sflag:s22] =	ssyncset.done $0x0  }
0xa0: {  	[sflag:s22] =	ssyncadd.s32 s3;
	_ =	sdelay $0x1  }
0xa1: {  	s23 =	simm.s32 $0x1B8B  }
0xa2: {  	_ =	swait.ge [sflag:s23], $0x1  }
0xa3: {  	[sflag:s23] =	ssyncset.done $0x0  }
0xa4: {  	s25 =	simm.s32 $0x1B8E;
	s24 =	sld [smem:$0x3FFE];
	[sflag:s23] =	ssyncadd.s32 $0xFFFFFFFF  }
0xa5: {  	s26 =	simm.s32 $execute0_lowered;
	[smem:$0x3FD2] =	sst s25  }
0xa6: {  	s4 =	sshll.u32 s26, $0x1;
	_ =	strace $0x80000049;
	[dreg:$0x1] =	wrdreg $0xFFFFFFFF  }
0xa7: {  	s28 =	simm.s32 $_size_execute0_lowered;
	s2 =	sadd.s32 s2, s4;
	[dreg:$0x0] =	wrdreg $0x0  }
0xa8: {  	s4 =	sshll.u32 s28, $0x1;
	[dreg:$0x2] =	wrdreg s2  }
0xa9: {  	[dreg:$0x3] =	wrdreg s4  }
0xaa: {  	[dreg:$0x4] =	wrdreg $0xC0  }
0xab: {  	_ =	task [dreg:s6], $0x5FFFF  }
0xac: {  	[dreg:$0x1] =	wrdreg $0xFFFFFFFF  }
0xad: {  	[dreg:$0x0] =	wrdreg $0x60  }
0xae: {  	[dreg:$0x2] =	wrdreg s24  }
0xaf: {  	[dreg:$0x3] =	wrdreg $0x9  }
0xb0: {  	_ =	task.clear_ibuf [dreg:s6], $0x4FFFF;
	_ =	strace $0x90000049  }
0xb1: {  	s29 =	simm.s32 $0x9;
	_ =	strace $0x8000004B  }
0xb2: {  	_ =	swait.ge [sflag:s29], $0x1  }
0xb3: {  	[sflag:s29] =	ssyncadd.s32 $0xFFFFFFFF  }
0xb4: {  	_ =	strace $0x9000004B  }
0xb5: {  	_ =	sfence  }
0xb6: {  	s30 =	sld [smem:$0x0];
	_ =	sdelay $0x2  }
0xb7: {  	s31 =	sshll.u32 s1, $0xD;
	s1 =	sshrl.u32 s1, $0x2  }
0xb8: {  	s3 =	sand.u32 $0x4000, s31;
	s1 =	sadd.s32 s1, s30  }
0xb9: {  	s0 =	sor.u32 s3, s0;
	s1 =	sshll.u32 s1, $0x11  }
0xba: {  	s0 =	sor.u32 s1, s0  }
0xbb: {  	s0 =	sadd.s32 $0x8F2B, s0  }
0xbc: {  	[sflag:s0] =	ssyncadd.remote.s32 $0x1  }
0xbd: {  	_ =	sfence.sel $0xFFFF  }
0xbe: {  	[dreg:$0x0] =	wrdreg $0xFFFFFFFF;
	(pc) =	sbr.abs _section_cstart, $3  }
0xbf: {  	[dreg:$0x1] =	wrdreg $0xFFFFFFFF  }
0xc0: {  	_ =	task.clear_ibuf [dreg:s6], $0x2FFFF;
	_ =	strace $0x9FFFFFFF  }
0xc1: {  	(tm) =	ssettm $0x7FFFFFFF  }
tec
execute0_lowered:
.L_overlay_start_1:
0x0: {  	(tag) =	ssettag $0x1  }
0x1: {  	s1 =	srdreg.scid  }
0x2: {  	s0 =	stileid.u32;
	s4 =	rddreg [dreg:$0x0];
	s2 =	simm.s32 $0x0  }
0x3: {  	s9 =	simm.s32 $0x6720;
	s10 =	simm.s32 $0x68;
	s11 =	simm.s32 $0x7F20  }
0x4: {  	s12 =	simm.s32 $0xC8;
	s13 =	simm.s32 $0x9920;
	s14 =	simm.s32 $0x128  }
0x5: {  	s15 =	simm.s32 $0xB120;
	s16 =	simm.s32 $0x190;
	s17 =	simm.s32 $0xCB20  }
0x6: {  	s18 =	simm.s32 $0x1F0;
	s19 =	simm.s32 $0xE320;
	s20 =	simm.s32 $0x1  }
0x7: {  	s21 =	simm.s32 $0x2;
	s3 =	sand.u32 $0x1, s1;
	s31 =	sshll.u32 s0, $0x1  }
0x8: {  	s22 =	simm.s32 $0x3;
	s23 =	simm.s32 $0xFD20;
	s5 =	sor.u32 s3, s31  }
0x9: {  	s24 =	simm.s32 $0x0;
	s1 =	rddreg [dreg:$0x1];
	s6 =	smul.u32 $0xCE4, s5  }
.Ltmp0:
0xa: {  	[smem:$0x7FF] =	sst s2;
	s7 =	ssub.s32 $0x2, s3;
	(pc) =	sbr.rel .LBB2_1-.Ltmp0, $4  }
0xb: {  	_ =	strace $0x8000004A;
	s5 =	smul.u32 $0x840, s5;
	s8 =	sshrl.u32 s7, $0x1  }
0xc: {  	s3 =	sadd.s32 $0x3600, s4;
	s7 =	ssub.s32 s7, s8;
	s6 =	sadd.s32 s6, s4  }
0xd: {  	s8 =	simm.s32 $0x60;
	s5 =	sadd.s32 s5, s4;
	s4 =	sadd.s32 $0x311200, s6  }
0xe: {  	s5 =	sadd.s32 $0xC6C00, s5;
	s6 =	smax.u32 s7, $0x1;
	s7 =	simm.s32 $0x4  }
.LBB2_10:
0xf: {  	s24 =	sadd.s32 $0x1, s24  }
0x10: {  	p0 =	sne.s32 s24, s6  }
.Ltmp1:
0x11: {  	_ = 	snop;
	(pc) =	sbr.rel @!p0 .LBB2_11-.Ltmp1, $4  }
0x12: {  	[hbm4b:s5+s2] =	stream.linear.scatter [tilespmem:s23], [sflag:$0x4], $0x4200, $0x38;
	[tilespmem:$0x13F20] =	vst v63  }
0x13: {  	_ =	swait.ge [sflag:s7], $0x4200  }
0x14: {  	[sflag:s7] =	ssyncset.done $0x0  }
0x15: {  	[sflag:s7] =	ssyncadd.s32 $0xFFFFBE00  }
.LBB2_1:
0x16: {  	[tilespmem:s2], [sflag:$0x4] =	stream.linear.gather [hbm4b:s4+s2], $0x6720, $0x38;
	[tilespmem:$0x13F20] =	vst v63  }
0x17: {  	_ =	swait.ge [sflag:s7], $0x6720  }
0x18: {  	[sflag:s7] =	ssyncset.done $0x0  }
0x19: {  	[sflag:s7] =	ssyncadd.s32 $0xFFFF98E0  }
0x1a: {  	[tilespmem:s9], [sflag:$0x1] =	stream.indirect.gather [hbm4b:s3+s8], $0x40, s2, s8, $0xb8;
	[tilespmem:$0x13F20] =	vst v63  }
0x1b: {  	_ = 	snop  }
0x1c: {  	[tilespmem:s11], [sflag:$0x1] =	stream.indirect.gather [hbm4b:s3+s10], $0x40, s8, s10, $0xb8;
	[tilespmem:$0x13F20] =	vst v63  }
0x1d: {  	_ = 	snop  }
0x1e: {  	[tilespmem:s13], [sflag:$0x2] =	stream.indirect.gather [hbm4b:s3+s8], $0x40, s12, s8, $0xb8;
	[tilespmem:$0x13F20] =	vst v63  }
0x1f: {  	_ = 	snop  }
0x20: {  	[tilespmem:s15], [sflag:$0x2] =	stream.indirect.gather [hbm4b:s3+s10], $0x40, s14, s10, $0xb8;
	[tilespmem:$0x13F20] =	vst v63  }
0x21: {  	_ = 	snop  }
0x22: {  	[tilespmem:s17], [sflag:$0x3] =	stream.indirect.gather [hbm4b:s3+s8], $0x40, s16, s8, $0xb8;
	[tilespmem:$0x13F20] =	vst v63  }
0x23: {  	s25 =	simm.s32 $0x0  }
0x24: {  	[tilespmem:s19], [sflag:$0x3] =	stream.indirect.gather [hbm4b:s3+s10], $0x40, s18, s10, $0xb8;
	[tilespmem:$0x13F20] =	vst v63  }
.LBB2_2:
0x25: {  	_ =	swait.ge [sflag:s20], $0x1800  }
0x26: {  	[sflag:s20] =	ssyncset.done $0x0  }
0x27: {  	[sflag:s20] =	ssyncadd.s32 $0xFFFFE800  }
0x28: {  	_ =	swait.ge [sflag:s20], $0x1A00  }
0x29: {  	[sflag:s20] =	ssyncset.done $0x0  }
0x2a: {  	s26 =	simm.s32 $0x0;
	[sflag:s20] =	ssyncadd.s32 $0xFFFFE600  }
0x2b: {  	v0 =	vld [tilespmem:s26+$0x67E0]  }
0x2c: {  	v1 =	vld [tilespmem:s26+$0x67F0]  }
0x2d: {  	v2 =	vld [tilespmem:s26+$0x6800]  }
0x2e: {  	v4 =	vld [tilespmem:s26+$0x67A0]  }
0x2f: {  	v9 =	vld [tilespmem:s26+$0x67B0]  }
0x30: {  	v10 =	vld [tilespmem:s26+$0x67C0]  }
0x31: {  	v11 =	vld [tilespmem:s26+$0x6760]  }
0x32: {  	v16 =	vld [tilespmem:s26+$0x6720]  }
0x33: {  	v3 =	vimm.f32 $0.0e+00;
	v17 =	vld [tilespmem:s26+$0x6730];
	v7 =	vshll.u32 v0, $0x10;
	v8 =	vand.u32 $0xFFFF0000, v0  }
0x34: {  	v6 =	vshll.u32 v1, $0x10;
	v5 =	vand.u32 $0xFFFF0000, v1;
	v0 =	vshll.u32 v2, $0x10  }
0x35: {  	v24 =	vld [tilespmem:s26+$0x6770];
	v14 =	vshll.u32 v4, $0x10;
	v15 =	vand.u32 $0xFFFF0000, v4;
	v1 =	vand.u32 $0xFFFF0000, v2  }
0x36: {  	v12 =	vshll.u32 v9, $0x10;
	v13 =	vand.u32 $0xFFFF0000, v9;
	v2 =	vshll.u32 v10, $0x10  }
0x37: {  	v9 =	vshll.u32 v11, $0x10;
	v11 =	vand.u32 $0xFFFF0000, v11;
	v4 =	vand.u32 $0xFFFF0000, v10  }
0x38: {  	v18 =	vld [tilespmem:s26+$0x6780];
	v10 =	vshll.u32 v16, $0x10;
	v16 =	vand.u32 $0xFFFF0000, v16;
	v19 =	vshll.u32 v17, $0x10  }
0x39: {  	v17 =	vand.u32 $0xFFFF0000, v17;
	v10 =	vadd.f32 v10, v3;
	v16 =	vadd.f32 v16, v3  }
0x3a: {  	v23 =	vshll.u32 v24, $0x10;
	v19 =	vadd.f32 v19, v3;
	v20 =	vadd.f32 v17, v3;
	v17 =	vld [tilespmem:s26+$0x6740]  }
0x3b: {  	v24 =	vand.u32 $0xFFFF0000, v24;
	v21 =	vadd.f32 v9, v10;
	v22 =	vadd.f32 v11, v16  }
0x3c: {  	s28 =	simm.s32 $0x400;
	v16 =	vld [tilespmem:s26+$0x6750];
	v11 =	vimm.f32 $0.0e+00;
	v10 =	vimm.f32 $0.0e+00;
	v9 =	vimm.f32 $0.0e+00  }
.LBB2_3:
0x3d: {  	p0 =	sne.s32 s28, $0xC400;
	v19 =	vadd.f32 v23, v19;
	v20 =	vadd.f32 v24, v20;
	v23 =	vshll.u32 v18, $0x10  }
0x3e: {  	v18 =	vand.u32 $0xFFFF0000, v18;
	v24 =	vld [tilespmem:s26+$0x6790];
	v14 =	vadd.f32 v14, v21;
	v15 =	vadd.f32 v15, v22  }
0x3f: {  	v21 =	vshll.u32 v17, $0x10;
	v12 =	vadd.f32 v12, v19;
	v13 =	vadd.f32 v13, v20  }
0x40: {  	s29 =	sshra.s32 s28, $0x2;
	v17 =	vand.u32 $0xFFFF0000, v17;
	v19 =	vld [tilespmem:s26+$0x67D0];
	v20 =	vadd.f32 v7, v14;
	v22 =	vadd.f32 v8, v15  }
0x41: {  	v8 =	vld [tilespmem:s29+$0x67E0];
	v7 =	vshll.u32 v16, $0x10;
	v25 =	vadd.f32 v6, v12;
	v26 =	vadd.f32 v5, v13  }
0x42: {  	v3 =	vadd.f32 v21, v3;
	v5 =	vadd.f32 v17, v11;
	v6 =	vand.u32 $0xFFFF0000, v16;
	v12 =	vld [tilespmem:s26+$0x6810];
	s26 =	smov.u32 s29  }
0x43: {  	v7 =	vadd.f32 v7, v10;
	v6 =	vadd.f32 v6, v9;
	v13 =	vld [tilespmem:s26+$0x67F0];
	v9 =	vshll.u32 v24, $0x10  }
0x44: {  	v3 =	vadd.f32 v23, v3;
	v5 =	vadd.f32 v18, v5;
	v10 =	vand.u32 $0xFFFF0000, v24;
	v16 =	vld [tilespmem:s26+$0x6800]  }
0x45: {  	v7 =	vadd.f32 v9, v7;
	v6 =	vadd.f32 v10, v6;
	v15 =	vld [tilespmem:s26+$0x67A0];
	v9 =	vshll.u32 v19, $0x10  }
0x46: {  	v2 =	vadd.f32 v2, v3;
	v4 =	vadd.f32 v4, v5;
	v3 =	vand.u32 $0xFFFF0000, v19;
	v17 =	vld [tilespmem:s26+$0x67B0]  }
0x47: {  	v5 =	vadd.f32 v9, v7;
	v6 =	vadd.f32 v3, v6;
	v19 =	vld [tilespmem:s26+$0x67C0];
	v7 =	vshll.u32 v12, $0x10  }
0x48: {  	v3 =	vadd.f32 v0, v2;
	v11 =	vadd.f32 v1, v4;
	v0 =	vand.u32 $0xFFFF0000, v12;
	v18 =	vld [tilespmem:s26+$0x6760]  }
0x49: {  	v10 =	vadd.f32 v7, v5;
	v9 =	vadd.f32 v0, v6;
	v21 =	vld [tilespmem:s26+$0x6720]  }
0x4a: {  	v7 =	vshll.u32 v8, $0x10;
	v8 =	vand.u32 $0xFFFF0000, v8;
	v23 =	vld [tilespmem:s26+$0x6730]  }
0x4b: {  	v6 =	vshll.u32 v13, $0x10;
	v5 =	vand.u32 $0xFFFF0000, v13;
	v0 =	vshll.u32 v16, $0x10  }
0x4c: {  	v1 =	vand.u32 $0xFFFF0000, v16;
	v14 =	vshll.u32 v15, $0x10;
	v15 =	vand.u32 $0xFFFF0000, v15;
	v24 =	vld [tilespmem:s26+$0x6770]  }
0x4d: {  	v12 =	vshll.u32 v17, $0x10;
	v13 =	vand.u32 $0xFFFF0000, v17;
	v2 =	vshll.u32 v19, $0x10  }
.Ltmp2:
0x4e: {  	v4 =	vand.u32 $0xFFFF0000, v19;
	v27 =	vshll.u32 v18, $0x10;
	v28 =	vand.u32 $0xFFFF0000, v18;
	v18 =	vld [tilespmem:s26+$0x6780];
	(pc) =	sbr.rel @p0 .LBB2_3-.Ltmp2, $4  }
0x4f: {  	v16 =	vshll.u32 v21, $0x10;
	v17 =	vand.u32 $0xFFFF0000, v21;
	v19 =	vshll.u32 v23, $0x10  }
0x50: {  	v21 =	vadd.f32 v16, v20;
	v22 =	vadd.f32 v17, v22;
	v16 =	vand.u32 $0xFFFF0000, v23;
	v17 =	vld [tilespmem:s26+$0x6740]  }
0x51: {  	v19 =	vadd.f32 v19, v25;
	v20 =	vadd.f32 v16, v26;
	v23 =	vshll.u32 v24, $0x10  }
0x52: {  	s28 =	sadd.s32 $0x400, s28;
	v21 =	vadd.f32 v27, v21;
	v22 =	vadd.f32 v28, v22;
	v24 =	vand.u32 $0xFFFF0000, v24;
	v16 =	vld [tilespmem:s26+$0x6750]  }
0x53: {  	v19 =	vadd.f32 v23, v19;
	v20 =	vadd.f32 v24, v20  }
0x54: {  	v23 =	vshll.u32 v18, $0x10;
	v14 =	vadd.f32 v14, v21;
	v15 =	vadd.f32 v15, v22  }
0x55: {  	v18 =	vand.u32 $0xFFFF0000, v18;
	v21 =	vld [tilespmem:s26+$0x6790];
	v12 =	vadd.f32 v12, v19;
	v13 =	vadd.f32 v13, v20  }
0x56: {  	v19 =	vshll.u32 v17, $0x10;
	v7 =	vadd.f32 v7, v14;
	v8 =	vadd.f32 v8, v15  }
0x57: {  	v14 =	vand.u32 $0xFFFF0000, v17;
	v15 =	vld [tilespmem:s26+$0x67D0];
	v3 =	vadd.f32 v19, v3;
	v6 =	vadd.f32 v6, v12  }
0x58: {  	s28 =	smul.u32 $0x600, s25;
	v12 =	vshll.u32 v16, $0x10;
	v5 =	vadd.f32 v5, v13;
	v11 =	vadd.f32 v14, v11  }
0x59: {  	v13 =	vand.u32 $0xFFFF0000, v16;
	v14 =	vld [tilespmem:s26+$0x6810];
	v10 =	vadd.f32 v12, v10;
	v3 =	vadd.f32 v23, v3  }
0x5a: {  	s26 =	sshra.s32 s28, $0x2;
	v9 =	vadd.f32 v13, v9;
	v12 =	vshll.u32 v21, $0x10;
	v11 =	vadd.f32 v18, v11  }
0x5b: {  	[tilespmem:s26+$0xFD20] =	vst v7;
	v13 =	vand.u32 $0xFFFF0000, v21;
	v10 =	vadd.f32 v12, v10;
	v2 =	vadd.f32 v2, v3  }
0x5c: {  	[tilespmem:s26+$0xFD30] =	vst v8;
	v3 =	vadd.f32 v13, v9;
	v7 =	vshll.u32 v15, $0x10;
	v4 =	vadd.f32 v4, v11  }
0x5d: {  	[tilespmem:s26+$0xFD40] =	vst v6;
	v8 =	vand.u32 $0xFFFF0000, v15;
	v7 =	vadd.f32 v7, v10;
	v0 =	vadd.f32 v0, v2  }
0x5e: {  	p0 =	seq.s32 s25, $0x2B;
	[tilespmem:s26+$0xFD50] =	vst v5;
	v2 =	vadd.f32 v8, v3;
	v3 =	vshll.u32 v14, $0x10;
	v1 =	vadd.f32 v1, v4  }
0x5f: {  	s28 =	smul.u32 @!p0 $0x960, s25;
	v4 =	vand.u32 $0xFFFF0000, v14;
	v3 =	vadd.f32 v3, v7;
	[tilespmem:s26+$0xFD60] =	vst v0  }
0x60: {  	v0 =	vadd.f32 v4, v2;
	[tilespmem:s26+$0xFD70] =	vst v1  }
0x61: {  	s28 =	sshra.s32 @!p0 s28, $0x2;
	[tilespmem:s26+$0xFD80] =	vst v3  }
0x62: {  	s30 =	simm.s32 @!p0 $0x60;
	s31 =	simm.s32 @!p0 $0x6720;
	s29 =	sadd.s32 @!p0 $0x258, s28;
	[tilespmem:s26+$0xFD90] =	vst v0  }
0x63: {  	[tilespmem:s31], [sflag:$0x1] =	stream.indirect.gather @!p0 [hbm4b:s3+s30], $0x40, s29, s30, $0xb8;
	[tilespmem:$0x13F20] =	vst v63  }
0x64: {  	s29 =	sadd.s32 @!p0 $0x2B8, s28;
	s30 =	simm.s32 @!p0 $0x68;
	s31 =	simm.s32 @!p0 $0x7F20  }
0x65: {  	[tilespmem:s31], [sflag:$0x1] =	stream.indirect.gather @!p0 [hbm4b:s3+s30], $0x40, s29, s30, $0xb8;
	[tilespmem:$0x13F20] =	vst v63  }
0x66: {  	_ =	swait.ge [sflag:s21], $0x1800  }
0x67: {  	[sflag:s21] =	ssyncset.done $0x0  }
0x68: {  	[sflag:s21] =	ssyncadd.s32 $0xFFFFE800  }
0x69: {  	_ =	swait.ge [sflag:s21], $0x1A00  }
0x6a: {  	[sflag:s21] =	ssyncset.done $0x0  }
0x6b: {  	s29 =	simm.s32 $0x0;
	[sflag:s21] =	ssyncadd.s32 $0xFFFFE600  }
0x6c: {  	v0 =	vld [tilespmem:s29+$0x99E0]  }
0x6d: {  	v1 =	vld [tilespmem:s29+$0x99F0]  }
0x6e: {  	v3 =	vld [tilespmem:s29+$0x9A00]  }
0x6f: {  	v4 =	vld [tilespmem:s29+$0x99A0]  }
0x70: {  	v9 =	vld [tilespmem:s29+$0x99B0]  }
0x71: {  	v10 =	vld [tilespmem:s29+$0x99C0]  }
0x72: {  	v11 =	vld [tilespmem:s29+$0x9960]  }
0x73: {  	v16 =	vld [tilespmem:s29+$0x9920]  }
0x74: {  	v2 =	vimm.f32 $0.0e+00;
	v17 =	vld [tilespmem:s29+$0x9930];
	v7 =	vshll.u32 v0, $0x10;
	v8 =	vand.u32 $0xFFFF0000, v0  }
0x75: {  	v6 =	vshll.u32 v1, $0x10;
	v5 =	vand.u32 $0xFFFF0000, v1;
	v0 =	vshll.u32 v3, $0x10  }
0x76: {  	v24 =	vld [tilespmem:s29+$0x9970];
	v14 =	vshll.u32 v4, $0x10;
	v15 =	vand.u32 $0xFFFF0000, v4;
	v1 =	vand.u32 $0xFFFF0000, v3  }
0x77: {  	v12 =	vshll.u32 v9, $0x10;
	v13 =	vand.u32 $0xFFFF0000, v9;
	v3 =	vshll.u32 v10, $0x10  }
0x78: {  	v9 =	vshll.u32 v11, $0x10;
	v11 =	vand.u32 $0xFFFF0000, v11;
	v4 =	vand.u32 $0xFFFF0000, v10  }
0x79: {  	v18 =	vld [tilespmem:s29+$0x9980];
	v10 =	vshll.u32 v16, $0x10;
	v16 =	vand.u32 $0xFFFF0000, v16;
	v19 =	vshll.u32 v17, $0x10  }
0x7a: {  	v17 =	vand.u32 $0xFFFF0000, v17;
	v10 =	vadd.f32 v10, v2;
	v16 =	vadd.f32 v16, v2  }
0x7b: {  	v23 =	vshll.u32 v24, $0x10;
	v19 =	vadd.f32 v19, v2;
	v20 =	vadd.f32 v17, v2;
	v17 =	vld [tilespmem:s29+$0x9940]  }
0x7c: {  	v24 =	vand.u32 $0xFFFF0000, v24;
	v21 =	vadd.f32 v9, v10;
	v22 =	vadd.f32 v11, v16  }
0x7d: {  	s30 =	simm.s32 $0x400;
	v16 =	vld [tilespmem:s29+$0x9950];
	v11 =	vimm.f32 $0.0e+00;
	v10 =	vimm.f32 $0.0e+00;
	v9 =	vimm.f32 $0.0e+00  }
.LBB2_5:
0x7e: {  	p1 =	sne.s32 s30, $0xC400;
	v19 =	vadd.f32 v23, v19;
	v20 =	vadd.f32 v24, v20;
	v23 =	vshll.u32 v18, $0x10  }
0x7f: {  	v18 =	vand.u32 $0xFFFF0000, v18;
	v24 =	vld [tilespmem:s29+$0x9990];
	v14 =	vadd.f32 v14, v21;
	v15 =	vadd.f32 v15, v22  }
0x80: {  	v21 =	vshll.u32 v17, $0x10;
	v12 =	vadd.f32 v12, v19;
	v13 =	vadd.f32 v13, v20  }
0x81: {  	s31 =	sshra.s32 s30, $0x2;
	v17 =	vand.u32 $0xFFFF0000, v17;
	v19 =	vld [tilespmem:s29+$0x99D0];
	v20 =	vadd.f32 v7, v14;
	v22 =	vadd.f32 v8, v15  }
0x82: {  	v8 =	vld [tilespmem:s31+$0x99E0];
	v7 =	vshll.u32 v16, $0x10;
	v25 =	vadd.f32 v6, v12;
	v26 =	vadd.f32 v5, v13  }
0x83: {  	v2 =	vadd.f32 v21, v2;
	v5 =	vadd.f32 v17, v11;
	v6 =	vand.u32 $0xFFFF0000, v16;
	v12 =	vld [tilespmem:s29+$0x9A10];
	s29 =	smov.u32 s31  }
0x84: {  	v7 =	vadd.f32 v7, v10;
	v6 =	vadd.f32 v6, v9;
	v13 =	vld [tilespmem:s29+$0x99F0];
	v9 =	vshll.u32 v24, $0x10  }
0x85: {  	v2 =	vadd.f32 v23, v2;
	v5 =	vadd.f32 v18, v5;
	v10 =	vand.u32 $0xFFFF0000, v24;
	v16 =	vld [tilespmem:s29+$0x9A00]  }
0x86: {  	v7 =	vadd.f32 v9, v7;
	v6 =	vadd.f32 v10, v6;
	v15 =	vld [tilespmem:s29+$0x99A0];
	v9 =	vshll.u32 v19, $0x10  }
0x87: {  	v2 =	vadd.f32 v3, v2;
	v3 =	vadd.f32 v4, v5;
	v4 =	vand.u32 $0xFFFF0000, v19;
	v17 =	vld [tilespmem:s29+$0x99B0]  }
0x88: {  	v5 =	vadd.f32 v9, v7;
	v4 =	vadd.f32 v4, v6;
	v19 =	vld [tilespmem:s29+$0x99C0];
	v6 =	vshll.u32 v12, $0x10  }
0x89: {  	v2 =	vadd.f32 v0, v2;
	v11 =	vadd.f32 v1, v3;
	v0 =	vand.u32 $0xFFFF0000, v12;
	v18 =	vld [tilespmem:s29+$0x9960]  }
0x8a: {  	v10 =	vadd.f32 v6, v5;
	v9 =	vadd.f32 v0, v4;
	v21 =	vld [tilespmem:s29+$0x9920]  }
0x8b: {  	v7 =	vshll.u32 v8, $0x10;
	v8 =	vand.u32 $0xFFFF0000, v8;
	v23 =	vld [tilespmem:s29+$0x9930]  }
0x8c: {  	v6 =	vshll.u32 v13, $0x10;
	v5 =	vand.u32 $0xFFFF0000, v13;
	v0 =	vshll.u32 v16, $0x10  }
0x8d: {  	v1 =	vand.u32 $0xFFFF0000, v16;
	v14 =	vshll.u32 v15, $0x10;
	v15 =	vand.u32 $0xFFFF0000, v15;
	v24 =	vld [tilespmem:s29+$0x9970]  }
0x8e: {  	v12 =	vshll.u32 v17, $0x10;
	v13 =	vand.u32 $0xFFFF0000, v17;
	v3 =	vshll.u32 v19, $0x10  }
.Ltmp3:
0x8f: {  	v4 =	vand.u32 $0xFFFF0000, v19;
	v27 =	vshll.u32 v18, $0x10;
	v28 =	vand.u32 $0xFFFF0000, v18;
	v18 =	vld [tilespmem:s29+$0x9980];
	(pc) =	sbr.rel @p1 .LBB2_5-.Ltmp3, $4  }
0x90: {  	v16 =	vshll.u32 v21, $0x10;
	v17 =	vand.u32 $0xFFFF0000, v21;
	v19 =	vshll.u32 v23, $0x10  }
0x91: {  	v21 =	vadd.f32 v16, v20;
	v22 =	vadd.f32 v17, v22;
	v16 =	vand.u32 $0xFFFF0000, v23;
	v17 =	vld [tilespmem:s29+$0x9940]  }
0x92: {  	v19 =	vadd.f32 v19, v25;
	v20 =	vadd.f32 v16, v26;
	v23 =	vshll.u32 v24, $0x10  }
0x93: {  	s30 =	sadd.s32 $0x400, s30;
	v21 =	vadd.f32 v27, v21;
	v22 =	vadd.f32 v28, v22;
	v24 =	vand.u32 $0xFFFF0000, v24;
	v16 =	vld [tilespmem:s29+$0x9950]  }
0x94: {  	v19 =	vadd.f32 v23, v19;
	v20 =	vadd.f32 v24, v20  }
0x95: {  	v23 =	vshll.u32 v18, $0x10;
	v14 =	vadd.f32 v14, v21;
	v15 =	vadd.f32 v15, v22  }
0x96: {  	v18 =	vand.u32 $0xFFFF0000, v18;
	v21 =	vld [tilespmem:s29+$0x9990];
	v12 =	vadd.f32 v12, v19;
	v13 =	vadd.f32 v13, v20  }
0x97: {  	v19 =	vshll.u32 v17, $0x10;
	v7 =	vadd.f32 v7, v14;
	v8 =	vadd.f32 v8, v15  }
0x98: {  	v14 =	vand.u32 $0xFFFF0000, v17;
	v15 =	vld [tilespmem:s29+$0x99D0];
	v2 =	vadd.f32 v19, v2;
	v6 =	vadd.f32 v6, v12  }
0x99: {  	v12 =	vshll.u32 v16, $0x10;
	v5 =	vadd.f32 v5, v13;
	v11 =	vadd.f32 v14, v11  }
0x9a: {  	v13 =	vand.u32 $0xFFFF0000, v16;
	v14 =	vld [tilespmem:s29+$0x9A10];
	v10 =	vadd.f32 v12, v10;
	v2 =	vadd.f32 v23, v2  }
0x9b: {  	v9 =	vadd.f32 v13, v9;
	v12 =	vshll.u32 v21, $0x10;
	v11 =	vadd.f32 v18, v11  }
0x9c: {  	[tilespmem:s26+$0xFDA0] =	vst v7;
	v13 =	vand.u32 $0xFFFF0000, v21;
	v10 =	vadd.f32 v12, v10;
	v2 =	vadd.f32 v3, v2  }
0x9d: {  	[tilespmem:s26+$0xFDB0] =	vst v8;
	v3 =	vadd.f32 v13, v9;
	v7 =	vshll.u32 v15, $0x10;
	v4 =	vadd.f32 v4, v11  }
0x9e: {  	[tilespmem:s26+$0xFDC0] =	vst v6;
	v8 =	vand.u32 $0xFFFF0000, v15;
	v7 =	vadd.f32 v7, v10;
	v0 =	vadd.f32 v0, v2  }
0x9f: {  	[tilespmem:s26+$0xFDD0] =	vst v5;
	v2 =	vadd.f32 v8, v3;
	v3 =	vshll.u32 v14, $0x10;
	v1 =	vadd.f32 v1, v4  }
0xa0: {  	v4 =	vand.u32 $0xFFFF0000, v14;
	v3 =	vadd.f32 v3, v7;
	[tilespmem:s26+$0xFDE0] =	vst v0  }
0xa1: {  	v0 =	vadd.f32 v4, v2;
	[tilespmem:s26+$0xFDF0] =	vst v1  }
0xa2: {  	[tilespmem:s26+$0xFE00] =	vst v3  }
0xa3: {  	s30 =	simm.s32 @!p0 $0x60;
	s31 =	simm.s32 @!p0 $0x9920;
	s29 =	sadd.s32 @!p0 $0x320, s28;
	[tilespmem:s26+$0xFE10] =	vst v0  }
0xa4: {  	[tilespmem:s31], [sflag:$0x2] =	stream.indirect.gather @!p0 [hbm4b:s3+s30], $0x40, s29, s30, $0xb8;
	[tilespmem:$0x13F20] =	vst v63  }
0xa5: {  	s28 =	sadd.s32 @!p0 $0x380, s28;
	s29 =	simm.s32 @!p0 $0x68;
	s30 =	simm.s32 @!p0 $0xB120  }
0xa6: {  	[tilespmem:s30], [sflag:$0x2] =	stream.indirect.gather @!p0 [hbm4b:s3+s29], $0x40, s28, s29, $0xb8;
	[tilespmem:$0x13F20] =	vst v63  }
0xa7: {  	_ =	swait.ge [sflag:s22], $0x1800  }
0xa8: {  	[sflag:s22] =	ssyncset.done $0x0  }
0xa9: {  	[sflag:s22] =	ssyncadd.s32 $0xFFFFE800  }
0xaa: {  	_ =	swait.ge [sflag:s22], $0x1A00  }
0xab: {  	[sflag:s22] =	ssyncset.done $0x0  }
0xac: {  	s28 =	simm.s32 $0x0;
	[sflag:s22] =	ssyncadd.s32 $0xFFFFE600  }
0xad: {  	v0 =	vld [tilespmem:s28+$0xCBE0]  }
0xae: {  	v1 =	vld [tilespmem:s28+$0xCBF0]  }
0xaf: {  	v3 =	vld [tilespmem:s28+$0xCC00]  }
0xb0: {  	v4 =	vld [tilespmem:s28+$0xCBA0]  }
0xb1: {  	v9 =	vld [tilespmem:s28+$0xCBB0]  }
0xb2: {  	v10 =	vld [tilespmem:s28+$0xCBC0]  }
0xb3: {  	v11 =	vld [tilespmem:s28+$0xCB60]  }
0xb4: {  	v16 =	vld [tilespmem:s28+$0xCB20]  }
0xb5: {  	v2 =	vimm.f32 $0.0e+00;
	v17 =	vld [tilespmem:s28+$0xCB30];
	v7 =	vshll.u32 v0, $0x10;
	v8 =	vand.u32 $0xFFFF0000, v0  }
0xb6: {  	v6 =	vshll.u32 v1, $0x10;
	v5 =	vand.u32 $0xFFFF0000, v1;
	v0 =	vshll.u32 v3, $0x10  }
0xb7: {  	v24 =	vld [tilespmem:s28+$0xCB70];
	v14 =	vshll.u32 v4, $0x10;
	v15 =	vand.u32 $0xFFFF0000, v4;
	v1 =	vand.u32 $0xFFFF0000, v3  }
0xb8: {  	v12 =	vshll.u32 v9, $0x10;
	v13 =	vand.u32 $0xFFFF0000, v9;
	v3 =	vshll.u32 v10, $0x10  }
0xb9: {  	v9 =	vshll.u32 v11, $0x10;
	v11 =	vand.u32 $0xFFFF0000, v11;
	v4 =	vand.u32 $0xFFFF0000, v10  }
0xba: {  	v18 =	vld [tilespmem:s28+$0xCB80];
	v10 =	vshll.u32 v16, $0x10;
	v16 =	vand.u32 $0xFFFF0000, v16;
	v19 =	vshll.u32 v17, $0x10  }
0xbb: {  	v17 =	vand.u32 $0xFFFF0000, v17;
	v10 =	vadd.f32 v10, v2;
	v16 =	vadd.f32 v16, v2  }
0xbc: {  	v23 =	vshll.u32 v24, $0x10;
	v19 =	vadd.f32 v19, v2;
	v20 =	vadd.f32 v17, v2;
	v17 =	vld [tilespmem:s28+$0xCB40]  }
0xbd: {  	v24 =	vand.u32 $0xFFFF0000, v24;
	v21 =	vadd.f32 v9, v10;
	v22 =	vadd.f32 v11, v16  }
0xbe: {  	s29 =	simm.s32 $0x400;
	v16 =	vld [tilespmem:s28+$0xCB50];
	v11 =	vimm.f32 $0.0e+00;
	v10 =	vimm.f32 $0.0e+00;
	v9 =	vimm.f32 $0.0e+00  }
.LBB2_7:
0xbf: {  	p1 =	sne.s32 s29, $0xC400;
	v19 =	vadd.f32 v23, v19;
	v20 =	vadd.f32 v24, v20;
	v23 =	vshll.u32 v18, $0x10  }
0xc0: {  	v18 =	vand.u32 $0xFFFF0000, v18;
	v24 =	vld [tilespmem:s28+$0xCB90];
	v14 =	vadd.f32 v14, v21;
	v15 =	vadd.f32 v15, v22  }
0xc1: {  	v21 =	vshll.u32 v17, $0x10;
	v12 =	vadd.f32 v12, v19;
	v13 =	vadd.f32 v13, v20  }
0xc2: {  	s30 =	sshra.s32 s29, $0x2;
	v17 =	vand.u32 $0xFFFF0000, v17;
	v19 =	vld [tilespmem:s28+$0xCBD0];
	v20 =	vadd.f32 v7, v14;
	v22 =	vadd.f32 v8, v15  }
0xc3: {  	v8 =	vld [tilespmem:s30+$0xCBE0];
	v7 =	vshll.u32 v16, $0x10;
	v25 =	vadd.f32 v6, v12;
	v26 =	vadd.f32 v5, v13  }
0xc4: {  	v2 =	vadd.f32 v21, v2;
	v5 =	vadd.f32 v17, v11;
	v6 =	vand.u32 $0xFFFF0000, v16;
	v12 =	vld [tilespmem:s28+$0xCC10];
	s28 =	smov.u32 s30  }
0xc5: {  	v7 =	vadd.f32 v7, v10;
	v6 =	vadd.f32 v6, v9;
	v13 =	vld [tilespmem:s28+$0xCBF0];
	v9 =	vshll.u32 v24, $0x10  }
0xc6: {  	v2 =	vadd.f32 v23, v2;
	v5 =	vadd.f32 v18, v5;
	v10 =	vand.u32 $0xFFFF0000, v24;
	v16 =	vld [tilespmem:s28+$0xCC00]  }
0xc7: {  	v7 =	vadd.f32 v9, v7;
	v6 =	vadd.f32 v10, v6;
	v15 =	vld [tilespmem:s28+$0xCBA0];
	v9 =	vshll.u32 v19, $0x10  }
0xc8: {  	v2 =	vadd.f32 v3, v2;
	v3 =	vadd.f32 v4, v5;
	v4 =	vand.u32 $0xFFFF0000, v19;
	v17 =	vld [tilespmem:s28+$0xCBB0]  }
0xc9: {  	v5 =	vadd.f32 v9, v7;
	v4 =	vadd.f32 v4, v6;
	v19 =	vld [tilespmem:s28+$0xCBC0];
	v6 =	vshll.u32 v12, $0x10  }
0xca: {  	v2 =	vadd.f32 v0, v2;
	v11 =	vadd.f32 v1, v3;
	v0 =	vand.u32 $0xFFFF0000, v12;
	v18 =	vld [tilespmem:s28+$0xCB60]  }
0xcb: {  	v10 =	vadd.f32 v6, v5;
	v9 =	vadd.f32 v0, v4;
	v21 =	vld [tilespmem:s28+$0xCB20]  }
0xcc: {  	v7 =	vshll.u32 v8, $0x10;
	v8 =	vand.u32 $0xFFFF0000, v8;
	v23 =	vld [tilespmem:s28+$0xCB30]  }
0xcd: {  	v6 =	vshll.u32 v13, $0x10;
	v5 =	vand.u32 $0xFFFF0000, v13;
	v0 =	vshll.u32 v16, $0x10  }
0xce: {  	v1 =	vand.u32 $0xFFFF0000, v16;
	v14 =	vshll.u32 v15, $0x10;
	v15 =	vand.u32 $0xFFFF0000, v15;
	v24 =	vld [tilespmem:s28+$0xCB70]  }
0xcf: {  	v12 =	vshll.u32 v17, $0x10;
	v13 =	vand.u32 $0xFFFF0000, v17;
	v3 =	vshll.u32 v19, $0x10  }
.Ltmp4:
0xd0: {  	v4 =	vand.u32 $0xFFFF0000, v19;
	v27 =	vshll.u32 v18, $0x10;
	v28 =	vand.u32 $0xFFFF0000, v18;
	v18 =	vld [tilespmem:s28+$0xCB80];
	(pc) =	sbr.rel @p1 .LBB2_7-.Ltmp4, $4  }
0xd1: {  	v16 =	vshll.u32 v21, $0x10;
	v17 =	vand.u32 $0xFFFF0000, v21;
	v19 =	vshll.u32 v23, $0x10  }
0xd2: {  	v21 =	vadd.f32 v16, v20;
	v22 =	vadd.f32 v17, v22;
	v16 =	vand.u32 $0xFFFF0000, v23;
	v17 =	vld [tilespmem:s28+$0xCB40]  }
0xd3: {  	v19 =	vadd.f32 v19, v25;
	v20 =	vadd.f32 v16, v26;
	v23 =	vshll.u32 v24, $0x10  }
0xd4: {  	s29 =	sadd.s32 $0x400, s29;
	v21 =	vadd.f32 v27, v21;
	v22 =	vadd.f32 v28, v22;
	v24 =	vand.u32 $0xFFFF0000, v24;
	v16 =	vld [tilespmem:s28+$0xCB50]  }
0xd5: {  	v19 =	vadd.f32 v23, v19;
	v20 =	vadd.f32 v24, v20  }
0xd6: {  	v46 =	vshll.u32 v18, $0x10;
	v14 =	vadd.f32 v14, v21;
	v15 =	vadd.f32 v15, v22  }
0xd7: {  	v48 =	vld [tilespmem:s28+$0xCB90];
	v12 =	vadd.f32 v12, v19;
	v13 =	vadd.f32 v13, v20;
	v49 =	vshll.u32 v17, $0x10  }
0xd8: {  	v50 =	vand.u32 $0xFFFF0000, v17;
	v7 =	vadd.f32 v7, v14;
	v8 =	vadd.f32 v8, v15  }
0xd9: {  	v47 =	vand.u32 $0xFFFF0000, v18;
	v51 =	vld [tilespmem:s28+$0xCBD0];
	v2 =	vadd.f32 v49, v2;
	v11 =	vadd.f32 v50, v11  }
0xda: {  	v6 =	vadd.f32 v6, v12;
	v52 =	vshll.u32 v16, $0x10;
	v5 =	vadd.f32 v5, v13  }
0xdb: {  	v54 =	vld [tilespmem:s28+$0xCC10];
	v53 =	vand.u32 $0xFFFF0000, v16;
	v10 =	vadd.f32 v52, v10;
	v2 =	vadd.f32 v46, v2  }
0xdc: {  	v9 =	vadd.f32 v53, v9;
	v55 =	vshll.u32 v48, $0x10;
	v11 =	vadd.f32 v47, v11  }
0xdd: {  	v56 =	vand.u32 $0xFFFF0000, v48;
	[tilespmem:s26+$0xFE20] =	vst v7;
	v10 =	vadd.f32 v55, v10;
	v2 =	vadd.f32 v3, v2  }
0xde: {  	v58 =	vshll.u32 v51, $0x10;
	[tilespmem:s26+$0xFE30] =	vst v8;
	v57 =	vadd.f32 v56, v9;
	v4 =	vadd.f32 v4, v11  }
0xdf: {  	v59 =	vand.u32 $0xFFFF0000, v51;
	[tilespmem:s26+$0xFE40] =	vst v6;
	v7 =	vadd.f32 v58, v10;
	v0 =	vadd.f32 v0, v2  }
.Ltmp5:
0xe0: {  	v61 =	vshll.u32 v54, $0x10;
	[tilespmem:s26+$0xFE50] =	vst v5;
	v60 =	vadd.f32 v59, v57;
	v1 =	vadd.f32 v1, v4;
	(pc) =	sbr.rel @p0 .LBB2_10-.Ltmp5, $4  }
0xe1: {  	v62 =	vand.u32 $0xFFFF0000, v54;
	v3 =	vadd.f32 v61, v7;
	[tilespmem:s26+$0xFE60] =	vst v0  }
0xe2: {  	v63 =	vadd.f32 v62, v60;
	[tilespmem:s26+$0xFE70] =	vst v1  }
0xe3: {  	[tilespmem:s26+$0xFE80] =	vst v3  }
0xe4: {  	[tilespmem:s26+$0xFE90] =	vst v63  }
0xe5: {  	s26 =	smul.u32 $0x960, s25;
	_ =	sdelay $0x1  }
.Ltmp6:
0xe6: {  	s26 =	sshra.s32 s26, $0x2;
	(pc) =	sbr.rel .LBB2_2-.Ltmp6, $4  }
0xe7: {  	s28 =	sadd.s32 $0x3E8, s26  }
0xe8: {  	[tilespmem:s17], [sflag:$0x3] =	stream.indirect.gather [hbm4b:s3+s8], $0x40, s28, s8, $0xb8;
	[tilespmem:$0x13F20] =	vst v63  }
0xe9: {  	s25 =	sadd.s32 $0x1, s25;
	s26 =	sadd.s32 $0x448, s26  }
0xea: {  	[tilespmem:s19], [sflag:$0x3] =	stream.indirect.gather [hbm4b:s3+s10], $0x40, s26, s10, $0xb8;
	[tilespmem:$0x13F20] =	vst v63  }
.LBB2_11:
0xeb: {  	_ =	sfence.sel $0x180000  }
0xec: {  	[bflag:$0x0] =	sbarrier.arrive $0xFFFF  }
0xed: {  	p0 =	sne.s32 s0, $0x0;
	_ =	strace $0x9000004A  }
0xee: {  	s0 =	sadd.s32 @!p0 $0x100000, s1;
	[bflag:$0x2] =	sbarrier.arrive $0xFFFF  }
0xef: {  	[sflag:s0] =	ssyncadd.tile.s32 @!p0 $0x1;
	_ =	shalt  }
.Lfunc_end2:
_tile_overlayer_lowered:
.L_overlay_start_2:
0xf0: {  	(tag) =	ssettag $0x2  }
0xf1: {  	s0 =	rddreg [dreg:$0x0];
	s2 =	stileid.u32  }
0xf2: {  	s1 =	rddreg [dreg:$0x1];
	p0 =	sne.s32 s2, $0x0  }
0xf3: {  	s3 =	rddreg [dreg:$0x2];
	[bflag:$0x3] =	sbarrier.arrive $0xFFFF;
	s2 =	simm.s32 @!p0 $0x1C04  }
0xf4: {  	[timem:s3], [sflag:s2] =	dma.local @!p0 [hbm:s0], s1  }
0xf5: {  	s0 =	simm.s32 @!p0 $0x4  }
0xf6: {  	_ =	swait.ge @!p0 [sflag:s0], s1  }
0xf7: {  	s1 =	ssub.s32 @!p0 $0x0, s1;
	[sflag:s0] =	ssyncset.done @!p0 $0x0  }
0xf8: {  	[sflag:s0] =	ssyncadd.s32 @!p0 s1  }
0xf9: {  	[bflag:$0x3] =	sbarrier.arrive $0xFFFF  }
0xfa: {  	_ =	shalt  }

// kernel: sparse-core-data-format-call.cloned.1.call-start
scs
called_computation_lowered:
.L_overlay_start_0:
0x0: {  	s1 =	sld [smem:$0x3FD9]  }
0x1: {  	s2 =	sld [smem:$0x3FFE];
	_ =	sdelay $0x1  }
0x2: {  	s3 =	srdreg.scid  }
0x3: {  	s0 =	sand.u32 $0x1, s3  }
0x4: {  	s17 =	sshll.u32 s0, $0xA;
	s1 =	sadd.s32 s2, s1  }
0x5: {  	s1 =	sadd.s32 s1, s17  }
0x6: {  	[smem:$0x3FB3] =	sst s1  }
0x7: {  	_ = 	snop  }
0x8: {  	(tm) =	ssettm $0x1  }
0x9: {  	s18 =	sld [smem:$0x3FFB];
	_ =	sdelay $0x3  }
0xa: {  	_ =	strace s18  }
0xb: {  	s1 =	sld [smem:$0x3FFC];
	_ =	sdelay $0x3  }
0xc: {  	_ =	strace s1  }
0xd: {  	s1 =	sld [smem:$0x3FFD];
	_ =	sdelay $0x3  }
0xe: {  	_ =	strace s1  }
0xf: {  	_ =	strace $0x8FFFFFFF  }
0x10: {  	s19 =	sld [smem:$0x3FDB];
	_ =	sdelay $0x1  }
0x11: {  	s20 =	simm.s32 $_scs_section_size  }
0x12: {  	s4 =	simm.s32 $_size__tile_overlayer_lowered;
	s5 =	simm.s32 $_tile_overlayer_lowered  }
0x13: {  	s23 =	simm.s32 $0x1BFF;
	s22 =	sshll.u32 s5, $0x1;
	s1 =	sadd.s32 s20, s19  }
0x14: {  	s6 =	simm.s32 $0x0;
	s21 =	sshll.u32 s4, $0x1;
	s4 =	sadd.s32 s22, s1  }
0x15: {  	[timem:s6], [sflag:s23] =	dma.local [hbm:s4], s21  }
0x16: {  	_ =	swait.ge [sflag:s23], s21  }
0x17: {  	s2 =	ssub.s32 $0x0, s21;
	[sflag:s23] =	ssyncset.done $0x0  }
0x18: {  	[sflag:s23] =	ssyncadd.s32 s2;
	_ =	sdelay $0x1  }
0x19: {  	s24 =	simm.s32 $0x1B8B  }
0x1a: {  	_ =	swait.ge [sflag:s24], $0x1  }
0x1b: {  	[sflag:s24] =	ssyncset.done $0x0  }
0x1c: {  	s26 =	simm.s32 $0x1B8E;
	s25 =	sld [smem:$0x3FFE];
	[sflag:s24] =	ssyncadd.s32 $0xFFFFFFFF  }
0x1d: {  	s27 =	simm.s32 $execute0_lowered;
	[smem:$0x3FD2] =	sst s26  }
0x1e: {  	s4 =	sshll.u32 s27, $0x1;
	_ =	strace $0x80000046;
	[dreg:$0x1] =	wrdreg $0xFFFFFFFF  }
0x1f: {  	s28 =	simm.s32 $_size_execute0_lowered;
	s1 =	sadd.s32 s1, s4;
	[dreg:$0x0] =	wrdreg $0x0  }
0x20: {  	s4 =	sshll.u32 s28, $0x1;
	[dreg:$0x2] =	wrdreg s1  }
0x21: {  	[dreg:$0x3] =	wrdreg s4  }
0x22: {  	[dreg:$0x4] =	wrdreg $0xC0  }
0x23: {  	_ =	task [dreg:s6], $0x5FFFF  }
0x24: {  	[dreg:$0x1] =	wrdreg $0xFFFFFFFF  }
0x25: {  	[dreg:$0x0] =	wrdreg $0x60  }
0x26: {  	[dreg:$0x2] =	wrdreg s25  }
0x27: {  	[dreg:$0x3] =	wrdreg $0x9  }
0x28: {  	_ =	task.clear_ibuf [dreg:s6], $0x4FFFF;
	_ =	strace $0x90000046  }
0x29: {  	s29 =	simm.s32 $0x9;
	_ =	strace $0x80000048  }
0x2a: {  	_ =	swait.ge [sflag:s29], $0x1  }
0x2b: {  	[sflag:s29] =	ssyncadd.s32 $0xFFFFFFFF  }
0x2c: {  	_ =	strace $0x90000048  }
0x2d: {  	_ =	sfence  }
0x2e: {  	s30 =	sld [smem:$0x0];
	_ =	sdelay $0x2  }
0x2f: {  	s31 =	sshll.u32 s3, $0xD;
	s3 =	sshrl.u32 s3, $0x2  }
0x30: {  	s2 =	sand.u32 $0x4000, s31;
	s1 =	sadd.s32 s3, s30  }
0x31: {  	s0 =	sor.u32 s2, s0;
	s1 =	sshll.u32 s1, $0x11  }
0x32: {  	s0 =	sor.u32 s1, s0  }
0x33: {  	s0 =	sadd.s32 $0x8F2B, s0  }
0x34: {  	[sflag:s0] =	ssyncadd.remote.s32 $0x1  }
0x35: {  	_ =	sfence.sel $0xFFFF  }
0x36: {  	[dreg:$0x0] =	wrdreg $0xFFFFFFFF;
	(pc) =	sbr.abs _section_cstart, $3  }
0x37: {  	[dreg:$0x1] =	wrdreg $0xFFFFFFFF  }
0x38: {  	_ =	task.clear_ibuf [dreg:s6], $0x2FFFF;
	_ =	strace $0x9FFFFFFF  }
0x39: {  	(tm) =	ssettm $0x7FFFFFFF  }
tec
execute0_lowered:
.L_overlay_start_1:
0x0: {  	(tag) =	ssettag $0x1  }
0x1: {  	s0 =	srdreg.scid  }
0x2: {  	s4 =	rddreg [dreg:$0x0];
	s1 =	stileid.u32  }
0x3: {  	s5 =	simm.s32 $0x1;
	s7 =	simm.s32 $0x2;
	s0 =	sshll.u32 s0, $0x4  }
0x4: {  	s11 =	simm.s32 $0x0;
	p0 =	por $0x0, $0x0;
	s2 =	sand.u32 $0x10, s0  }
.Ltmp0:
0x5: {  	s8 =	simm.s32 $0xC3800;
	s3 =	sor.u32 s1, s2;
	(pc) =	sbr.rel .LBB1_1-.Ltmp0, $4  }
0x6: {  	s10 =	simm.s32 $0x0;
	s0 =	rddreg [dreg:$0x1];
	s3 =	sshll.u32 s3, $0x7  }
0x7: {  	_ =	strace $0x80000047;
	s2 =	sadd.s32 $0x3600, s4;
	s6 =	ssub.s32 $0x18680, s3  }
0x8: {  	s4 =	sadd.s32 $0x18A200, s4;
	[sflag:s5] =	ssyncpa.u1 $0x0;
	s6 =	sshrl.u32 s6, $0xC  }
0x9: {  	[sflag:s7] =	ssyncpa.u1 $0x0;
	s9 =	smov.u32 s3;
	s7 =	sadd.s32 $0x2, s6  }
.LBB1_5:
0xa: {  	s13 =	sadd.s32 $0x1000, s9  }
0xb: {  	p2 =	sgt.s32 s13, $0x186A0  }
0xc: {  	s13 =	smov.u32 @p2 s3;
	p2 =	sne.s32 s10, s7  }
.Ltmp1:
0xd: {  	p1 =	slt.u32 s10, $0x2;
	(pc) =	sbr.rel @!p2 .LBB1_6-.Ltmp1, $4  }
0xe: {  	s12 =	simm.s32 @!p1 $0x2  }
0xf: {  	s14 =	sadd.s32 $0x1, s10;
	_ =	swait.ge @!p1 [sflag:s12], $0x4000  }
0x10: {  	s11 =	smov.u32 s9;
	p0 =	por !p0, !p0;
	[sflag:s12] =	ssyncset.done @!p1 $0x0  }
0x11: {  	s10 =	smov.u32 s14;
	s9 =	smov.u32 s13;
	[sflag:s12] =	ssyncadd.s32 @!p1 $0xFFFFC000  }
.LBB1_1:
0x12: {  	p1 =	sgt.u32 s10, s6  }
0x13: {  	s12 =	sand.u32 @!p1 $0x1FFFFFF, s9  }
0x14: {  	p2 =	sgt.s32 @!p1 s9, $0x18628;
	s13 =	smulhi.u32 @!p1 $0xA7C23D, s12  }
0x15: {  	s14 =	smov.u32 s9;
	s15 =	sshra.s32 @!p1 s9, $0x1F;
	p2 =	por !p2, p1  }
0x16: {  	s15 =	sand.u32 @!p1 s15, s9;
	s14 =	simm.s32 @p2 $0x18628;
	s13 =	sshrl.u32 @!p1 s13, $0x8  }
0x17: {  	s14 =	ssub.s32 @!p1 s14, s15;
	s13 =	smul.u32 @!p1 $0x186A8, s13  }
0x18: {  	s15 =	sxor.u32 @!p1 $0xFFFFFFFF, s10;
	s14 =	sadd.s32 @!p1 $0xFFFE79D8, s14  }
0x19: {  	s15 =	sshll.u32 @!p1 s15, $0xE;
	s12 =	ssub.s32 @!p1 s12, s13;
	s13 =	sshll.u32 @!p1 s14, $0x9  }
0x1a: {  	s15 =	sand.u32 @!p1 $0x4000, s15;
	p2 =	sgt.s32 @!p1 s14, $0x7F;
	s13 =	ssub.s32 @!p1 $0x10000, s13  }
0x1b: {  	p2 =	por !p2, p1;
	s12 =	sshll.u32 @!p1 s12, $0x4;
	s13 =	sshrl.u32 @!p1 s13, $0x2  }
0x1c: {  	s14 =	simm.s32 @!p1 $0x0;
	s12 =	sadd.s32 @!p1 s2, s12;
	s13 =	simm.s32 @!p2 $0x0  }
0x1d: {  	[tilespmem:s15], [sflag:$0x1] =	stream.linear.gather @!p1 [hbm4b:s12+s14], s13, $0x38;
	[tilespmem:$0x10100] =	vst v63  }
0x1e: {  	p1 =	seq.s32 s10, $0x0  }
0x1f: {  	p2 =	sge.u32 @!p1 s10, s7  }
0x20: {  	p1 =	por p1, p2  }
.Ltmp2:
0x21: {  	_ = 	snop;
	(pc) =	sbr.rel @p1 .LBB1_5-.Ltmp2, $1  }
0x22: {  	_ =	sdelay $0x3  }
0x23: {  	p1 =	sgt.s32 s11, $0x18628;
	s12 =	smov.u32 s11;
	s13 =	sshra.s32 s11, $0x1F  }
0x24: {  	s12 =	simm.s32 @!p1 $0x18628;
	s13 =	sand.u32 s13, s11  }
0x25: {  	s12 =	ssub.s32 s12, s13  }
0x26: {  	s12 =	sadd.s32 $0xFFFE79D8, s12  }
0x27: {  	s29 =	sshll.u32 s12, $0x9  }
0x28: {  	s13 =	ssub.s32 $0x10000, s29  }
0x29: {  	p1 =	sgt.s32 s12, $0x7F;
	s12 =	sshrl.u32 s13, $0x2  }
0x2a: {  	s13 =	simm.s32 $0x1;
	s12 =	simm.s32 @p1 $0x0  }
0x2b: {  	s13 =	simm.s32 @!p0 $0x0;
	_ =	swait.ge [sflag:s5], s12  }
0x2c: {  	s14 =	sshll.u32 s13, $0xE;
	s12 =	ssub.s32 $0x0, s12;
	[sflag:s5] =	ssyncset.done $0x0  }
0x2d: {  	s15 =	sor.u32 $0x40, s14;
	[sflag:s5] =	ssyncadd.s32 s12  }
0x2e: {  	s30 =	smul.u32 $0x10200, s13;
	v0 =	vld [tilespmem:s15+$0x30]  }
0x2f: {  	v1 =	vld [tilespmem:s15+$0xFFFFFFD0]  }
0x30: {  	s12 =	sshrl.u32 s30, $0x2;
	v5 =	vld [tilespmem:s15+$0xFFFFFFE0]  }
0x31: {  	s13 =	sor.u32 $0x8000, s12;
	v6 =	vld [tilespmem:s15+$0xFFFFFFF0]  }
0x32: {  	s31 =	sand.u32 $0x1, s10;
	v3 =	vld [tilespmem:s15+$0x0];
	s14 =	sadd.s32 $0x0, s13  }
0x33: {  	s12 =	smul.u32 $0x10200, s31;
	v4 =	vld [tilespmem:s15+$0x10];
	[tilespmem:s14+$0x3870 ss:$0x81] =	vst.msk $0xffff, v0  }
0x34: {  	v2 =	vld [tilespmem:s15+$0x20];
	[tilespmem:s14+$0x810 ss:$0x81] =	vst.msk $0xffff, v1  }
0x35: {  	s12 =	sshrl.u32 s12, $0x2;
	v0 =	vld [tilespmem:s15+$0xFFFFFFC0];
	[tilespmem:s14+$0x1020 ss:$0x81] =	vst.msk $0xffff, v5;
	s15 =	sadd.s32 $0x80, s15  }
0x36: {  	s16 =	simm.s32 $0x4;
	s17 =	simm.s32 $0x8;
	s12 =	sor.u32 $0x8000, s12;
	[tilespmem:s14+$0x1830 ss:$0x81] =	vst.msk $0xffff, v6;
	v1 =	vld [tilespmem:s15+$0x30]  }
.LBB1_3:
0x37: {  	p1 =	sne.s32 s17, $0x1FC;
	v5 =	vld [tilespmem:s15+$0xFFFFFFD0];
	[tilespmem:s14+$0x2040 ss:$0x81] =	vst.msk $0xffff, v3  }
0x38: {  	v6 =	vld [tilespmem:s15+$0xFFFFFFE0];
	[tilespmem:s14+$0x2850 ss:$0x81] =	vst.msk $0xffff, v4  }
0x39: {  	s18 =	sshra.s32 s16, $0x2;
	s16 =	smov.u32 s17;
	v7 =	vld [tilespmem:s15+$0xFFFFFFF0];
	[tilespmem:s14+$0x3060 ss:$0x81] =	vst.msk $0xffff, v2  }
.Ltmp3:
0x3a: {  	v3 =	vld [tilespmem:s15+$0x0];
	[tilespmem:s14+$0x0 ss:$0x81] =	vst.msk $0xffff, v0;
	s14 =	sadd.s32 s18, s13;
	(pc) =	sbr.rel @p1 .LBB1_3-.Ltmp3, $4  }
0x3b: {  	v4 =	vld [tilespmem:s15+$0x10];
	[tilespmem:s14+$0x3870 ss:$0x81] =	vst.msk $0xffff, v1  }
0x3c: {  	[tilespmem:s14+$0x810 ss:$0x81] =	vst.msk $0xffff, v5;
	v2 =	vld [tilespmem:s15+$0x20]  }
0x3d: {  	v0 =	vld [tilespmem:s15+$0xFFFFFFC0];
	[tilespmem:s14+$0x1020 ss:$0x81] =	vst.msk $0xffff, v6;
	s15 =	sadd.s32 $0x80, s15  }
0x3e: {  	s17 =	sadd.s32 $0x4, s17;
	v1 =	vld [tilespmem:s15+$0x30];
	[tilespmem:s14+$0x1830 ss:$0x81] =	vst.msk $0xffff, v7  }
0x3f: {  	v5 =	vld [tilespmem:s15+$0xFFFFFFD0];
	[tilespmem:s14+$0x2040 ss:$0x81] =	vst.msk $0xffff, v3;
	s17 =	sshll.u32 s11, $0x3  }
0x40: {  	v58 =	vld [tilespmem:s15+$0xFFFFFFE0];
	s25 =	sand.u32 $0x7F, s11;
	[tilespmem:s14+$0x2850 ss:$0x81] =	vst.msk $0xffff, v4;
	s17 =	sand.u32 $0xFFFFFC00, s17  }
0x41: {  	s16 =	sshra.s32 s16, $0x2;
	v59 =	vld [tilespmem:s15+$0xFFFFFFF0];
	[tilespmem:s14+$0x3060 ss:$0x81] =	vst.msk $0xffff, v2;
	s11 =	sor.u32 s25, s17  }
0x42: {  	v60 =	vld [tilespmem:s15+$0x0];
	s13 =	sadd.s32 s16, s13;
	[tilespmem:s14+$0x0 ss:$0x81] =	vst.msk $0xffff, v0;
	s26 =	smulhi.u32 $0xA79C7B17, s11  }
0x43: {  	v61 =	vld [tilespmem:s15+$0x10];
	[tilespmem:s13+$0x3870 ss:$0x81] =	vst.msk $0xffff, v1  }
0x44: {  	v62 =	vld [tilespmem:s15+$0x20];
	s27 =	smulhi.u32 $0xA79C7B17, s17;
	[tilespmem:s13+$0x810 ss:$0x81] =	vst.msk $0xffff, v5;
	s14 =	sshrl.u32 s26, $0x10  }
0x45: {  	v63 =	vld [tilespmem:s15+$0xFFFFFFC0];
	[tilespmem:s13+$0x1020 ss:$0x81] =	vst.msk $0xffff, v58;
	s14 =	smul.u32 $0x18700, s14  }
0x46: {  	s28 =	sshrl.u32 s27, $0x10;
	[tilespmem:s13+$0x1830 ss:$0x81] =	vst.msk $0xffff, v59  }
.Ltmp4:
0x47: {  	[tilespmem:s13+$0x2040 ss:$0x81] =	vst.msk $0xffff, v60;
	s29 =	sand.u32 $0x7F, s28;
	s11 =	ssub.s32 s11, s14;
	(pc) =	sbr.rel .LBB1_5-.Ltmp4, $4  }
0x48: {  	[tilespmem:s13+$0x2850 ss:$0x81] =	vst.msk $0xffff, v61;
	s14 =	smul.u32 $0x30E0, s29;
	s30 =	sshrl.u32 s11, $0x3;
	s11 =	sand.u32 $0x7, s11  }
0x49: {  	[tilespmem:s13+$0x3060 ss:$0x81] =	vst.msk $0xffff, v62;
	s15 =	sadd.s32 s4, s30;
	s11 =	sshll.u32 s11, $0x12  }
0x4a: {  	[tilespmem:s13+$0x0 ss:$0x81] =	vst.msk $0xffff, v63;
	s31 =	sadd.s32 s14, s15;
	s11 =	sor.u32 $0x400, s11  }
0x4b: {  	[hbm4b:s31+s11] =	stream.strided.scatter [tilespmem:s12], [sflag:$0x2], $0x4000, s8, s11, $0x20;
	[tilespmem:$0x10100] =	vst v63  }
.LBB1_6:
0x4c: {  	_ =	sfence.sel $0x180000  }
0x4d: {  	s2 =	simm.s32 $0x1;
	[bflag:$0x0] =	sbarrier.arrive $0xFFFF  }
0x4e: {  	s31 =	simm.s32 $0x2;
	[sflag:s2] =	ssyncpa.u1 $0x1  }
0x4f: {  	[sflag:s31] =	ssyncpa.u1 $0x1  }
0x50: {  	p0 =	sne.s32 s1, $0x0;
	_ =	strace $0x90000047  }
0x51: {  	s0 =	sadd.s32 @!p0 $0x100000, s0;
	[bflag:$0x2] =	sbarrier.arrive $0xFFFF  }
0x52: {  	[sflag:s0] =	ssyncadd.tile.s32 @!p0 $0x1;
	_ =	shalt  }
.Lfunc_end1:
_tile_overlayer_lowered:
.L_overlay_start_2:
0x53: {  	(tag) =	ssettag $0x2  }
0x54: {  	s0 =	rddreg [dreg:$0x0];
	s2 =	stileid.u32  }
0x55: {  	s1 =	rddreg [dreg:$0x1];
	p0 =	sne.s32 s2, $0x0  }
0x56: {  	s3 =	rddreg [dreg:$0x2];
	[bflag:$0x3] =	sbarrier.arrive $0xFFFF;
	s2 =	simm.s32 @!p0 $0x1C01  }
0x57: {  	[timem:s3], [sflag:s2] =	dma.local @!p0 [hbm:s0], s1  }
0x58: {  	s0 =	simm.s32 @!p0 $0x1  }
0x59: {  	_ =	swait.ge @!p0 [sflag:s0], s1  }
0x5a: {  	s1 =	ssub.s32 @!p0 $0x0, s1;
	[sflag:s0] =	ssyncset.done @!p0 $0x0  }
0x5b: {  	[sflag:s0] =	ssyncadd.s32 @!p0 s1  }
0x5c: {  	[bflag:$0x3] =	sbarrier.arrive $0xFFFF  }
0x5d: {  	_ =	shalt  }

</sc_bundles>
